<compile_context>
chip_gen: v7x
topology: tpu7x:2x2x1
jax: 0.10.2.dev20260603
libtpu: 0.0.44.dev20260713+nightly
codegen_flags: <defaults>
</compile_context>

<pallas_src>
import functools
import math

import jax
import jax.numpy as jnp
from jax import lax
from jax.experimental import pallas as pl
from jax.experimental.pallas import tpu as pltpu
from jax.experimental.pallas import tpu_sc as plsc

D_MODEL = 64
SCALE = math.sqrt(D_MODEL)
LANES = 16
CHUNK = 128
NBUF = 10
LEAD = 5


@functools.partial(jax.jit, static_argnums=(2,))
def _embed(x_flat, table, b_flat):
    info = plsc.get_sparse_core_info()
    nc, ns = info.num_cores, info.num_subcores
    nw = nc * ns
    b_per_w = b_flat // nw
    n_chunks = b_per_w // CHUNK
    n_groups = n_chunks // NBUF
    mesh = plsc.VectorSubcoreMesh(core_axis_name="c", subcore_axis_name="s")

    @functools.partial(
        pl.kernel,
        mesh=mesh,
        out_type=jax.ShapeDtypeStruct((b_flat, D_MODEL), jnp.float32),
        scratch_types=[
            pltpu.VMEM((b_per_w,), jnp.int32),
            pltpu.VMEM((NBUF, CHUNK, D_MODEL), jnp.float32),
            pltpu.SemaphoreType.DMA((NBUF,)),
        ],
        compiler_params=pltpu.CompilerParams(use_tc_tiling_on_sc=False),
    )
    def k(x_hbm, table_hbm, out_hbm, idx_v, rows_v, sems):
        wid = lax.axis_index("s") * nc + lax.axis_index("c")
        base = wid * b_per_w
        pltpu.sync_copy(x_hbm.at[pl.ds(base, b_per_w)], idx_v)

        def gather_start(j, b):
            pltpu.async_copy(
                table_hbm.at[idx_v.at[pl.ds(j * CHUNK, CHUNK)]],
                rows_v.at[b],
                sems.at[b],
            )

        def gather_wait(b):
            pltpu.make_async_copy(
                table_hbm.at[idx_v.at[pl.ds(0, CHUNK)]], rows_v.at[b], sems.at[b]
            ).wait()

        def store_start(j, b):
            pltpu.async_copy(
                rows_v.at[b], out_hbm.at[pl.ds(base + j * CHUNK, CHUNK)], sems.at[b]
            )

        def store_wait(b):
            pltpu.make_async_copy(
                rows_v.at[b], out_hbm.at[pl.ds(0, CHUNK)], sems.at[b]
            ).wait()

        for b in range(LEAD):
            gather_start(b, b)

        def group(g, carry):
            for b in range(NBUF):
                j = g * NBUF + b
                bl = (b + LEAD) % NBUF
                jl = j + LEAD

                @pl.when(jl < n_chunks)
                def _():
                    @pl.when(jl >= NBUF)
                    def _():
                        store_wait(bl)

                    gather_start(jl, bl)

                gather_wait(b)

                @plsc.parallel_loop(0, CHUNK, step=1, unroll=4)
                def _(i):
                    for k2 in range(D_MODEL // LANES):
                        sl = (b, i, pl.ds(k2 * LANES, LANES))
                        rows_v[sl] = rows_v[sl] * SCALE

                store_start(j, b)
            return carry

        lax.fori_loop(0, n_groups, group, 0)
        for b in range(NBUF):
            store_wait(b)

    return k(x_flat, table)


def kernel(x, embedding_weight):
    b, s = x.shape
    x_flat = x.reshape(b * s).astype(jnp.int32)
    out = _embed(x_flat, embedding_weight, b * s)
    return out.reshape(b, s, D_MODEL)

# --- scband reference (transcript-rebuilt; emitter-appended) ---
"""Pipeline reference for scband-input-embeddings-4930622456301 (READ-ONLY COPY).

The authoritative reference and input builder live on the scoring server;
editing this copy changes nothing except your own understanding.
"""

import jax, jax.numpy as jnp
import numpy as np
import math

D_MODEL = 64
VOCAB_SIZE = 1000000
BATCH = 4096
SEQ = 200

def setup_inputs(seed: int = 0) -> dict:
    key = jax.random.key(seed)
    k1, k2 = jax.random.split(key)
    x = jax.random.randint(k1, (BATCH, SEQ), 0, VOCAB_SIZE, dtype=jnp.int64 if jax.config.jax_enable_x64 else jnp.int32)
    embedding_weight = jax.random.normal(k2, (VOCAB_SIZE, D_MODEL), dtype=jnp.float32)
    return {"x": x, "embedding_weight": embedding_weight}

def reference(x, embedding_weight):
    # nn.Embedding lookup followed by scaling by sqrt(d_model)
    emb = jnp.take(embedding_weight, x, axis=0)
    return emb * math.sqrt(D_MODEL)

if __name__ == "__main__":
    import jax
    _d = setup_inputs()
    print(jax.jit(kernel)(*tuple(_d.values())))

</pallas_src>

<mosaic_0001>
#map = affine_map<(d0, d1) -> (0)>
#map1 = affine_map<(d0, d1) -> (0, 0)>
module attributes {stable_mosaic.version = 14 : i64} {
  func.func @k(%arg0: i32, %arg1: i32, %arg2: memref<819200xi32, #tpu.memory_space<hbm>>, %arg3: memref<1000000x64xf32, #tpu.memory_space<hbm>>, %arg4: memref<819200x64xf32, #tpu.memory_space<hbm>>, %arg5: memref<25600xi32, #tpu.memory_space<vmem>>, %arg6: memref<10x128x64xf32, #tpu.memory_space<vmem>>, %arg7: memref<10x!tpu.dma_semaphore, #tpu.memory_space<semaphore_mem>>) attributes {dimension_semantics = [#tpu.dimension_semantics<core_parallel>, #tpu.dimension_semantics<subcore_parallel>], iteration_bounds = array<i64: 2, 16>, scalar_prefetch = 0 : i64, scratch_operands = 3 : i64, tpu.core_type = #tpu.core_type<sc_vector_subcore>, window_params = [{transform_indices = #map}, {transform_indices = #map1}, {transform_indices = #map1}]} {
    %mul3A = arith.constant 2 : i32
    %mul3A_0 = arith.muli %arg1, %mul3A : i32
    %add3A = arith.addi %mul3A_0, %arg0 : i32
    %mul3A_1 = arith.constant 25600 : i32
    %mul3A_2 = arith.muli %add3A, %mul3A_1 : i32
    "tpu.region"() ({
      %run_scoped3A = tpu.sem_alloc : memref<!tpu.dma_semaphore, #tpu.memory_space<semaphore_mem>>
      %dma_start3A_251 = tpu.memref_slice %arg2[%mul3A_2] : memref<819200xi32, #tpu.memory_space<hbm>> -> memref<25600xi32, #tpu.memory_space<hbm>>
      %dma_start3A_252 = tpu.memref_slice %arg2[%mul3A_2] : memref<819200xi32, #tpu.memory_space<hbm>> -> memref<25600xi32, #tpu.memory_space<hbm>>
      tpu.enqueue_dma source(%dma_start3A_252 : memref<25600xi32, #tpu.memory_space<hbm>>) target(%arg5 : memref<25600xi32, #tpu.memory_space<vmem>>) target_semaphore(%run_scoped3A : memref<!tpu.dma_semaphore, #tpu.memory_space<semaphore_mem>>)
      %dma_wait3A_253 = tpu.memref_slice %arg2[%mul3A_2] : memref<819200xi32, #tpu.memory_space<hbm>> -> memref<25600xi32, #tpu.memory_space<hbm>>
      %dma_wait3A_254 = tpu.memref_slice %arg2[%mul3A_2] : memref<819200xi32, #tpu.memory_space<hbm>> -> memref<25600xi32, #tpu.memory_space<hbm>>
      tpu.wait_dma2 semaphore(%run_scoped3A : memref<!tpu.dma_semaphore, #tpu.memory_space<semaphore_mem>>) src(%dma_wait3A_254 : memref<25600xi32, #tpu.memory_space<hbm>>) dst(%arg5 : memref<25600xi32, #tpu.memory_space<vmem>>)
      tpu.yield
    }) : () -> ()
    %dma_start3A = arith.constant 0 : i32
    %dma_start3A_3 = arith.constant 0 : i32
    %dma_start3A_4 = arith.constant 0 : i32
    %dma_start3A_5 = arith.constant 0 : i32
    %dma_start3A_6 = tpu.memref_slice %arg6[%dma_start3A, %dma_start3A_4, %dma_start3A_5] : memref<10x128x64xf32, #tpu.memory_space<vmem>> -> memref<1x128x64xf32, #tpu.memory_space<vmem>>
    %dma_start3A_7 = tpu.memref_squeeze %dma_start3A_6 : memref<1x128x64xf32, #tpu.memory_space<vmem>> -> memref<128x64xf32, #tpu.memory_space<vmem>>
    %dma_start3A_8 = arith.constant 0 : i32
    %dma_start3A_9 = tpu.memref_slice %arg5[%dma_start3A_8] : memref<25600xi32, #tpu.memory_space<vmem>> -> memref<128xi32, #tpu.memory_space<vmem>>
    %dma_start3A_10 = arith.constant 0 : i32
    %dma_start3A_11 = arith.constant 0 : i32
    %dma_start3A_12 = tpu.memref_slice %arg3[%dma_start3A_10, %dma_start3A_11] : memref<1000000x64xf32, #tpu.memory_space<hbm>> -> memref<1000000x64xf32, #tpu.memory_space<hbm>>
    %dma_start3A_13 = tpu.memref_slice %arg7[%dma_start3A_3] : memref<10x!tpu.dma_semaphore, #tpu.memory_space<semaphore_mem>> -> memref<1x!tpu.dma_semaphore, #tpu.memory_space<semaphore_mem>>
    %dma_start3A_14 = tpu.memref_squeeze %dma_start3A_13 : memref<1x!tpu.dma_semaphore, #tpu.memory_space<semaphore_mem>> -> memref<!tpu.dma_semaphore, #tpu.memory_space<semaphore_mem>>
    tpu.enqueue_indirect_dma source(%dma_start3A_12 : memref<1000000x64xf32, #tpu.memory_space<hbm>>) target(%dma_start3A_7 : memref<128x64xf32, #tpu.memory_space<vmem>>) offsets(%dma_start3A_9 : memref<128xi32, #tpu.memory_space<vmem>>) semaphore(%dma_start3A_14 : memref<!tpu.dma_semaphore, #tpu.memory_space<semaphore_mem>>)
    %dma_start3A_15 = arith.constant 1 : i32
    %dma_start3A_16 = arith.constant 1 : i32
    %dma_start3A_17 = arith.constant 0 : i32
    %dma_start3A_18 = arith.constant 0 : i32
    %dma_start3A_19 = tpu.memref_slice %arg6[%dma_start3A_15, %dma_start3A_17, %dma_start3A_18] : memref<10x128x64xf32, #tpu.memory_space<vmem>> -> memref<1x128x64xf32, #tpu.memory_space<vmem>>
    %dma_start3A_20 = tpu.memref_squeeze %dma_start3A_19 : memref<1x128x64xf32, #tpu.memory_space<vmem>> -> memref<128x64xf32, #tpu.memory_space<vmem>>
    %dma_start3A_21 = arith.constant 128 : i32
    %dma_start3A_22 = tpu.memref_slice %arg5[%dma_start3A_21] : memref<25600xi32, #tpu.memory_space<vmem>> -> memref<128xi32, #tpu.memory_space<vmem>>
    %dma_start3A_23 = arith.constant 0 : i32
    %dma_start3A_24 = arith.constant 0 : i32
    %dma_start3A_25 = tpu.memref_slice %arg3[%dma_start3A_23, %dma_start3A_24] : memref<1000000x64xf32, #tpu.memory_space<hbm>> -> memref<1000000x64xf32, #tpu.memory_space<hbm>>
    %dma_start3A_26 = tpu.memref_slice %arg7[%dma_start3A_16] : memref<10x!tpu.dma_semaphore, #tpu.memory_space<semaphore_mem>> -> memref<1x!tpu.dma_semaphore, #tpu.memory_space<semaphore_mem>>
    %dma_start3A_27 = tpu.memref_squeeze %dma_start3A_26 : memref<1x!tpu.dma_semaphore, #tpu.memory_space<semaphore_mem>> -> memref<!tpu.dma_semaphore, #tpu.memory_space<semaphore_mem>>
    tpu.enqueue_indirect_dma source(%dma_start3A_25 : memref<1000000x64xf32, #tpu.memory_space<hbm>>) target(%dma_start3A_20 : memref<128x64xf32, #tpu.memory_space<vmem>>) offsets(%dma_start3A_22 : memref<128xi32, #tpu.memory_space<vmem>>) semaphore(%dma_start3A_27 : memref<!tpu.dma_semaphore, #tpu.memory_space<semaphore_mem>>)
    %dma_start3A_28 = arith.constant 2 : i32
    %dma_start3A_29 = arith.constant 2 : i32
    %dma_start3A_30 = arith.constant 0 : i32
    %dma_start3A_31 = arith.constant 0 : i32
    %dma_start3A_32 = tpu.memref_slice %arg6[%dma_start3A_28, %dma_start3A_30, %dma_start3A_31] : memref<10x128x64xf32, #tpu.memory_space<vmem>> -> memref<1x128x64xf32, #tpu.memory_space<vmem>>
    %dma_start3A_33 = tpu.memref_squeeze %dma_start3A_32 : memref<1x128x64xf32, #tpu.memory_space<vmem>> -> memref<128x64xf32, #tpu.memory_space<vmem>>
    %dma_start3A_34 = arith.constant 256 : i32
    %dma_start3A_35 = tpu.memref_slice %arg5[%dma_start3A_34] : memref<25600xi32, #tpu.memory_space<vmem>> -> memref<128xi32, #tpu.memory_space<vmem>>
    %dma_start3A_36 = arith.constant 0 : i32
    %dma_start3A_37 = arith.constant 0 : i32
    %dma_start3A_38 = tpu.memref_slice %arg3[%dma_start3A_36, %dma_start3A_37] : memref<1000000x64xf32, #tpu.memory_space<hbm>> -> memref<1000000x64xf32, #tpu.memory_space<hbm>>
    %dma_start3A_39 = tpu.memref_slice %arg7[%dma_start3A_29] : memref<10x!tpu.dma_semaphore, #tpu.memory_space<semaphore_mem>> -> memref<1x!tpu.dma_semaphore, #tpu.memory_space<semaphore_mem>>
    %dma_start3A_40 = tpu.memref_squeeze %dma_start3A_39 : memref<1x!tpu.dma_semaphore, #tpu.memory_space<semaphore_mem>> -> memref<!tpu.dma_semaphore, #tpu.memory_space<semaphore_mem>>
    tpu.enqueue_indirect_dma source(%dma_start3A_38 : memref<1000000x64xf32, #tpu.memory_space<hbm>>) target(%dma_start3A_33 : memref<128x64xf32, #tpu.memory_space<vmem>>) offsets(%dma_start3A_35 : memref<128xi32, #tpu.memory_space<vmem>>) semaphore(%dma_start3A_40 : memref<!tpu.dma_semaphore, #tpu.memory_space<semaphore_mem>>)
    %dma_start3A_41 = arith.constant 3 : i32
    %dma_start3A_42 = arith.constant 3 : i32
    %dma_start3A_43 = arith.constant 0 : i32
    %dma_start3A_44 = arith.constant 0 : i32
    %dma_start3A_45 = tpu.memref_slice %arg6[%dma_start3A_41, %dma_start3A_43, %dma_start3A_44] : memref<10x128x64xf32, #tpu.memory_space<vmem>> -> memref<1x128x64xf32, #tpu.memory_space<vmem>>
    %dma_start3A_46 = tpu.memref_squeeze %dma_start3A_45 : memref<1x128x64xf32, #tpu.memory_space<vmem>> -> memref<128x64xf32, #tpu.memory_space<vmem>>
    %dma_start3A_47 = arith.constant 384 : i32
    %dma_start3A_48 = tpu.memref_slice %arg5[%dma_start3A_47] : memref<25600xi32, #tpu.memory_space<vmem>> -> memref<128xi32, #tpu.memory_space<vmem>>
    %dma_start3A_49 = arith.constant 0 : i32
    %dma_start3A_50 = arith.constant 0 : i32
    %dma_start3A_51 = tpu.memref_slice %arg3[%dma_start3A_49, %dma_start3A_50] : memref<1000000x64xf32, #tpu.memory_space<hbm>> -> memref<1000000x64xf32, #tpu.memory_space<hbm>>
    %dma_start3A_52 = tpu.memref_slice %arg7[%dma_start3A_42] : memref<10x!tpu.dma_semaphore, #tpu.memory_space<semaphore_mem>> -> memref<1x!tpu.dma_semaphore, #tpu.memory_space<semaphore_mem>>
    %dma_start3A_53 = tpu.memref_squeeze %dma_start3A_52 : memref<1x!tpu.dma_semaphore, #tpu.memory_space<semaphore_mem>> -> memref<!tpu.dma_semaphore, #tpu.memory_space<semaphore_mem>>
    tpu.enqueue_indirect_dma source(%dma_start3A_51 : memref<1000000x64xf32, #tpu.memory_space<hbm>>) target(%dma_start3A_46 : memref<128x64xf32, #tpu.memory_space<vmem>>) offsets(%dma_start3A_48 : memref<128xi32, #tpu.memory_space<vmem>>) semaphore(%dma_start3A_53 : memref<!tpu.dma_semaphore, #tpu.memory_space<semaphore_mem>>)
    %dma_start3A_54 = arith.constant 4 : i32
    %dma_start3A_55 = arith.constant 4 : i32
    %dma_start3A_56 = arith.constant 0 : i32
    %dma_start3A_57 = arith.constant 0 : i32
    %dma_start3A_58 = tpu.memref_slice %arg6[%dma_start3A_54, %dma_start3A_56, %dma_start3A_57] : memref<10x128x64xf32, #tpu.memory_space<vmem>> -> memref<1x128x64xf32, #tpu.memory_space<vmem>>
    %dma_start3A_59 = tpu.memref_squeeze %dma_start3A_58 : memref<1x128x64xf32, #tpu.memory_space<vmem>> -> memref<128x64xf32, #tpu.memory_space<vmem>>
    %dma_start3A_60 = arith.constant 512 : i32
    %dma_start3A_61 = tpu.memref_slice %arg5[%dma_start3A_60] : memref<25600xi32, #tpu.memory_space<vmem>> -> memref<128xi32, #tpu.memory_space<vmem>>
    %dma_start3A_62 = arith.constant 0 : i32
    %dma_start3A_63 = arith.constant 0 : i32
    %dma_start3A_64 = tpu.memref_slice %arg3[%dma_start3A_62, %dma_start3A_63] : memref<1000000x64xf32, #tpu.memory_space<hbm>> -> memref<1000000x64xf32, #tpu.memory_space<hbm>>
    %dma_start3A_65 = tpu.memref_slice %arg7[%dma_start3A_55] : memref<10x!tpu.dma_semaphore, #tpu.memory_space<semaphore_mem>> -> memref<1x!tpu.dma_semaphore, #tpu.memory_space<semaphore_mem>>
    %dma_start3A_66 = tpu.memref_squeeze %dma_start3A_65 : memref<1x!tpu.dma_semaphore, #tpu.memory_space<semaphore_mem>> -> memref<!tpu.dma_semaphore, #tpu.memory_space<semaphore_mem>>
    tpu.enqueue_indirect_dma source(%dma_start3A_64 : memref<1000000x64xf32, #tpu.memory_space<hbm>>) target(%dma_start3A_59 : memref<128x64xf32, #tpu.memory_space<vmem>>) offsets(%dma_start3A_61 : memref<128xi32, #tpu.memory_space<vmem>>) semaphore(%dma_start3A_66 : memref<!tpu.dma_semaphore, #tpu.memory_space<semaphore_mem>>)
    %scan3A = arith.constant 0 : i32
    %scan3A_67 = arith.constant 0 : i32
    %scan3A_68 = arith.constant 20 : i32
    %scan3A_69 = arith.addi %scan3A_67, %scan3A_68 : i32
    %scan3A_70 = arith.constant 1 : i32
    scf.for %scan3A_251 = %scan3A_67 to %scan3A_69 step %scan3A_70  : i32 {
      %mul3A_252 = arith.constant 10 : i32
      %mul3A_253 = arith.muli %scan3A_251, %mul3A_252 : i32
      %add3A_254 = arith.constant 0 : i32
      %add3A_255 = arith.addi %mul3A_253, %add3A_254 : i32
      %add3A_256 = arith.constant 5 : i32
      %add3A_257 = arith.addi %add3A_255, %add3A_256 : i32
      %lt3A = arith.constant 200 : i32
      %lt3A_258 = arith.cmpi slt, %add3A_257, %lt3A : i32
      %convert_element_type3A = arith.extui %lt3A_258 : i1 to i32
      %cond3A = arith.constant 0 : i32
      %cond3A_259 = arith.cmpi ne, %convert_element_type3A, %cond3A : i32
      scf.if %cond3A_259 {
        %ge3A = arith.constant 10 : i32
        %ge3A_708 = arith.cmpi sge, %add3A_257, %ge3A : i32
        %convert_element_type3A_709 = arith.extui %ge3A_708 : i1 to i32
        %cond3A_710 = arith.constant 0 : i32
        %cond3A_711 = arith.cmpi ne, %convert_element_type3A_709, %cond3A_710 : i32
        scf.if %cond3A_711 {
          %dma_wait3A_726 = arith.constant 5 : i32
          %dma_wait3A_727 = arith.constant 5 : i32
          %dma_wait3A_728 = arith.constant 0 : i32
          %dma_wait3A_729 = arith.constant 0 : i32
          %dma_wait3A_730 = tpu.memref_slice %arg6[%dma_wait3A_726, %dma_wait3A_728, %dma_wait3A_729] : memref<10x128x64xf32, #tpu.memory_space<vmem>> -> memref<1x128x64xf32, #tpu.memory_space<vmem>>
          %dma_wait3A_731 = tpu.memref_squeeze %dma_wait3A_730 : memref<1x128x64xf32, #tpu.memory_space<vmem>> -> memref<128x64xf32, #tpu.memory_space<vmem>>
          %dma_wait3A_732 = arith.constant 0 : i32
          %dma_wait3A_733 = arith.constant 0 : i32
          %dma_wait3A_734 = tpu.memref_slice %arg4[%dma_wait3A_732, %dma_wait3A_733] : memref<819200x64xf32, #tpu.memory_space<hbm>> -> memref<128x64xf32, #tpu.memory_space<hbm>>
          %dma_wait3A_735 = tpu.memref_slice %arg7[%dma_wait3A_727] : memref<10x!tpu.dma_semaphore, #tpu.memory_space<semaphore_mem>> -> memref<1x!tpu.dma_semaphore, #tpu.memory_space<semaphore_mem>>
          %dma_wait3A_736 = tpu.memref_squeeze %dma_wait3A_735 : memref<1x!tpu.dma_semaphore, #tpu.memory_space<semaphore_mem>> -> memref<!tpu.dma_semaphore, #tpu.memory_space<semaphore_mem>>
          %dma_wait3A_737 = arith.constant 0 : i32
          %dma_wait3A_738 = arith.constant 0 : i32
          %dma_wait3A_739 = tpu.memref_slice %arg4[%dma_wait3A_737, %dma_wait3A_738] : memref<819200x64xf32, #tpu.memory_space<hbm>> -> memref<128x64xf32, #tpu.memory_space<hbm>>
          %dma_wait3A_740 = arith.constant 0 : i32
          %dma_wait3A_741 = arith.constant 0 : i32
          %dma_wait3A_742 = tpu.memref_slice %arg6[%dma_wait3A_726, %dma_wait3A_740, %dma_wait3A_741] : memref<10x128x64xf32, #tpu.memory_space<vmem>> -> memref<1x128x64xf32, #tpu.memory_space<vmem>>
          %dma_wait3A_743 = tpu.memref_squeeze %dma_wait3A_742 : memref<1x128x64xf32, #tpu.memory_space<vmem>> -> memref<128x64xf32, #tpu.memory_space<vmem>>
          tpu.wait_dma2 semaphore(%dma_wait3A_736 : memref<!tpu.dma_semaphore, #tpu.memory_space<semaphore_mem>>) src(%dma_wait3A_743 : memref<128x64xf32, #tpu.memory_space<vmem>>) dst(%dma_wait3A_739 : memref<128x64xf32, #tpu.memory_space<hbm>>)
        } else {
        }
        %mul3A_712 = arith.constant 128 : i32
        %mul3A_713 = arith.muli %add3A_257, %mul3A_712 : i32
        %dma_start3A_714 = arith.constant 5 : i32
        %dma_start3A_715 = arith.constant 5 : i32
        %dma_start3A_716 = arith.constant 0 : i32
        %dma_start3A_717 = arith.constant 0 : i32
        %dma_start3A_718 = tpu.memref_slice %arg6[%dma_start3A_714, %dma_start3A_716, %dma_start3A_717] : memref<10x128x64xf32, #tpu.memory_space<vmem>> -> memref<1x128x64xf32, #tpu.memory_space<vmem>>
        %dma_start3A_719 = tpu.memref_squeeze %dma_start3A_718 : memref<1x128x64xf32, #tpu.memory_space<vmem>> -> memref<128x64xf32, #tpu.memory_space<vmem>>
        %dma_start3A_720 = tpu.memref_slice %arg5[%mul3A_713] : memref<25600xi32, #tpu.memory_space<vmem>> -> memref<128xi32, #tpu.memory_space<vmem>>
        %dma_start3A_721 = arith.constant 0 : i32
        %dma_start3A_722 = arith.constant 0 : i32
        %dma_start3A_723 = tpu.memref_slice %arg3[%dma_start3A_721, %dma_start3A_722] : memref<1000000x64xf32, #tpu.memory_space<hbm>> -> memref<1000000x64xf32, #tpu.memory_space<hbm>>
        %dma_start3A_724 = tpu.memref_slice %arg7[%dma_start3A_715] : memref<10x!tpu.dma_semaphore, #tpu.memory_space<semaphore_mem>> -> memref<1x!tpu.dma_semaphore, #tpu.memory_space<semaphore_mem>>
        %dma_start3A_725 = tpu.memref_squeeze %dma_start3A_724 : memref<1x!tpu.dma_semaphore, #tpu.memory_space<semaphore_mem>> -> memref<!tpu.dma_semaphore, #tpu.memory_space<semaphore_mem>>
        tpu.enqueue_indirect_dma source(%dma_start3A_723 : memref<1000000x64xf32, #tpu.memory_space<hbm>>) target(%dma_start3A_719 : memref<128x64xf32, #tpu.memory_space<vmem>>) offsets(%dma_start3A_720 : memref<128xi32, #tpu.memory_space<vmem>>) semaphore(%dma_start3A_725 : memref<!tpu.dma_semaphore, #tpu.memory_space<semaphore_mem>>)
      } else {
      }
      %dma_wait3A_260 = arith.constant 0 : i32
      %dma_wait3A_261 = arith.constant 0 : i32
      %dma_wait3A_262 = arith.constant 0 : i32
      %dma_wait3A_263 = arith.constant 0 : i32
      %dma_wait3A_264 = tpu.memref_slice %arg6[%dma_wait3A_260, %dma_wait3A_262, %dma_wait3A_263] : memref<10x128x64xf32, #tpu.memory_space<vmem>> -> memref<1x128x64xf32, #tpu.memory_space<vmem>>
      %dma_wait3A_265 = tpu.memref_squeeze %dma_wait3A_264 : memref<1x128x64xf32, #tpu.memory_space<vmem>> -> memref<128x64xf32, #tpu.memory_space<vmem>>
      %dma_wait3A_266 = arith.constant 0 : i32
      %dma_wait3A_267 = tpu.memref_slice %arg5[%dma_wait3A_266] : memref<25600xi32, #tpu.memory_space<vmem>> -> memref<128xi32, #tpu.memory_space<vmem>>
      %dma_wait3A_268 = arith.constant 0 : i32
      %dma_wait3A_269 = arith.constant 0 : i32
      %dma_wait3A_270 = tpu.memref_slice %arg3[%dma_wait3A_268, %dma_wait3A_269] : memref<1000000x64xf32, #tpu.memory_space<hbm>> -> memref<1000000x64xf32, #tpu.memory_space<hbm>>
      %dma_wait3A_271 = tpu.memref_slice %arg7[%dma_wait3A_261] : memref<10x!tpu.dma_semaphore, #tpu.memory_space<semaphore_mem>> -> memref<1x!tpu.dma_semaphore, #tpu.memory_space<semaphore_mem>>
      %dma_wait3A_272 = tpu.memref_squeeze %dma_wait3A_271 : memref<1x!tpu.dma_semaphore, #tpu.memory_space<semaphore_mem>> -> memref<!tpu.dma_semaphore, #tpu.memory_space<semaphore_mem>>
      tpu.wait_indirect_dma semaphore(%dma_wait3A_272 : memref<!tpu.dma_semaphore, #tpu.memory_space<semaphore_mem>>) src(%dma_wait3A_270 : memref<1000000x64xf32, #tpu.memory_space<hbm>>) dst(%dma_wait3A_265 : memref<128x64xf32, #tpu.memory_space<vmem>>)
      %parallel_loop3A = arith.constant 0 : i32
      %parallel_loop3A_273 = arith.constant 128 : i32
      %parallel_loop3A_274 = arith.constant 1 : i32
      scf.for %parallel_loop3A_708 = %parallel_loop3A to %parallel_loop3A_273 step %parallel_loop3A_274  : i32 {
        %parallel_loop3A_709 = arith.constant 0 : i32
        %parallel_loop3A_710 = arith.index_cast %parallel_loop3A_709 : i32 to index
        %parallel_loop3A_711 = arith.index_cast %parallel_loop3A_708 : i32 to index
        %parallel_loop3A_712 = arith.constant 0 : index
        %parallel_loop3A_713 = tpu.vector_load %arg6[%parallel_loop3A_710, %parallel_loop3A_711, %parallel_loop3A_712] {strides = array<i32>} : memref<10x128x64xf32, #tpu.memory_space<vmem>>, vector<1x1x16xf32>,
        %parallel_loop3A_714 = vector.shape_cast %parallel_loop3A_713 : vector<1x1x16xf32> to vector<16xf32>
        %parallel_loop3A_715 = arith.constant 8.000000e+00 : f32
        %parallel_loop3A_716 = vector.broadcast %parallel_loop3A_715 : f32 to vector<16xf32>
        %parallel_loop3A_717 = arith.mulf %parallel_loop3A_714, %parallel_loop3A_716 : vector<16xf32>
        %parallel_loop3A_718 = arith.constant 0 : i32
        %parallel_loop3A_719 = arith.index_cast %parallel_loop3A_718 : i32 to index
        %parallel_loop3A_720 = arith.index_cast %parallel_loop3A_708 : i32 to index
        %parallel_loop3A_721 = arith.constant 0 : index
        %parallel_loop3A_722 = tpu.vector_load %arg6[%parallel_loop3A_719, %parallel_loop3A_720, %parallel_loop3A_721] {strides = array<i32>} : memref<10x128x64xf32, #tpu.memory_space<vmem>>, vector<1x1x16xf32>,
        %parallel_loop3A_723 = vector.shape_cast %parallel_loop3A_722 : vector<1x1x16xf32> to vector<16xf32>
        %parallel_loop3A_724 = vector.shape_cast %parallel_loop3A_717 : vector<16xf32> to vector<1x1x16xf32>
        tpu.vector_store %arg6[%parallel_loop3A_719, %parallel_loop3A_720, %parallel_loop3A_721], %parallel_loop3A_724 {strides = array<i32>} : memref<10x128x64xf32, #tpu.memory_space<vmem>>, vector<1x1x16xf32>,
        %parallel_loop3A_725 = arith.constant 0 : i32
        %parallel_loop3A_726 = arith.index_cast %parallel_loop3A_725 : i32 to index
        %parallel_loop3A_727 = arith.index_cast %parallel_loop3A_708 : i32 to index
        %parallel_loop3A_728 = arith.constant 16 : index
        %parallel_loop3A_729 = tpu.vector_load %arg6[%parallel_loop3A_726, %parallel_loop3A_727, %parallel_loop3A_728] {strides = array<i32>} : memref<10x128x64xf32, #tpu.memory_space<vmem>>, vector<1x1x16xf32>,
        %parallel_loop3A_730 = vector.shape_cast %parallel_loop3A_729 : vector<1x1x16xf32> to vector<16xf32>
        %parallel_loop3A_731 = arith.constant 8.000000e+00 : f32
        %parallel_loop3A_732 = vector.broadcast %parallel_loop3A_731 : f32 to vector<16xf32>
        %parallel_loop3A_733 = arith.mulf %parallel_loop3A_730, %parallel_loop3A_732 : vector<16xf32>
        %parallel_loop3A_734 = arith.constant 0 : i32
        %parallel_loop3A_735 = arith.index_cast %parallel_loop3A_734 : i32 to index
        %parallel_loop3A_736 = arith.index_cast %parallel_loop3A_708 : i32 to index
        %parallel_loop3A_737 = arith.constant 16 : index
        %parallel_loop3A_738 = tpu.vector_load %arg6[%parallel_loop3A_735, %parallel_loop3A_736, %parallel_loop3A_737] {strides = array<i32>} : memref<10x128x64xf32, #tpu.memory_space<vmem>>, vector<1x1x16xf32>,
        %parallel_loop3A_739 = vector.shape_cast %parallel_loop3A_738 : vector<1x1x16xf32> to vector<16xf32>
        %parallel_loop3A_740 = vector.shape_cast %parallel_loop3A_733 : vector<16xf32> to vector<1x1x16xf32>
        tpu.vector_store %arg6[%parallel_loop3A_735, %parallel_loop3A_736, %parallel_loop3A_737], %parallel_loop3A_740 {strides = array<i32>} : memref<10x128x64xf32, #tpu.memory_space<vmem>>, vector<1x1x16xf32>,
        %parallel_loop3A_741 = arith.constant 0 : i32
        %parallel_loop3A_742 = arith.index_cast %parallel_loop3A_741 : i32 to index
        %parallel_loop3A_743 = arith.index_cast %parallel_loop3A_708 : i32 to index
        %parallel_loop3A_744 = arith.constant 32 : index
        %parallel_loop3A_745 = tpu.vector_load %arg6[%parallel_loop3A_742, %parallel_loop3A_743, %parallel_loop3A_744] {strides = array<i32>} : memref<10x128x64xf32, #tpu.memory_space<vmem>>, vector<1x1x16xf32>,
        %parallel_loop3A_746 = vector.shape_cast %parallel_loop3A_745 : vector<1x1x16xf32> to vector<16xf32>
        %parallel_loop3A_747 = arith.constant 8.000000e+00 : f32
        %parallel_loop3A_748 = vector.broadcast %parallel_loop3A_747 : f32 to vector<16xf32>
        %parallel_loop3A_749 = arith.mulf %parallel_loop3A_746, %parallel_loop3A_748 : vector<16xf32>
        %parallel_loop3A_750 = arith.constant 0 : i32
        %parallel_loop3A_751 = arith.index_cast %parallel_loop3A_750 : i32 to index
        %parallel_loop3A_752 = arith.index_cast %parallel_loop3A_708 : i32 to index
        %parallel_loop3A_753 = arith.constant 32 : index
        %parallel_loop3A_754 = tpu.vector_load %arg6[%parallel_loop3A_751, %parallel_loop3A_752, %parallel_loop3A_753] {strides = array<i32>} : memref<10x128x64xf32, #tpu.memory_space<vmem>>, vector<1x1x16xf32>,
        %parallel_loop3A_755 = vector.shape_cast %parallel_loop3A_754 : vector<1x1x16xf32> to vector<16xf32>
        %parallel_loop3A_756 = vector.shape_cast %parallel_loop3A_749 : vector<16xf32> to vector<1x1x16xf32>
        tpu.vector_store %arg6[%parallel_loop3A_751, %parallel_loop3A_752, %parallel_loop3A_753], %parallel_loop3A_756 {strides = array<i32>} : memref<10x128x64xf32, #tpu.memory_space<vmem>>, vector<1x1x16xf32>,
        %parallel_loop3A_757 = arith.constant 0 : i32
        %parallel_loop3A_758 = arith.index_cast %parallel_loop3A_757 : i32 to index
        %parallel_loop3A_759 = arith.index_cast %parallel_loop3A_708 : i32 to index
        %parallel_loop3A_760 = arith.constant 48 : index
        %parallel_loop3A_761 = tpu.vector_load %arg6[%parallel_loop3A_758, %parallel_loop3A_759, %parallel_loop3A_760] {strides = array<i32>} : memref<10x128x64xf32, #tpu.memory_space<vmem>>, vector<1x1x16xf32>,
        %parallel_loop3A_762 = vector.shape_cast %parallel_loop3A_761 : vector<1x1x16xf32> to vector<16xf32>
        %parallel_loop3A_763 = arith.constant 8.000000e+00 : f32
        %parallel_loop3A_764 = vector.broadcast %parallel_loop3A_763 : f32 to vector<16xf32>
        %parallel_loop3A_765 = arith.mulf %parallel_loop3A_762, %parallel_loop3A_764 : vector<16xf32>
        %parallel_loop3A_766 = arith.constant 0 : i32
        %parallel_loop3A_767 = arith.index_cast %parallel_loop3A_766 : i32 to index
        %parallel_loop3A_768 = arith.index_cast %parallel_loop3A_708 : i32 to index
        %parallel_loop3A_769 = arith.constant 48 : index
        %parallel_loop3A_770 = tpu.vector_load %arg6[%parallel_loop3A_767, %parallel_loop3A_768, %parallel_loop3A_769] {strides = array<i32>} : memref<10x128x64xf32, #tpu.memory_space<vmem>>, vector<1x1x16xf32>,
        %parallel_loop3A_771 = vector.shape_cast %parallel_loop3A_770 : vector<1x1x16xf32> to vector<16xf32>
        %parallel_loop3A_772 = vector.shape_cast %parallel_loop3A_765 : vector<16xf32> to vector<1x1x16xf32>
        tpu.vector_store %arg6[%parallel_loop3A_767, %parallel_loop3A_768, %parallel_loop3A_769], %parallel_loop3A_772 {strides = array<i32>} : memref<10x128x64xf32, #tpu.memory_space<vmem>>, vector<1x1x16xf32>,
      } {sc.loop_unroll_factor = 4 : i64, sc.parallel_access}
      %mul3A_275 = arith.constant 128 : i32
      %mul3A_276 = arith.muli %add3A_255, %mul3A_275 : i32
      %add3A_277 = arith.addi %mul3A_2, %mul3A_276 : i32
      %dma_start3A_278 = arith.constant 0 : i32
      %dma_start3A_279 = arith.constant 0 : i32
      %dma_start3A_280 = arith.constant 0 : i32
      %dma_start3A_281 = arith.constant 0 : i32
      %dma_start3A_282 = tpu.memref_slice %arg6[%dma_start3A_278, %dma_start3A_280, %dma_start3A_281] : memref<10x128x64xf32, #tpu.memory_space<vmem>> -> memref<1x128x64xf32, #tpu.memory_space<vmem>>
      %dma_start3A_283 = tpu.memref_squeeze %dma_start3A_282 : memref<1x128x64xf32, #tpu.memory_space<vmem>> -> memref<128x64xf32, #tpu.memory_space<vmem>>
      %dma_start3A_284 = arith.constant 0 : i32
      %dma_start3A_285 = tpu.memref_slice %arg4[%add3A_277, %dma_start3A_284] : memref<819200x64xf32, #tpu.memory_space<hbm>> -> memref<128x64xf32, #tpu.memory_space<hbm>>
      %dma_start3A_286 = tpu.memref_slice %arg7[%dma_start3A_279] : memref<10x!tpu.dma_semaphore, #tpu.memory_space<semaphore_mem>> -> memref<1x!tpu.dma_semaphore, #tpu.memory_space<semaphore_mem>>
      %dma_start3A_287 = tpu.memref_squeeze %dma_start3A_286 : memref<1x!tpu.dma_semaphore, #tpu.memory_space<semaphore_mem>> -> memref<!tpu.dma_semaphore, #tpu.memory_space<semaphore_mem>>
      %dma_start3A_288 = arith.constant 0 : i32
      %dma_start3A_289 = tpu.memref_slice %arg4[%add3A_277, %dma_start3A_288] : memref<819200x64xf32, #tpu.memory_space<hbm>> -> memref<128x64xf32, #tpu.memory_space<hbm>>
      %dma_start3A_290 = arith.constant 0 : i32
      %dma_start3A_291 = arith.constant 0 : i32
      %dma_start3A_292 = tpu.memref_slice %arg6[%dma_start3A_278, %dma_start3A_290, %dma_start3A_291] : memref<10x128x64xf32, #tpu.memory_space<vmem>> -> memref<1x128x64xf32, #tpu.memory_space<vmem>>
      %dma_start3A_293 = tpu.memref_squeeze %dma_start3A_292 : memref<1x128x64xf32, #tpu.memory_space<vmem>> -> memref<128x64xf32, #tpu.memory_space<vmem>>
      tpu.enqueue_dma source(%dma_start3A_293 : memref<128x64xf32, #tpu.memory_space<vmem>>) target(%dma_start3A_289 : memref<128x64xf32, #tpu.memory_space<hbm>>) target_semaphore(%dma_start3A_287 : memref<!tpu.dma_semaphore, #tpu.memory_space<semaphore_mem>>)
      %mul3A_294 = arith.constant 10 : i32
      %mul3A_295 = arith.muli %scan3A_251, %mul3A_294 : i32
      %add3A_296 = arith.constant 1 : i32
      %add3A_297 = arith.addi %mul3A_295, %add3A_296 : i32
      %add3A_298 = arith.constant 5 : i32
      %add3A_299 = arith.addi %add3A_297, %add3A_298 : i32
      %lt3A_300 = arith.constant 200 : i32
      %lt3A_301 = arith.cmpi slt, %add3A_299, %lt3A_300 : i32
      %convert_element_type3A_302 = arith.extui %lt3A_301 : i1 to i32
      %cond3A_303 = arith.constant 0 : i32
      %cond3A_304 = arith.cmpi ne, %convert_element_type3A_302, %cond3A_303 : i32
      scf.if %cond3A_304 {
        %ge3A = arith.constant 10 : i32
        %ge3A_708 = arith.cmpi sge, %add3A_299, %ge3A : i32
        %convert_element_type3A_709 = arith.extui %ge3A_708 : i1 to i32
        %cond3A_710 = arith.constant 0 : i32
        %cond3A_711 = arith.cmpi ne, %convert_element_type3A_709, %cond3A_710 : i32
        scf.if %cond3A_711 {
          %dma_wait3A_726 = arith.constant 6 : i32
          %dma_wait3A_727 = arith.constant 6 : i32
          %dma_wait3A_728 = arith.constant 0 : i32
          %dma_wait3A_729 = arith.constant 0 : i32
          %dma_wait3A_730 = tpu.memref_slice %arg6[%dma_wait3A_726, %dma_wait3A_728, %dma_wait3A_729] : memref<10x128x64xf32, #tpu.memory_space<vmem>> -> memref<1x128x64xf32, #tpu.memory_space<vmem>>
          %dma_wait3A_731 = tpu.memref_squeeze %dma_wait3A_730 : memref<1x128x64xf32, #tpu.memory_space<vmem>> -> memref<128x64xf32, #tpu.memory_space<vmem>>
          %dma_wait3A_732 = arith.constant 0 : i32
          %dma_wait3A_733 = arith.constant 0 : i32
          %dma_wait3A_734 = tpu.memref_slice %arg4[%dma_wait3A_732, %dma_wait3A_733] : memref<819200x64xf32, #tpu.memory_space<hbm>> -> memref<128x64xf32, #tpu.memory_space<hbm>>
          %dma_wait3A_735 = tpu.memref_slice %arg7[%dma_wait3A_727] : memref<10x!tpu.dma_semaphore, #tpu.memory_space<semaphore_mem>> -> memref<1x!tpu.dma_semaphore, #tpu.memory_space<semaphore_mem>>
          %dma_wait3A_736 = tpu.memref_squeeze %dma_wait3A_735 : memref<1x!tpu.dma_semaphore, #tpu.memory_space<semaphore_mem>> -> memref<!tpu.dma_semaphore, #tpu.memory_space<semaphore_mem>>
          %dma_wait3A_737 = arith.constant 0 : i32
          %dma_wait3A_738 = arith.constant 0 : i32
          %dma_wait3A_739 = tpu.memref_slice %arg4[%dma_wait3A_737, %dma_wait3A_738] : memref<819200x64xf32, #tpu.memory_space<hbm>> -> memref<128x64xf32, #tpu.memory_space<hbm>>
          %dma_wait3A_740 = arith.constant 0 : i32
          %dma_wait3A_741 = arith.constant 0 : i32
          %dma_wait3A_742 = tpu.memref_slice %arg6[%dma_wait3A_726, %dma_wait3A_740, %dma_wait3A_741] : memref<10x128x64xf32, #tpu.memory_space<vmem>> -> memref<1x128x64xf32, #tpu.memory_space<vmem>>
          %dma_wait3A_743 = tpu.memref_squeeze %dma_wait3A_742 : memref<1x128x64xf32, #tpu.memory_space<vmem>> -> memref<128x64xf32, #tpu.memory_space<vmem>>
          tpu.wait_dma2 semaphore(%dma_wait3A_736 : memref<!tpu.dma_semaphore, #tpu.memory_space<semaphore_mem>>) src(%dma_wait3A_743 : memref<128x64xf32, #tpu.memory_space<vmem>>) dst(%dma_wait3A_739 : memref<128x64xf32, #tpu.memory_space<hbm>>)
        } else {
        }
        %mul3A_712 = arith.constant 128 : i32
        %mul3A_713 = arith.muli %add3A_299, %mul3A_712 : i32
        %dma_start3A_714 = arith.constant 6 : i32
        %dma_start3A_715 = arith.constant 6 : i32
        %dma_start3A_716 = arith.constant 0 : i32
        %dma_start3A_717 = arith.constant 0 : i32
        %dma_start3A_718 = tpu.memref_slice %arg6[%dma_start3A_714, %dma_start3A_716, %dma_start3A_717] : memref<10x128x64xf32, #tpu.memory_space<vmem>> -> memref<1x128x64xf32, #tpu.memory_space<vmem>>
        %dma_start3A_719 = tpu.memref_squeeze %dma_start3A_718 : memref<1x128x64xf32, #tpu.memory_space<vmem>> -> memref<128x64xf32, #tpu.memory_space<vmem>>
        %dma_start3A_720 = tpu.memref_slice %arg5[%mul3A_713] : memref<25600xi32, #tpu.memory_space<vmem>> -> memref<128xi32, #tpu.memory_space<vmem>>
        %dma_start3A_721 = arith.constant 0 : i32
        %dma_start3A_722 = arith.constant 0 : i32
        %dma_start3A_723 = tpu.memref_slice %arg3[%dma_start3A_721, %dma_start3A_722] : memref<1000000x64xf32, #tpu.memory_space<hbm>> -> memref<1000000x64xf32, #tpu.memory_space<hbm>>
        %dma_start3A_724 = tpu.memref_slice %arg7[%dma_start3A_715] : memref<10x!tpu.dma_semaphore, #tpu.memory_space<semaphore_mem>> -> memref<1x!tpu.dma_semaphore, #tpu.memory_space<semaphore_mem>>
        %dma_start3A_725 = tpu.memref_squeeze %dma_start3A_724 : memref<1x!tpu.dma_semaphore, #tpu.memory_space<semaphore_mem>> -> memref<!tpu.dma_semaphore, #tpu.memory_space<semaphore_mem>>
        tpu.enqueue_indirect_dma source(%dma_start3A_723 : memref<1000000x64xf32, #tpu.memory_space<hbm>>) target(%dma_start3A_719 : memref<128x64xf32, #tpu.memory_space<vmem>>) offsets(%dma_start3A_720 : memref<128xi32, #tpu.memory_space<vmem>>) semaphore(%dma_start3A_725 : memref<!tpu.dma_semaphore, #tpu.memory_space<semaphore_mem>>)
      } else {
      }
      %dma_wait3A_305 = arith.constant 1 : i32
      %dma_wait3A_306 = arith.constant 1 : i32
      %dma_wait3A_307 = arith.constant 0 : i32
      %dma_wait3A_308 = arith.constant 0 : i32
      %dma_wait3A_309 = tpu.memref_slice %arg6[%dma_wait3A_305, %dma_wait3A_307, %dma_wait3A_308] : memref<10x128x64xf32, #tpu.memory_space<vmem>> -> memref<1x128x64xf32, #tpu.memory_space<vmem>>
      %dma_wait3A_310 = tpu.memref_squeeze %dma_wait3A_309 : memref<1x128x64xf32, #tpu.memory_space<vmem>> -> memref<128x64xf32, #tpu.memory_space<vmem>>
      %dma_wait3A_311 = arith.constant 0 : i32
      %dma_wait3A_312 = tpu.memref_slice %arg5[%dma_wait3A_311] : memref<25600xi32, #tpu.memory_space<vmem>> -> memref<128xi32, #tpu.memory_space<vmem>>
      %dma_wait3A_313 = arith.constant 0 : i32
      %dma_wait3A_314 = arith.constant 0 : i32
      %dma_wait3A_315 = tpu.memref_slice %arg3[%dma_wait3A_313, %dma_wait3A_314] : memref<1000000x64xf32, #tpu.memory_space<hbm>> -> memref<1000000x64xf32, #tpu.memory_space<hbm>>
      %dma_wait3A_316 = tpu.memref_slice %arg7[%dma_wait3A_306] : memref<10x!tpu.dma_semaphore, #tpu.memory_space<semaphore_mem>> -> memref<1x!tpu.dma_semaphore, #tpu.memory_space<semaphore_mem>>
      %dma_wait3A_317 = tpu.memref_squeeze %dma_wait3A_316 : memref<1x!tpu.dma_semaphore, #tpu.memory_space<semaphore_mem>> -> memref<!tpu.dma_semaphore, #tpu.memory_space<semaphore_mem>>
      tpu.wait_indirect_dma semaphore(%dma_wait3A_317 : memref<!tpu.dma_semaphore, #tpu.memory_space<semaphore_mem>>) src(%dma_wait3A_315 : memref<1000000x64xf32, #tpu.memory_space<hbm>>) dst(%dma_wait3A_310 : memref<128x64xf32, #tpu.memory_space<vmem>>)
      %parallel_loop3A_318 = arith.constant 0 : i32
      %parallel_loop3A_319 = arith.constant 128 : i32
      %parallel_loop3A_320 = arith.constant 1 : i32
      scf.for %parallel_loop3A_708 = %parallel_loop3A_318 to %parallel_loop3A_319 step %parallel_loop3A_320  : i32 {
        %parallel_loop3A_709 = arith.constant 1 : i32
        %parallel_loop3A_710 = arith.index_cast %parallel_loop3A_709 : i32 to index
        %parallel_loop3A_711 = arith.index_cast %parallel_loop3A_708 : i32 to index
        %parallel_loop3A_712 = arith.constant 0 : index
        %parallel_loop3A_713 = tpu.vector_load %arg6[%parallel_loop3A_710, %parallel_loop3A_711, %parallel_loop3A_712] {strides = array<i32>} : memref<10x128x64xf32, #tpu.memory_space<vmem>>, vector<1x1x16xf32>,
        %parallel_loop3A_714 = vector.shape_cast %parallel_loop3A_713 : vector<1x1x16xf32> to vector<16xf32>
        %parallel_loop3A_715 = arith.constant 8.000000e+00 : f32
        %parallel_loop3A_716 = vector.broadcast %parallel_loop3A_715 : f32 to vector<16xf32>
        %parallel_loop3A_717 = arith.mulf %parallel_loop3A_714, %parallel_loop3A_716 : vector<16xf32>
        %parallel_loop3A_718 = arith.constant 1 : i32
        %parallel_loop3A_719 = arith.index_cast %parallel_loop3A_718 : i32 to index
        %parallel_loop3A_720 = arith.index_cast %parallel_loop3A_708 : i32 to index
        %parallel_loop3A_721 = arith.constant 0 : index
        %parallel_loop3A_722 = tpu.vector_load %arg6[%parallel_loop3A_719, %parallel_loop3A_720, %parallel_loop3A_721] {strides = array<i32>} : memref<10x128x64xf32, #tpu.memory_space<vmem>>, vector<1x1x16xf32>,
        %parallel_loop3A_723 = vector.shape_cast %parallel_loop3A_722 : vector<1x1x16xf32> to vector<16xf32>
        %parallel_loop3A_724 = vector.shape_cast %parallel_loop3A_717 : vector<16xf32> to vector<1x1x16xf32>
        tpu.vector_store %arg6[%parallel_loop3A_719, %parallel_loop3A_720, %parallel_loop3A_721], %parallel_loop3A_724 {strides = array<i32>} : memref<10x128x64xf32, #tpu.memory_space<vmem>>, vector<1x1x16xf32>,
        %parallel_loop3A_725 = arith.constant 1 : i32
        %parallel_loop3A_726 = arith.index_cast %parallel_loop3A_725 : i32 to index
        %parallel_loop3A_727 = arith.index_cast %parallel_loop3A_708 : i32 to index
        %parallel_loop3A_728 = arith.constant 16 : index
        %parallel_loop3A_729 = tpu.vector_load %arg6[%parallel_loop3A_726, %parallel_loop3A_727, %parallel_loop3A_728] {strides = array<i32>} : memref<10x128x64xf32, #tpu.memory_space<vmem>>, vector<1x1x16xf32>,
        %parallel_loop3A_730 = vector.shape_cast %parallel_loop3A_729 : vector<1x1x16xf32> to vector<16xf32>
        %parallel_loop3A_731 = arith.constant 8.000000e+00 : f32
        %parallel_loop3A_732 = vector.broadcast %parallel_loop3A_731 : f32 to vector<16xf32>
        %parallel_loop3A_733 = arith.mulf %parallel_loop3A_730, %parallel_loop3A_732 : vector<16xf32>
        %parallel_loop3A_734 = arith.constant 1 : i32
        %parallel_loop3A_735 = arith.index_cast %parallel_loop3A_734 : i32 to index
        %parallel_loop3A_736 = arith.index_cast %parallel_loop3A_708 : i32 to index
        %parallel_loop3A_737 = arith.constant 16 : index
        %parallel_loop3A_738 = tpu.vector_load %arg6[%parallel_loop3A_735, %parallel_loop3A_736, %parallel_loop3A_737] {strides = array<i32>} : memref<10x128x64xf32, #tpu.memory_space<vmem>>, vector<1x1x16xf32>,
        %parallel_loop3A_739 = vector.shape_cast %parallel_loop3A_738 : vector<1x1x16xf32> to vector<16xf32>
        %parallel_loop3A_740 = vector.shape_cast %parallel_loop3A_733 : vector<16xf32> to vector<1x1x16xf32>
        tpu.vector_store %arg6[%parallel_loop3A_735, %parallel_loop3A_736, %parallel_loop3A_737], %parallel_loop3A_740 {strides = array<i32>} : memref<10x128x64xf32, #tpu.memory_space<vmem>>, vector<1x1x16xf32>,
        %parallel_loop3A_741 = arith.constant 1 : i32
        %parallel_loop3A_742 = arith.index_cast %parallel_loop3A_741 : i32 to index
        %parallel_loop3A_743 = arith.index_cast %parallel_loop3A_708 : i32 to index
        %parallel_loop3A_744 = arith.constant 32 : index
        %parallel_loop3A_745 = tpu.vector_load %arg6[%parallel_loop3A_742, %parallel_loop3A_743, %parallel_loop3A_744] {strides = array<i32>} : memref<10x128x64xf32, #tpu.memory_space<vmem>>, vector<1x1x16xf32>,
        %parallel_loop3A_746 = vector.shape_cast %parallel_loop3A_745 : vector<1x1x16xf32> to vector<16xf32>
        %parallel_loop3A_747 = arith.constant 8.000000e+00 : f32
        %parallel_loop3A_748 = vector.broadcast %parallel_loop3A_747 : f32 to vector<16xf32>
        %parallel_loop3A_749 = arith.mulf %parallel_loop3A_746, %parallel_loop3A_748 : vector<16xf32>
        %parallel_loop3A_750 = arith.constant 1 : i32
        %parallel_loop3A_751 = arith.index_cast %parallel_loop3A_750 : i32 to index
        %parallel_loop3A_752 = arith.index_cast %parallel_loop3A_708 : i32 to index
        %parallel_loop3A_753 = arith.constant 32 : index
        %parallel_loop3A_754 = tpu.vector_load %arg6[%parallel_loop3A_751, %parallel_loop3A_752, %parallel_loop3A_753] {strides = array<i32>} : memref<10x128x64xf32, #tpu.memory_space<vmem>>, vector<1x1x16xf32>,
        %parallel_loop3A_755 = vector.shape_cast %parallel_loop3A_754 : vector<1x1x16xf32> to vector<16xf32>
        %parallel_loop3A_756 = vector.shape_cast %parallel_loop3A_749 : vector<16xf32> to vector<1x1x16xf32>
        tpu.vector_store %arg6[%parallel_loop3A_751, %parallel_loop3A_752, %parallel_loop3A_753], %parallel_loop3A_756 {strides = array<i32>} : memref<10x128x64xf32, #tpu.memory_space<vmem>>, vector<1x1x16xf32>,
        %parallel_loop3A_757 = arith.constant 1 : i32
        %parallel_loop3A_758 = arith.index_cast %parallel_loop3A_757 : i32 to index
        %parallel_loop3A_759 = arith.index_cast %parallel_loop3A_708 : i32 to index
        %parallel_loop3A_760 = arith.constant 48 : index
        %parallel_loop3A_761 = tpu.vector_load %arg6[%parallel_loop3A_758, %parallel_loop3A_759, %parallel_loop3A_760] {strides = array<i32>} : memref<10x128x64xf32, #tpu.memory_space<vmem>>, vector<1x1x16xf32>,
        %parallel_loop3A_762 = vector.shape_cast %parallel_loop3A_761 : vector<1x1x16xf32> to vector<16xf32>
        %parallel_loop3A_763 = arith.constant 8.000000e+00 : f32
        %parallel_loop3A_764 = vector.broadcast %parallel_loop3A_763 : f32 to vector<16xf32>
        %parallel_loop3A_765 = arith.mulf %parallel_loop3A_762, %parallel_loop3A_764 : vector<16xf32>
        %parallel_loop3A_766 = arith.constant 1 : i32
        %parallel_loop3A_767 = arith.index_cast %parallel_loop3A_766 : i32 to index
        %parallel_loop3A_768 = arith.index_cast %parallel_loop3A_708 : i32 to index
        %parallel_loop3A_769 = arith.constant 48 : index
        %parallel_loop3A_770 = tpu.vector_load %arg6[%parallel_loop3A_767, %parallel_loop3A_768, %parallel_loop3A_769] {strides = array<i32>} : memref<10x128x64xf32, #tpu.memory_space<vmem>>, vector<1x1x16xf32>,
        %parallel_loop3A_771 = vector.shape_cast %parallel_loop3A_770 : vector<1x1x16xf32> to vector<16xf32>
        %parallel_loop3A_772 = vector.shape_cast %parallel_loop3A_765 : vector<16xf32> to vector<1x1x16xf32>
        tpu.vector_store %arg6[%parallel_loop3A_767, %parallel_loop3A_768, %parallel_loop3A_769], %parallel_loop3A_772 {strides = array<i32>} : memref<10x128x64xf32, #tpu.memory_space<vmem>>, vector<1x1x16xf32>,
      } {sc.loop_unroll_factor = 4 : i64, sc.parallel_access}
      %mul3A_321 = arith.constant 128 : i32
      %mul3A_322 = arith.muli %add3A_297, %mul3A_321 : i32
      %add3A_323 = arith.addi %mul3A_2, %mul3A_322 : i32
      %dma_start3A_324 = arith.constant 1 : i32
      %dma_start3A_325 = arith.constant 1 : i32
      %dma_start3A_326 = arith.constant 0 : i32
      %dma_start3A_327 = arith.constant 0 : i32
      %dma_start3A_328 = tpu.memref_slice %arg6[%dma_start3A_324, %dma_start3A_326, %dma_start3A_327] : memref<10x128x64xf32, #tpu.memory_space<vmem>> -> memref<1x128x64xf32, #tpu.memory_space<vmem>>
      %dma_start3A_329 = tpu.memref_squeeze %dma_start3A_328 : memref<1x128x64xf32, #tpu.memory_space<vmem>> -> memref<128x64xf32, #tpu.memory_space<vmem>>
      %dma_start3A_330 = arith.constant 0 : i32
      %dma_start3A_331 = tpu.memref_slice %arg4[%add3A_323, %dma_start3A_330] : memref<819200x64xf32, #tpu.memory_space<hbm>> -> memref<128x64xf32, #tpu.memory_space<hbm>>
      %dma_start3A_332 = tpu.memref_slice %arg7[%dma_start3A_325] : memref<10x!tpu.dma_semaphore, #tpu.memory_space<semaphore_mem>> -> memref<1x!tpu.dma_semaphore, #tpu.memory_space<semaphore_mem>>
      %dma_start3A_333 = tpu.memref_squeeze %dma_start3A_332 : memref<1x!tpu.dma_semaphore, #tpu.memory_space<semaphore_mem>> -> memref<!tpu.dma_semaphore, #tpu.memory_space<semaphore_mem>>
      %dma_start3A_334 = arith.constant 0 : i32
      %dma_start3A_335 = tpu.memref_slice %arg4[%add3A_323, %dma_start3A_334] : memref<819200x64xf32, #tpu.memory_space<hbm>> -> memref<128x64xf32, #tpu.memory_space<hbm>>
      %dma_start3A_336 = arith.constant 0 : i32
      %dma_start3A_337 = arith.constant 0 : i32
      %dma_start3A_338 = tpu.memref_slice %arg6[%dma_start3A_324, %dma_start3A_336, %dma_start3A_337] : memref<10x128x64xf32, #tpu.memory_space<vmem>> -> memref<1x128x64xf32, #tpu.memory_space<vmem>>
      %dma_start3A_339 = tpu.memref_squeeze %dma_start3A_338 : memref<1x128x64xf32, #tpu.memory_space<vmem>> -> memref<128x64xf32, #tpu.memory_space<vmem>>
      tpu.enqueue_dma source(%dma_start3A_339 : memref<128x64xf32, #tpu.memory_space<vmem>>) target(%dma_start3A_335 : memref<128x64xf32, #tpu.memory_space<hbm>>) target_semaphore(%dma_start3A_333 : memref<!tpu.dma_semaphore, #tpu.memory_space<semaphore_mem>>)
      %mul3A_340 = arith.constant 10 : i32
      %mul3A_341 = arith.muli %scan3A_251, %mul3A_340 : i32
      %add3A_342 = arith.constant 2 : i32
      %add3A_343 = arith.addi %mul3A_341, %add3A_342 : i32
      %add3A_344 = arith.constant 5 : i32
      %add3A_345 = arith.addi %add3A_343, %add3A_344 : i32
      %lt3A_346 = arith.constant 200 : i32
      %lt3A_347 = arith.cmpi slt, %add3A_345, %lt3A_346 : i32
      %convert_element_type3A_348 = arith.extui %lt3A_347 : i1 to i32
      %cond3A_349 = arith.constant 0 : i32
      %cond3A_350 = arith.cmpi ne, %convert_element_type3A_348, %cond3A_349 : i32
      scf.if %cond3A_350 {
        %ge3A = arith.constant 10 : i32
        %ge3A_708 = arith.cmpi sge, %add3A_345, %ge3A : i32
        %convert_element_type3A_709 = arith.extui %ge3A_708 : i1 to i32
        %cond3A_710 = arith.constant 0 : i32
        %cond3A_711 = arith.cmpi ne, %convert_element_type3A_709, %cond3A_710 : i32
        scf.if %cond3A_711 {
          %dma_wait3A_726 = arith.constant 7 : i32
          %dma_wait3A_727 = arith.constant 7 : i32
          %dma_wait3A_728 = arith.constant 0 : i32
          %dma_wait3A_729 = arith.constant 0 : i32
          %dma_wait3A_730 = tpu.memref_slice %arg6[%dma_wait3A_726, %dma_wait3A_728, %dma_wait3A_729] : memref<10x128x64xf32, #tpu.memory_space<vmem>> -> memref<1x128x64xf32, #tpu.memory_space<vmem>>
          %dma_wait3A_731 = tpu.memref_squeeze %dma_wait3A_730 : memref<1x128x64xf32, #tpu.memory_space<vmem>> -> memref<128x64xf32, #tpu.memory_space<vmem>>
          %dma_wait3A_732 = arith.constant 0 : i32
          %dma_wait3A_733 = arith.constant 0 : i32
          %dma_wait3A_734 = tpu.memref_slice %arg4[%dma_wait3A_732, %dma_wait3A_733] : memref<819200x64xf32, #tpu.memory_space<hbm>> -> memref<128x64xf32, #tpu.memory_space<hbm>>
          %dma_wait3A_735 = tpu.memref_slice %arg7[%dma_wait3A_727] : memref<10x!tpu.dma_semaphore, #tpu.memory_space<semaphore_mem>> -> memref<1x!tpu.dma_semaphore, #tpu.memory_space<semaphore_mem>>
          %dma_wait3A_736 = tpu.memref_squeeze %dma_wait3A_735 : memref<1x!tpu.dma_semaphore, #tpu.memory_space<semaphore_mem>> -> memref<!tpu.dma_semaphore, #tpu.memory_space<semaphore_mem>>
          %dma_wait3A_737 = arith.constant 0 : i32
          %dma_wait3A_738 = arith.constant 0 : i32
          %dma_wait3A_739 = tpu.memref_slice %arg4[%dma_wait3A_737, %dma_wait3A_738] : memref<819200x64xf32, #tpu.memory_space<hbm>> -> memref<128x64xf32, #tpu.memory_space<hbm>>
          %dma_wait3A_740 = arith.constant 0 : i32
          %dma_wait3A_741 = arith.constant 0 : i32
          %dma_wait3A_742 = tpu.memref_slice %arg6[%dma_wait3A_726, %dma_wait3A_740, %dma_wait3A_741] : memref<10x128x64xf32, #tpu.memory_space<vmem>> -> memref<1x128x64xf32, #tpu.memory_space<vmem>>
          %dma_wait3A_743 = tpu.memref_squeeze %dma_wait3A_742 : memref<1x128x64xf32, #tpu.memory_space<vmem>> -> memref<128x64xf32, #tpu.memory_space<vmem>>
          tpu.wait_dma2 semaphore(%dma_wait3A_736 : memref<!tpu.dma_semaphore, #tpu.memory_space<semaphore_mem>>) src(%dma_wait3A_743 : memref<128x64xf32, #tpu.memory_space<vmem>>) dst(%dma_wait3A_739 : memref<128x64xf32, #tpu.memory_space<hbm>>)
        } else {
        }
        %mul3A_712 = arith.constant 128 : i32
        %mul3A_713 = arith.muli %add3A_345, %mul3A_712 : i32
        %dma_start3A_714 = arith.constant 7 : i32
        %dma_start3A_715 = arith.constant 7 : i32
        %dma_start3A_716 = arith.constant 0 : i32
        %dma_start3A_717 = arith.constant 0 : i32
        %dma_start3A_718 = tpu.memref_slice %arg6[%dma_start3A_714, %dma_start3A_716, %dma_start3A_717] : memref<10x128x64xf32, #tpu.memory_space<vmem>> -> memref<1x128x64xf32, #tpu.memory_space<vmem>>
        %dma_start3A_719 = tpu.memref_squeeze %dma_start3A_718 : memref<1x128x64xf32, #tpu.memory_space<vmem>> -> memref<128x64xf32, #tpu.memory_space<vmem>>
        %dma_start3A_720 = tpu.memref_slice %arg5[%mul3A_713] : memref<25600xi32, #tpu.memory_space<vmem>> -> memref<128xi32, #tpu.memory_space<vmem>>
        %dma_start3A_721 = arith.constant 0 : i32
        %dma_start3A_722 = arith.constant 0 : i32
        %dma_start3A_723 = tpu.memref_slice %arg3[%dma_start3A_721, %dma_start3A_722] : memref<1000000x64xf32, #tpu.memory_space<hbm>> -> memref<1000000x64xf32, #tpu.memory_space<hbm>>
        %dma_start3A_724 = tpu.memref_slice %arg7[%dma_start3A_715] : memref<10x!tpu.dma_semaphore, #tpu.memory_space<semaphore_mem>> -> memref<1x!tpu.dma_semaphore, #tpu.memory_space<semaphore_mem>>
        %dma_start3A_725 = tpu.memref_squeeze %dma_start3A_724 : memref<1x!tpu.dma_semaphore, #tpu.memory_space<semaphore_mem>> -> memref<!tpu.dma_semaphore, #tpu.memory_space<semaphore_mem>>
        tpu.enqueue_indirect_dma source(%dma_start3A_723 : memref<1000000x64xf32, #tpu.memory_space<hbm>>) target(%dma_start3A_719 : memref<128x64xf32, #tpu.memory_space<vmem>>) offsets(%dma_start3A_720 : memref<128xi32, #tpu.memory_space<vmem>>) semaphore(%dma_start3A_725 : memref<!tpu.dma_semaphore, #tpu.memory_space<semaphore_mem>>)
      } else {
      }
      %dma_wait3A_351 = arith.constant 2 : i32
      %dma_wait3A_352 = arith.constant 2 : i32
      %dma_wait3A_353 = arith.constant 0 : i32
      %dma_wait3A_354 = arith.constant 0 : i32
      %dma_wait3A_355 = tpu.memref_slice %arg6[%dma_wait3A_351, %dma_wait3A_353, %dma_wait3A_354] : memref<10x128x64xf32, #tpu.memory_space<vmem>> -> memref<1x128x64xf32, #tpu.memory_space<vmem>>
      %dma_wait3A_356 = tpu.memref_squeeze %dma_wait3A_355 : memref<1x128x64xf32, #tpu.memory_space<vmem>> -> memref<128x64xf32, #tpu.memory_space<vmem>>
      %dma_wait3A_357 = arith.constant 0 : i32
      %dma_wait3A_358 = tpu.memref_slice %arg5[%dma_wait3A_357] : memref<25600xi32, #tpu.memory_space<vmem>> -> memref<128xi32, #tpu.memory_space<vmem>>
      %dma_wait3A_359 = arith.constant 0 : i32
      %dma_wait3A_360 = arith.constant 0 : i32
      %dma_wait3A_361 = tpu.memref_slice %arg3[%dma_wait3A_359, %dma_wait3A_360] : memref<1000000x64xf32, #tpu.memory_space<hbm>> -> memref<1000000x64xf32, #tpu.memory_space<hbm>>
      %dma_wait3A_362 = tpu.memref_slice %arg7[%dma_wait3A_352] : memref<10x!tpu.dma_semaphore, #tpu.memory_space<semaphore_mem>> -> memref<1x!tpu.dma_semaphore, #tpu.memory_space<semaphore_mem>>
      %dma_wait3A_363 = tpu.memref_squeeze %dma_wait3A_362 : memref<1x!tpu.dma_semaphore, #tpu.memory_space<semaphore_mem>> -> memref<!tpu.dma_semaphore, #tpu.memory_space<semaphore_mem>>
      tpu.wait_indirect_dma semaphore(%dma_wait3A_363 : memref<!tpu.dma_semaphore, #tpu.memory_space<semaphore_mem>>) src(%dma_wait3A_361 : memref<1000000x64xf32, #tpu.memory_space<hbm>>) dst(%dma_wait3A_356 : memref<128x64xf32, #tpu.memory_space<vmem>>)
      %parallel_loop3A_364 = arith.constant 0 : i32
      %parallel_loop3A_365 = arith.constant 128 : i32
      %parallel_loop3A_366 = arith.constant 1 : i32
      scf.for %parallel_loop3A_708 = %parallel_loop3A_364 to %parallel_loop3A_365 step %parallel_loop3A_366  : i32 {
        %parallel_loop3A_709 = arith.constant 2 : i32
        %parallel_loop3A_710 = arith.index_cast %parallel_loop3A_709 : i32 to index
        %parallel_loop3A_711 = arith.index_cast %parallel_loop3A_708 : i32 to index
        %parallel_loop3A_712 = arith.constant 0 : index
        %parallel_loop3A_713 = tpu.vector_load %arg6[%parallel_loop3A_710, %parallel_loop3A_711, %parallel_loop3A_712] {strides = array<i32>} : memref<10x128x64xf32, #tpu.memory_space<vmem>>, vector<1x1x16xf32>,
        %parallel_loop3A_714 = vector.shape_cast %parallel_loop3A_713 : vector<1x1x16xf32> to vector<16xf32>
        %parallel_loop3A_715 = arith.constant 8.000000e+00 : f32
        %parallel_loop3A_716 = vector.broadcast %parallel_loop3A_715 : f32 to vector<16xf32>
        %parallel_loop3A_717 = arith.mulf %parallel_loop3A_714, %parallel_loop3A_716 : vector<16xf32>
        %parallel_loop3A_718 = arith.constant 2 : i32
        %parallel_loop3A_719 = arith.index_cast %parallel_loop3A_718 : i32 to index
        %parallel_loop3A_720 = arith.index_cast %parallel_loop3A_708 : i32 to index
        %parallel_loop3A_721 = arith.constant 0 : index
        %parallel_loop3A_722 = tpu.vector_load %arg6[%parallel_loop3A_719, %parallel_loop3A_720, %parallel_loop3A_721] {strides = array<i32>} : memref<10x128x64xf32, #tpu.memory_space<vmem>>, vector<1x1x16xf32>,
        %parallel_loop3A_723 = vector.shape_cast %parallel_loop3A_722 : vector<1x1x16xf32> to vector<16xf32>
        %parallel_loop3A_724 = vector.shape_cast %parallel_loop3A_717 : vector<16xf32> to vector<1x1x16xf32>
        tpu.vector_store %arg6[%parallel_loop3A_719, %parallel_loop3A_720, %parallel_loop3A_721], %parallel_loop3A_724 {strides = array<i32>} : memref<10x128x64xf32, #tpu.memory_space<vmem>>, vector<1x1x16xf32>,
        %parallel_loop3A_725 = arith.constant 2 : i32
        %parallel_loop3A_726 = arith.index_cast %parallel_loop3A_725 : i32 to index
        %parallel_loop3A_727 = arith.index_cast %parallel_loop3A_708 : i32 to index
        %parallel_loop3A_728 = arith.constant 16 : index
        %parallel_loop3A_729 = tpu.vector_load %arg6[%parallel_loop3A_726, %parallel_loop3A_727, %parallel_loop3A_728] {strides = array<i32>} : memref<10x128x64xf32, #tpu.memory_space<vmem>>, vector<1x1x16xf32>,
        %parallel_loop3A_730 = vector.shape_cast %parallel_loop3A_729 : vector<1x1x16xf32> to vector<16xf32>
        %parallel_loop3A_731 = arith.constant 8.000000e+00 : f32
        %parallel_loop3A_732 = vector.broadcast %parallel_loop3A_731 : f32 to vector<16xf32>
        %parallel_loop3A_733 = arith.mulf %parallel_loop3A_730, %parallel_loop3A_732 : vector<16xf32>
        %parallel_loop3A_734 = arith.constant 2 : i32
        %parallel_loop3A_735 = arith.index_cast %parallel_loop3A_734 : i32 to index
        %parallel_loop3A_736 = arith.index_cast %parallel_loop3A_708 : i32 to index
        %parallel_loop3A_737 = arith.constant 16 : index
        %parallel_loop3A_738 = tpu.vector_load %arg6[%parallel_loop3A_735, %parallel_loop3A_736, %parallel_loop3A_737] {strides = array<i32>} : memref<10x128x64xf32, #tpu.memory_space<vmem>>, vector<1x1x16xf32>,
        %parallel_loop3A_739 = vector.shape_cast %parallel_loop3A_738 : vector<1x1x16xf32> to vector<16xf32>
        %parallel_loop3A_740 = vector.shape_cast %parallel_loop3A_733 : vector<16xf32> to vector<1x1x16xf32>
        tpu.vector_store %arg6[%parallel_loop3A_735, %parallel_loop3A_736, %parallel_loop3A_737], %parallel_loop3A_740 {strides = array<i32>} : memref<10x128x64xf32, #tpu.memory_space<vmem>>, vector<1x1x16xf32>,
        %parallel_loop3A_741 = arith.constant 2 : i32
        %parallel_loop3A_742 = arith.index_cast %parallel_loop3A_741 : i32 to index
        %parallel_loop3A_743 = arith.index_cast %parallel_loop3A_708 : i32 to index
        %parallel_loop3A_744 = arith.constant 32 : index
        %parallel_loop3A_745 = tpu.vector_load %arg6[%parallel_loop3A_742, %parallel_loop3A_743, %parallel_loop3A_744] {strides = array<i32>} : memref<10x128x64xf32, #tpu.memory_space<vmem>>, vector<1x1x16xf32>,
        %parallel_loop3A_746 = vector.shape_cast %parallel_loop3A_745 : vector<1x1x16xf32> to vector<16xf32>
        %parallel_loop3A_747 = arith.constant 8.000000e+00 : f32
        %parallel_loop3A_748 = vector.broadcast %parallel_loop3A_747 : f32 to vector<16xf32>
        %parallel_loop3A_749 = arith.mulf %parallel_loop3A_746, %parallel_loop3A_748 : vector<16xf32>
        %parallel_loop3A_750 = arith.constant 2 : i32
        %parallel_loop3A_751 = arith.index_cast %parallel_loop3A_750 : i32 to index
        %parallel_loop3A_752 = arith.index_cast %parallel_loop3A_708 : i32 to index
        %parallel_loop3A_753 = arith.constant 32 : index
        %parallel_loop3A_754 = tpu.vector_load %arg6[%parallel_loop3A_751, %parallel_loop3A_752, %parallel_loop3A_753] {strides = array<i32>} : memref<10x128x64xf32, #tpu.memory_space<vmem>>, vector<1x1x16xf32>,
        %parallel_loop3A_755 = vector.shape_cast %parallel_loop3A_754 : vector<1x1x16xf32> to vector<16xf32>
        %parallel_loop3A_756 = vector.shape_cast %parallel_loop3A_749 : vector<16xf32> to vector<1x1x16xf32>
        tpu.vector_store %arg6[%parallel_loop3A_751, %parallel_loop3A_752, %parallel_loop3A_753], %parallel_loop3A_756 {strides = array<i32>} : memref<10x128x64xf32, #tpu.memory_space<vmem>>, vector<1x1x16xf32>,
        %parallel_loop3A_757 = arith.constant 2 : i32
        %parallel_loop3A_758 = arith.index_cast %parallel_loop3A_757 : i32 to index
        %parallel_loop3A_759 = arith.index_cast %parallel_loop3A_708 : i32 to index
        %parallel_loop3A_760 = arith.constant 48 : index
        %parallel_loop3A_761 = tpu.vector_load %arg6[%parallel_loop3A_758, %parallel_loop3A_759, %parallel_loop3A_760] {strides = array<i32>} : memref<10x128x64xf32, #tpu.memory_space<vmem>>, vector<1x1x16xf32>,
        %parallel_loop3A_762 = vector.shape_cast %parallel_loop3A_761 : vector<1x1x16xf32> to vector<16xf32>
        %parallel_loop3A_763 = arith.constant 8.000000e+00 : f32
        %parallel_loop3A_764 = vector.broadcast %parallel_loop3A_763 : f32 to vector<16xf32>
        %parallel_loop3A_765 = arith.mulf %parallel_loop3A_762, %parallel_loop3A_764 : vector<16xf32>
        %parallel_loop3A_766 = arith.constant 2 : i32
        %parallel_loop3A_767 = arith.index_cast %parallel_loop3A_766 : i32 to index
        %parallel_loop3A_768 = arith.index_cast %parallel_loop3A_708 : i32 to index
        %parallel_loop3A_769 = arith.constant 48 : index
        %parallel_loop3A_770 = tpu.vector_load %arg6[%parallel_loop3A_767, %parallel_loop3A_768, %parallel_loop3A_769] {strides = array<i32>} : memref<10x128x64xf32, #tpu.memory_space<vmem>>, vector<1x1x16xf32>,
        %parallel_loop3A_771 = vector.shape_cast %parallel_loop3A_770 : vector<1x1x16xf32> to vector<16xf32>
        %parallel_loop3A_772 = vector.shape_cast %parallel_loop3A_765 : vector<16xf32> to vector<1x1x16xf32>
        tpu.vector_store %arg6[%parallel_loop3A_767, %parallel_loop3A_768, %parallel_loop3A_769], %parallel_loop3A_772 {strides = array<i32>} : memref<10x128x64xf32, #tpu.memory_space<vmem>>, vector<1x1x16xf32>,
      } {sc.loop_unroll_factor = 4 : i64, sc.parallel_access}
      %mul3A_367 = arith.constant 128 : i32
      %mul3A_368 = arith.muli %add3A_343, %mul3A_367 : i32
      %add3A_369 = arith.addi %mul3A_2, %mul3A_368 : i32
      %dma_start3A_370 = arith.constant 2 : i32
      %dma_start3A_371 = arith.constant 2 : i32
      %dma_start3A_372 = arith.constant 0 : i32
      %dma_start3A_373 = arith.constant 0 : i32
      %dma_start3A_374 = tpu.memref_slice %arg6[%dma_start3A_370, %dma_start3A_372, %dma_start3A_373] : memref<10x128x64xf32, #tpu.memory_space<vmem>> -> memref<1x128x64xf32, #tpu.memory_space<vmem>>
      %dma_start3A_375 = tpu.memref_squeeze %dma_start3A_374 : memref<1x128x64xf32, #tpu.memory_space<vmem>> -> memref<128x64xf32, #tpu.memory_space<vmem>>
      %dma_start3A_376 = arith.constant 0 : i32
      %dma_start3A_377 = tpu.memref_slice %arg4[%add3A_369, %dma_start3A_376] : memref<819200x64xf32, #tpu.memory_space<hbm>> -> memref<128x64xf32, #tpu.memory_space<hbm>>
      %dma_start3A_378 = tpu.memref_slice %arg7[%dma_start3A_371] : memref<10x!tpu.dma_semaphore, #tpu.memory_space<semaphore_mem>> -> memref<1x!tpu.dma_semaphore, #tpu.memory_space<semaphore_mem>>
      %dma_start3A_379 = tpu.memref_squeeze %dma_start3A_378 : memref<1x!tpu.dma_semaphore, #tpu.memory_space<semaphore_mem>> -> memref<!tpu.dma_semaphore, #tpu.memory_space<semaphore_mem>>
      %dma_start3A_380 = arith.constant 0 : i32
      %dma_start3A_381 = tpu.memref_slice %arg4[%add3A_369, %dma_start3A_380] : memref<819200x64xf32, #tpu.memory_space<hbm>> -> memref<128x64xf32, #tpu.memory_space<hbm>>
      %dma_start3A_382 = arith.constant 0 : i32
      %dma_start3A_383 = arith.constant 0 : i32
      %dma_start3A_384 = tpu.memref_slice %arg6[%dma_start3A_370, %dma_start3A_382, %dma_start3A_383] : memref<10x128x64xf32, #tpu.memory_space<vmem>> -> memref<1x128x64xf32, #tpu.memory_space<vmem>>
      %dma_start3A_385 = tpu.memref_squeeze %dma_start3A_384 : memref<1x128x64xf32, #tpu.memory_space<vmem>> -> memref<128x64xf32, #tpu.memory_space<vmem>>
      tpu.enqueue_dma source(%dma_start3A_385 : memref<128x64xf32, #tpu.memory_space<vmem>>) target(%dma_start3A_381 : memref<128x64xf32, #tpu.memory_space<hbm>>) target_semaphore(%dma_start3A_379 : memref<!tpu.dma_semaphore, #tpu.memory_space<semaphore_mem>>)
      %mul3A_386 = arith.constant 10 : i32
      %mul3A_387 = arith.muli %scan3A_251, %mul3A_386 : i32
      %add3A_388 = arith.constant 3 : i32
      %add3A_389 = arith.addi %mul3A_387, %add3A_388 : i32
      %add3A_390 = arith.constant 5 : i32
      %add3A_391 = arith.addi %add3A_389, %add3A_390 : i32
      %lt3A_392 = arith.constant 200 : i32
      %lt3A_393 = arith.cmpi slt, %add3A_391, %lt3A_392 : i32
      %convert_element_type3A_394 = arith.extui %lt3A_393 : i1 to i32
      %cond3A_395 = arith.constant 0 : i32
      %cond3A_396 = arith.cmpi ne, %convert_element_type3A_394, %cond3A_395 : i32
      scf.if %cond3A_396 {
        %ge3A = arith.constant 10 : i32
        %ge3A_708 = arith.cmpi sge, %add3A_391, %ge3A : i32
        %convert_element_type3A_709 = arith.extui %ge3A_708 : i1 to i32
        %cond3A_710 = arith.constant 0 : i32
        %cond3A_711 = arith.cmpi ne, %convert_element_type3A_709, %cond3A_710 : i32
        scf.if %cond3A_711 {
          %dma_wait3A_726 = arith.constant 8 : i32
          %dma_wait3A_727 = arith.constant 8 : i32
          %dma_wait3A_728 = arith.constant 0 : i32
          %dma_wait3A_729 = arith.constant 0 : i32
          %dma_wait3A_730 = tpu.memref_slice %arg6[%dma_wait3A_726, %dma_wait3A_728, %dma_wait3A_729] : memref<10x128x64xf32, #tpu.memory_space<vmem>> -> memref<1x128x64xf32, #tpu.memory_space<vmem>>
          %dma_wait3A_731 = tpu.memref_squeeze %dma_wait3A_730 : memref<1x128x64xf32, #tpu.memory_space<vmem>> -> memref<128x64xf32, #tpu.memory_space<vmem>>
          %dma_wait3A_732 = arith.constant 0 : i32
          %dma_wait3A_733 = arith.constant 0 : i32
          %dma_wait3A_734 = tpu.memref_slice %arg4[%dma_wait3A_732, %dma_wait3A_733] : memref<819200x64xf32, #tpu.memory_space<hbm>> -> memref<128x64xf32, #tpu.memory_space<hbm>>
          %dma_wait3A_735 = tpu.memref_slice %arg7[%dma_wait3A_727] : memref<10x!tpu.dma_semaphore, #tpu.memory_space<semaphore_mem>> -> memref<1x!tpu.dma_semaphore, #tpu.memory_space<semaphore_mem>>
          %dma_wait3A_736 = tpu.memref_squeeze %dma_wait3A_735 : memref<1x!tpu.dma_semaphore, #tpu.memory_space<semaphore_mem>> -> memref<!tpu.dma_semaphore, #tpu.memory_space<semaphore_mem>>
          %dma_wait3A_737 = arith.constant 0 : i32
          %dma_wait3A_738 = arith.constant 0 : i32
          %dma_wait3A_739 = tpu.memref_slice %arg4[%dma_wait3A_737, %dma_wait3A_738] : memref<819200x64xf32, #tpu.memory_space<hbm>> -> memref<128x64xf32, #tpu.memory_space<hbm>>
          %dma_wait3A_740 = arith.constant 0 : i32
          %dma_wait3A_741 = arith.constant 0 : i32
          %dma_wait3A_742 = tpu.memref_slice %arg6[%dma_wait3A_726, %dma_wait3A_740, %dma_wait3A_741] : memref<10x128x64xf32, #tpu.memory_space<vmem>> -> memref<1x128x64xf32, #tpu.memory_space<vmem>>
          %dma_wait3A_743 = tpu.memref_squeeze %dma_wait3A_742 : memref<1x128x64xf32, #tpu.memory_space<vmem>> -> memref<128x64xf32, #tpu.memory_space<vmem>>
          tpu.wait_dma2 semaphore(%dma_wait3A_736 : memref<!tpu.dma_semaphore, #tpu.memory_space<semaphore_mem>>) src(%dma_wait3A_743 : memref<128x64xf32, #tpu.memory_space<vmem>>) dst(%dma_wait3A_739 : memref<128x64xf32, #tpu.memory_space<hbm>>)
        } else {
        }
        %mul3A_712 = arith.constant 128 : i32
        %mul3A_713 = arith.muli %add3A_391, %mul3A_712 : i32
        %dma_start3A_714 = arith.constant 8 : i32
        %dma_start3A_715 = arith.constant 8 : i32
        %dma_start3A_716 = arith.constant 0 : i32
        %dma_start3A_717 = arith.constant 0 : i32
        %dma_start3A_718 = tpu.memref_slice %arg6[%dma_start3A_714, %dma_start3A_716, %dma_start3A_717] : memref<10x128x64xf32, #tpu.memory_space<vmem>> -> memref<1x128x64xf32, #tpu.memory_space<vmem>>
        %dma_start3A_719 = tpu.memref_squeeze %dma_start3A_718 : memref<1x128x64xf32, #tpu.memory_space<vmem>> -> memref<128x64xf32, #tpu.memory_space<vmem>>
        %dma_start3A_720 = tpu.memref_slice %arg5[%mul3A_713] : memref<25600xi32, #tpu.memory_space<vmem>> -> memref<128xi32, #tpu.memory_space<vmem>>
        %dma_start3A_721 = arith.constant 0 : i32
        %dma_start3A_722 = arith.constant 0 : i32
        %dma_start3A_723 = tpu.memref_slice %arg3[%dma_start3A_721, %dma_start3A_722] : memref<1000000x64xf32, #tpu.memory_space<hbm>> -> memref<1000000x64xf32, #tpu.memory_space<hbm>>
        %dma_start3A_724 = tpu.memref_slice %arg7[%dma_start3A_715] : memref<10x!tpu.dma_semaphore, #tpu.memory_space<semaphore_mem>> -> memref<1x!tpu.dma_semaphore, #tpu.memory_space<semaphore_mem>>
        %dma_start3A_725 = tpu.memref_squeeze %dma_start3A_724 : memref<1x!tpu.dma_semaphore, #tpu.memory_space<semaphore_mem>> -> memref<!tpu.dma_semaphore, #tpu.memory_space<semaphore_mem>>
        tpu.enqueue_indirect_dma source(%dma_start3A_723 : memref<1000000x64xf32, #tpu.memory_space<hbm>>) target(%dma_start3A_719 : memref<128x64xf32, #tpu.memory_space<vmem>>) offsets(%dma_start3A_720 : memref<128xi32, #tpu.memory_space<vmem>>) semaphore(%dma_start3A_725 : memref<!tpu.dma_semaphore, #tpu.memory_space<semaphore_mem>>)
      } else {
      }
      %dma_wait3A_397 = arith.constant 3 : i32
      %dma_wait3A_398 = arith.constant 3 : i32
      %dma_wait3A_399 = arith.constant 0 : i32
      %dma_wait3A_400 = arith.constant 0 : i32
      %dma_wait3A_401 = tpu.memref_slice %arg6[%dma_wait3A_397, %dma_wait3A_399, %dma_wait3A_400] : memref<10x128x64xf32, #tpu.memory_space<vmem>> -> memref<1x128x64xf32, #tpu.memory_space<vmem>>
      %dma_wait3A_402 = tpu.memref_squeeze %dma_wait3A_401 : memref<1x128x64xf32, #tpu.memory_space<vmem>> -> memref<128x64xf32, #tpu.memory_space<vmem>>
      %dma_wait3A_403 = arith.constant 0 : i32
      %dma_wait3A_404 = tpu.memref_slice %arg5[%dma_wait3A_403] : memref<25600xi32, #tpu.memory_space<vmem>> -> memref<128xi32, #tpu.memory_space<vmem>>
      %dma_wait3A_405 = arith.constant 0 : i32
      %dma_wait3A_406 = arith.constant 0 : i32
      %dma_wait3A_407 = tpu.memref_slice %arg3[%dma_wait3A_405, %dma_wait3A_406] : memref<1000000x64xf32, #tpu.memory_space<hbm>> -> memref<1000000x64xf32, #tpu.memory_space<hbm>>
      %dma_wait3A_408 = tpu.memref_slice %arg7[%dma_wait3A_398] : memref<10x!tpu.dma_semaphore, #tpu.memory_space<semaphore_mem>> -> memref<1x!tpu.dma_semaphore, #tpu.memory_space<semaphore_mem>>
      %dma_wait3A_409 = tpu.memref_squeeze %dma_wait3A_408 : memref<1x!tpu.dma_semaphore, #tpu.memory_space<semaphore_mem>> -> memref<!tpu.dma_semaphore, #tpu.memory_space<semaphore_mem>>
      tpu.wait_indirect_dma semaphore(%dma_wait3A_409 : memref<!tpu.dma_semaphore, #tpu.memory_space<semaphore_mem>>) src(%dma_wait3A_407 : memref<1000000x64xf32, #tpu.memory_space<hbm>>) dst(%dma_wait3A_402 : memref<128x64xf32, #tpu.memory_space<vmem>>)
      %parallel_loop3A_410 = arith.constant 0 : i32
      %parallel_loop3A_411 = arith.constant 128 : i32
      %parallel_loop3A_412 = arith.constant 1 : i32
      scf.for %parallel_loop3A_708 = %parallel_loop3A_410 to %parallel_loop3A_411 step %parallel_loop3A_412  : i32 {
        %parallel_loop3A_709 = arith.constant 3 : i32
        %parallel_loop3A_710 = arith.index_cast %parallel_loop3A_709 : i32 to index
        %parallel_loop3A_711 = arith.index_cast %parallel_loop3A_708 : i32 to index
        %parallel_loop3A_712 = arith.constant 0 : index
        %parallel_loop3A_713 = tpu.vector_load %arg6[%parallel_loop3A_710, %parallel_loop3A_711, %parallel_loop3A_712] {strides = array<i32>} : memref<10x128x64xf32, #tpu.memory_space<vmem>>, vector<1x1x16xf32>,
        %parallel_loop3A_714 = vector.shape_cast %parallel_loop3A_713 : vector<1x1x16xf32> to vector<16xf32>
        %parallel_loop3A_715 = arith.constant 8.000000e+00 : f32
        %parallel_loop3A_716 = vector.broadcast %parallel_loop3A_715 : f32 to vector<16xf32>
        %parallel_loop3A_717 = arith.mulf %parallel_loop3A_714, %parallel_loop3A_716 : vector<16xf32>
        %parallel_loop3A_718 = arith.constant 3 : i32
        %parallel_loop3A_719 = arith.index_cast %parallel_loop3A_718 : i32 to index
        %parallel_loop3A_720 = arith.index_cast %parallel_loop3A_708 : i32 to index
        %parallel_loop3A_721 = arith.constant 0 : index
        %parallel_loop3A_722 = tpu.vector_load %arg6[%parallel_loop3A_719, %parallel_loop3A_720, %parallel_loop3A_721] {strides = array<i32>} : memref<10x128x64xf32, #tpu.memory_space<vmem>>, vector<1x1x16xf32>,
        %parallel_loop3A_723 = vector.shape_cast %parallel_loop3A_722 : vector<1x1x16xf32> to vector<16xf32>
        %parallel_loop3A_724 = vector.shape_cast %parallel_loop3A_717 : vector<16xf32> to vector<1x1x16xf32>
        tpu.vector_store %arg6[%parallel_loop3A_719, %parallel_loop3A_720, %parallel_loop3A_721], %parallel_loop3A_724 {strides = array<i32>} : memref<10x128x64xf32, #tpu.memory_space<vmem>>, vector<1x1x16xf32>,
        %parallel_loop3A_725 = arith.constant 3 : i32
        %parallel_loop3A_726 = arith.index_cast %parallel_loop3A_725 : i32 to index
        %parallel_loop3A_727 = arith.index_cast %parallel_loop3A_708 : i32 to index
        %parallel_loop3A_728 = arith.constant 16 : index
        %parallel_loop3A_729 = tpu.vector_load %arg6[%parallel_loop3A_726, %parallel_loop3A_727, %parallel_loop3A_728] {strides = array<i32>} : memref<10x128x64xf32, #tpu.memory_space<vmem>>, vector<1x1x16xf32>,
        %parallel_loop3A_730 = vector.shape_cast %parallel_loop3A_729 : vector<1x1x16xf32> to vector<16xf32>
        %parallel_loop3A_731 = arith.constant 8.000000e+00 : f32
        %parallel_loop3A_732 = vector.broadcast %parallel_loop3A_731 : f32 to vector<16xf32>
        %parallel_loop3A_733 = arith.mulf %parallel_loop3A_730, %parallel_loop3A_732 : vector<16xf32>
        %parallel_loop3A_734 = arith.constant 3 : i32
        %parallel_loop3A_735 = arith.index_cast %parallel_loop3A_734 : i32 to index
        %parallel_loop3A_736 = arith.index_cast %parallel_loop3A_708 : i32 to index
        %parallel_loop3A_737 = arith.constant 16 : index
        %parallel_loop3A_738 = tpu.vector_load %arg6[%parallel_loop3A_735, %parallel_loop3A_736, %parallel_loop3A_737] {strides = array<i32>} : memref<10x128x64xf32, #tpu.memory_space<vmem>>, vector<1x1x16xf32>,
        %parallel_loop3A_739 = vector.shape_cast %parallel_loop3A_738 : vector<1x1x16xf32> to vector<16xf32>
        %parallel_loop3A_740 = vector.shape_cast %parallel_loop3A_733 : vector<16xf32> to vector<1x1x16xf32>
        tpu.vector_store %arg6[%parallel_loop3A_735, %parallel_loop3A_736, %parallel_loop3A_737], %parallel_loop3A_740 {strides = array<i32>} : memref<10x128x64xf32, #tpu.memory_space<vmem>>, vector<1x1x16xf32>,
        %parallel_loop3A_741 = arith.constant 3 : i32
        %parallel_loop3A_742 = arith.index_cast %parallel_loop3A_741 : i32 to index
        %parallel_loop3A_743 = arith.index_cast %parallel_loop3A_708 : i32 to index
        %parallel_loop3A_744 = arith.constant 32 : index
        %parallel_loop3A_745 = tpu.vector_load %arg6[%parallel_loop3A_742, %parallel_loop3A_743, %parallel_loop3A_744] {strides = array<i32>} : memref<10x128x64xf32, #tpu.memory_space<vmem>>, vector<1x1x16xf32>,
        %parallel_loop3A_746 = vector.shape_cast %parallel_loop3A_745 : vector<1x1x16xf32> to vector<16xf32>
        %parallel_loop3A_747 = arith.constant 8.000000e+00 : f32
        %parallel_loop3A_748 = vector.broadcast %parallel_loop3A_747 : f32 to vector<16xf32>
        %parallel_loop3A_749 = arith.mulf %parallel_loop3A_746, %parallel_loop3A_748 : vector<16xf32>
        %parallel_loop3A_750 = arith.constant 3 : i32
        %parallel_loop3A_751 = arith.index_cast %parallel_loop3A_750 : i32 to index
        %parallel_loop3A_752 = arith.index_cast %parallel_loop3A_708 : i32 to index
        %parallel_loop3A_753 = arith.constant 32 : index
        %parallel_loop3A_754 = tpu.vector_load %arg6[%parallel_loop3A_751, %parallel_loop3A_752, %parallel_loop3A_753] {strides = array<i32>} : memref<10x128x64xf32, #tpu.memory_space<vmem>>, vector<1x1x16xf32>,
        %parallel_loop3A_755 = vector.shape_cast %parallel_loop3A_754 : vector<1x1x16xf32> to vector<16xf32>
        %parallel_loop3A_756 = vector.shape_cast %parallel_loop3A_749 : vector<16xf32> to vector<1x1x16xf32>
        tpu.vector_store %arg6[%parallel_loop3A_751, %parallel_loop3A_752, %parallel_loop3A_753], %parallel_loop3A_756 {strides = array<i32>} : memref<10x128x64xf32, #tpu.memory_space<vmem>>, vector<1x1x16xf32>,
        %parallel_loop3A_757 = arith.constant 3 : i32
        %parallel_loop3A_758 = arith.index_cast %parallel_loop3A_757 : i32 to index
        %parallel_loop3A_759 = arith.index_cast %parallel_loop3A_708 : i32 to index
        %parallel_loop3A_760 = arith.constant 48 : index
        %parallel_loop3A_761 = tpu.vector_load %arg6[%parallel_loop3A_758, %parallel_loop3A_759, %parallel_loop3A_760] {strides = array<i32>} : memref<10x128x64xf32, #tpu.memory_space<vmem>>, vector<1x1x16xf32>,
        %parallel_loop3A_762 = vector.shape_cast %parallel_loop3A_761 : vector<1x1x16xf32> to vector<16xf32>
        %parallel_loop3A_763 = arith.constant 8.000000e+00 : f32
        %parallel_loop3A_764 = vector.broadcast %parallel_loop3A_763 : f32 to vector<16xf32>
        %parallel_loop3A_765 = arith.mulf %parallel_loop3A_762, %parallel_loop3A_764 : vector<16xf32>
        %parallel_loop3A_766 = arith.constant 3 : i32
        %parallel_loop3A_767 = arith.index_cast %parallel_loop3A_766 : i32 to index
        %parallel_loop3A_768 = arith.index_cast %parallel_loop3A_708 : i32 to index
        %parallel_loop3A_769 = arith.constant 48 : index
        %parallel_loop3A_770 = tpu.vector_load %arg6[%parallel_loop3A_767, %parallel_loop3A_768, %parallel_loop3A_769] {strides = array<i32>} : memref<10x128x64xf32, #tpu.memory_space<vmem>>, vector<1x1x16xf32>,
        %parallel_loop3A_771 = vector.shape_cast %parallel_loop3A_770 : vector<1x1x16xf32> to vector<16xf32>
        %parallel_loop3A_772 = vector.shape_cast %parallel_loop3A_765 : vector<16xf32> to vector<1x1x16xf32>
        tpu.vector_store %arg6[%parallel_loop3A_767, %parallel_loop3A_768, %parallel_loop3A_769], %parallel_loop3A_772 {strides = array<i32>} : memref<10x128x64xf32, #tpu.memory_space<vmem>>, vector<1x1x16xf32>,
      } {sc.loop_unroll_factor = 4 : i64, sc.parallel_access}
      %mul3A_413 = arith.constant 128 : i32
      %mul3A_414 = arith.muli %add3A_389, %mul3A_413 : i32
      %add3A_415 = arith.addi %mul3A_2, %mul3A_414 : i32
      %dma_start3A_416 = arith.constant 3 : i32
      %dma_start3A_417 = arith.constant 3 : i32
      %dma_start3A_418 = arith.constant 0 : i32
      %dma_start3A_419 = arith.constant 0 : i32
      %dma_start3A_420 = tpu.memref_slice %arg6[%dma_start3A_416, %dma_start3A_418, %dma_start3A_419] : memref<10x128x64xf32, #tpu.memory_space<vmem>> -> memref<1x128x64xf32, #tpu.memory_space<vmem>>
      %dma_start3A_421 = tpu.memref_squeeze %dma_start3A_420 : memref<1x128x64xf32, #tpu.memory_space<vmem>> -> memref<128x64xf32, #tpu.memory_space<vmem>>
      %dma_start3A_422 = arith.constant 0 : i32
      %dma_start3A_423 = tpu.memref_slice %arg4[%add3A_415, %dma_start3A_422] : memref<819200x64xf32, #tpu.memory_space<hbm>> -> memref<128x64xf32, #tpu.memory_space<hbm>>
      %dma_start3A_424 = tpu.memref_slice %arg7[%dma_start3A_417] : memref<10x!tpu.dma_semaphore, #tpu.memory_space<semaphore_mem>> -> memref<1x!tpu.dma_semaphore, #tpu.memory_space<semaphore_mem>>
      %dma_start3A_425 = tpu.memref_squeeze %dma_start3A_424 : memref<1x!tpu.dma_semaphore, #tpu.memory_space<semaphore_mem>> -> memref<!tpu.dma_semaphore, #tpu.memory_space<semaphore_mem>>
      %dma_start3A_426 = arith.constant 0 : i32
      %dma_start3A_427 = tpu.memref_slice %arg4[%add3A_415, %dma_start3A_426] : memref<819200x64xf32, #tpu.memory_space<hbm>> -> memref<128x64xf32, #tpu.memory_space<hbm>>
      %dma_start3A_428 = arith.constant 0 : i32
      %dma_start3A_429 = arith.constant 0 : i32
      %dma_start3A_430 = tpu.memref_slice %arg6[%dma_start3A_416, %dma_start3A_428, %dma_start3A_429] : memref<10x128x64xf32, #tpu.memory_space<vmem>> -> memref<1x128x64xf32, #tpu.memory_space<vmem>>
      %dma_start3A_431 = tpu.memref_squeeze %dma_start3A_430 : memref<1x128x64xf32, #tpu.memory_space<vmem>> -> memref<128x64xf32, #tpu.memory_space<vmem>>
      tpu.enqueue_dma source(%dma_start3A_431 : memref<128x64xf32, #tpu.memory_space<vmem>>) target(%dma_start3A_427 : memref<128x64xf32, #tpu.memory_space<hbm>>) target_semaphore(%dma_start3A_425 : memref<!tpu.dma_semaphore, #tpu.memory_space<semaphore_mem>>)
      %mul3A_432 = arith.constant 10 : i32
      %mul3A_433 = arith.muli %scan3A_251, %mul3A_432 : i32
      %add3A_434 = arith.constant 4 : i32
      %add3A_435 = arith.addi %mul3A_433, %add3A_434 : i32
      %add3A_436 = arith.constant 5 : i32
      %add3A_437 = arith.addi %add3A_435, %add3A_436 : i32
      %lt3A_438 = arith.constant 200 : i32
      %lt3A_439 = arith.cmpi slt, %add3A_437, %lt3A_438 : i32
      %convert_element_type3A_440 = arith.extui %lt3A_439 : i1 to i32
      %cond3A_441 = arith.constant 0 : i32
      %cond3A_442 = arith.cmpi ne, %convert_element_type3A_440, %cond3A_441 : i32
      scf.if %cond3A_442 {
        %ge3A = arith.constant 10 : i32
        %ge3A_708 = arith.cmpi sge, %add3A_437, %ge3A : i32
        %convert_element_type3A_709 = arith.extui %ge3A_708 : i1 to i32
        %cond3A_710 = arith.constant 0 : i32
        %cond3A_711 = arith.cmpi ne, %convert_element_type3A_709, %cond3A_710 : i32
        scf.if %cond3A_711 {
          %dma_wait3A_726 = arith.constant 9 : i32
          %dma_wait3A_727 = arith.constant 9 : i32
          %dma_wait3A_728 = arith.constant 0 : i32
          %dma_wait3A_729 = arith.constant 0 : i32
          %dma_wait3A_730 = tpu.memref_slice %arg6[%dma_wait3A_726, %dma_wait3A_728, %dma_wait3A_729] : memref<10x128x64xf32, #tpu.memory_space<vmem>> -> memref<1x128x64xf32, #tpu.memory_space<vmem>>
          %dma_wait3A_731 = tpu.memref_squeeze %dma_wait3A_730 : memref<1x128x64xf32, #tpu.memory_space<vmem>> -> memref<128x64xf32, #tpu.memory_space<vmem>>
          %dma_wait3A_732 = arith.constant 0 : i32
          %dma_wait3A_733 = arith.constant 0 : i32
          %dma_wait3A_734 = tpu.memref_slice %arg4[%dma_wait3A_732, %dma_wait3A_733] : memref<819200x64xf32, #tpu.memory_space<hbm>> -> memref<128x64xf32, #tpu.memory_space<hbm>>
          %dma_wait3A_735 = tpu.memref_slice %arg7[%dma_wait3A_727] : memref<10x!tpu.dma_semaphore, #tpu.memory_space<semaphore_mem>> -> memref<1x!tpu.dma_semaphore, #tpu.memory_space<semaphore_mem>>
          %dma_wait3A_736 = tpu.memref_squeeze %dma_wait3A_735 : memref<1x!tpu.dma_semaphore, #tpu.memory_space<semaphore_mem>> -> memref<!tpu.dma_semaphore, #tpu.memory_space<semaphore_mem>>
          %dma_wait3A_737 = arith.constant 0 : i32
          %dma_wait3A_738 = arith.constant 0 : i32
          %dma_wait3A_739 = tpu.memref_slice %arg4[%dma_wait3A_737, %dma_wait3A_738] : memref<819200x64xf32, #tpu.memory_space<hbm>> -> memref<128x64xf32, #tpu.memory_space<hbm>>
          %dma_wait3A_740 = arith.constant 0 : i32
          %dma_wait3A_741 = arith.constant 0 : i32
          %dma_wait3A_742 = tpu.memref_slice %arg6[%dma_wait3A_726, %dma_wait3A_740, %dma_wait3A_741] : memref<10x128x64xf32, #tpu.memory_space<vmem>> -> memref<1x128x64xf32, #tpu.memory_space<vmem>>
          %dma_wait3A_743 = tpu.memref_squeeze %dma_wait3A_742 : memref<1x128x64xf32, #tpu.memory_space<vmem>> -> memref<128x64xf32, #tpu.memory_space<vmem>>
          tpu.wait_dma2 semaphore(%dma_wait3A_736 : memref<!tpu.dma_semaphore, #tpu.memory_space<semaphore_mem>>) src(%dma_wait3A_743 : memref<128x64xf32, #tpu.memory_space<vmem>>) dst(%dma_wait3A_739 : memref<128x64xf32, #tpu.memory_space<hbm>>)
        } else {
        }
        %mul3A_712 = arith.constant 128 : i32
        %mul3A_713 = arith.muli %add3A_437, %mul3A_712 : i32
        %dma_start3A_714 = arith.constant 9 : i32
        %dma_start3A_715 = arith.constant 9 : i32
        %dma_start3A_716 = arith.constant 0 : i32
        %dma_start3A_717 = arith.constant 0 : i32
        %dma_start3A_718 = tpu.memref_slice %arg6[%dma_start3A_714, %dma_start3A_716, %dma_start3A_717] : memref<10x128x64xf32, #tpu.memory_space<vmem>> -> memref<1x128x64xf32, #tpu.memory_space<vmem>>
        %dma_start3A_719 = tpu.memref_squeeze %dma_start3A_718 : memref<1x128x64xf32, #tpu.memory_space<vmem>> -> memref<128x64xf32, #tpu.memory_space<vmem>>
        %dma_start3A_720 = tpu.memref_slice %arg5[%mul3A_713] : memref<25600xi32, #tpu.memory_space<vmem>> -> memref<128xi32, #tpu.memory_space<vmem>>
        %dma_start3A_721 = arith.constant 0 : i32
        %dma_start3A_722 = arith.constant 0 : i32
        %dma_start3A_723 = tpu.memref_slice %arg3[%dma_start3A_721, %dma_start3A_722] : memref<1000000x64xf32, #tpu.memory_space<hbm>> -> memref<1000000x64xf32, #tpu.memory_space<hbm>>
        %dma_start3A_724 = tpu.memref_slice %arg7[%dma_start3A_715] : memref<10x!tpu.dma_semaphore, #tpu.memory_space<semaphore_mem>> -> memref<1x!tpu.dma_semaphore, #tpu.memory_space<semaphore_mem>>
        %dma_start3A_725 = tpu.memref_squeeze %dma_start3A_724 : memref<1x!tpu.dma_semaphore, #tpu.memory_space<semaphore_mem>> -> memref<!tpu.dma_semaphore, #tpu.memory_space<semaphore_mem>>
        tpu.enqueue_indirect_dma source(%dma_start3A_723 : memref<1000000x64xf32, #tpu.memory_space<hbm>>) target(%dma_start3A_719 : memref<128x64xf32, #tpu.memory_space<vmem>>) offsets(%dma_start3A_720 : memref<128xi32, #tpu.memory_space<vmem>>) semaphore(%dma_start3A_725 : memref<!tpu.dma_semaphore, #tpu.memory_space<semaphore_mem>>)
      } else {
      }
      %dma_wait3A_443 = arith.constant 4 : i32
      %dma_wait3A_444 = arith.constant 4 : i32
      %dma_wait3A_445 = arith.constant 0 : i32
      %dma_wait3A_446 = arith.constant 0 : i32
      %dma_wait3A_447 = tpu.memref_slice %arg6[%dma_wait3A_443, %dma_wait3A_445, %dma_wait3A_446] : memref<10x128x64xf32, #tpu.memory_space<vmem>> -> memref<1x128x64xf32, #tpu.memory_space<vmem>>
      %dma_wait3A_448 = tpu.memref_squeeze %dma_wait3A_447 : memref<1x128x64xf32, #tpu.memory_space<vmem>> -> memref<128x64xf32, #tpu.memory_space<vmem>>
      %dma_wait3A_449 = arith.constant 0 : i32
      %dma_wait3A_450 = tpu.memref_slice %arg5[%dma_wait3A_449] : memref<25600xi32, #tpu.memory_space<vmem>> -> memref<128xi32, #tpu.memory_space<vmem>>
      %dma_wait3A_451 = arith.constant 0 : i32
      %dma_wait3A_452 = arith.constant 0 : i32
      %dma_wait3A_453 = tpu.memref_slice %arg3[%dma_wait3A_451, %dma_wait3A_452] : memref<1000000x64xf32, #tpu.memory_space<hbm>> -> memref<1000000x64xf32, #tpu.memory_space<hbm>>
      %dma_wait3A_454 = tpu.memref_slice %arg7[%dma_wait3A_444] : memref<10x!tpu.dma_semaphore, #tpu.memory_space<semaphore_mem>> -> memref<1x!tpu.dma_semaphore, #tpu.memory_space<semaphore_mem>>
      %dma_wait3A_455 = tpu.memref_squeeze %dma_wait3A_454 : memref<1x!tpu.dma_semaphore, #tpu.memory_space<semaphore_mem>> -> memref<!tpu.dma_semaphore, #tpu.memory_space<semaphore_mem>>
      tpu.wait_indirect_dma semaphore(%dma_wait3A_455 : memref<!tpu.dma_semaphore, #tpu.memory_space<semaphore_mem>>) src(%dma_wait3A_453 : memref<1000000x64xf32, #tpu.memory_space<hbm>>) dst(%dma_wait3A_448 : memref<128x64xf32, #tpu.memory_space<vmem>>)
      %parallel_loop3A_456 = arith.constant 0 : i32
      %parallel_loop3A_457 = arith.constant 128 : i32
      %parallel_loop3A_458 = arith.constant 1 : i32
      scf.for %parallel_loop3A_708 = %parallel_loop3A_456 to %parallel_loop3A_457 step %parallel_loop3A_458  : i32 {
        %parallel_loop3A_709 = arith.constant 4 : i32
        %parallel_loop3A_710 = arith.index_cast %parallel_loop3A_709 : i32 to index
        %parallel_loop3A_711 = arith.index_cast %parallel_loop3A_708 : i32 to index
        %parallel_loop3A_712 = arith.constant 0 : index
        %parallel_loop3A_713 = tpu.vector_load %arg6[%parallel_loop3A_710, %parallel_loop3A_711, %parallel_loop3A_712] {strides = array<i32>} : memref<10x128x64xf32, #tpu.memory_space<vmem>>, vector<1x1x16xf32>,
        %parallel_loop3A_714 = vector.shape_cast %parallel_loop3A_713 : vector<1x1x16xf32> to vector<16xf32>
        %parallel_loop3A_715 = arith.constant 8.000000e+00 : f32
        %parallel_loop3A_716 = vector.broadcast %parallel_loop3A_715 : f32 to vector<16xf32>
        %parallel_loop3A_717 = arith.mulf %parallel_loop3A_714, %parallel_loop3A_716 : vector<16xf32>
        %parallel_loop3A_718 = arith.constant 4 : i32
        %parallel_loop3A_719 = arith.index_cast %parallel_loop3A_718 : i32 to index
        %parallel_loop3A_720 = arith.index_cast %parallel_loop3A_708 : i32 to index
        %parallel_loop3A_721 = arith.constant 0 : index
        %parallel_loop3A_722 = tpu.vector_load %arg6[%parallel_loop3A_719, %parallel_loop3A_720, %parallel_loop3A_721] {strides = array<i32>} : memref<10x128x64xf32, #tpu.memory_space<vmem>>, vector<1x1x16xf32>,
        %parallel_loop3A_723 = vector.shape_cast %parallel_loop3A_722 : vector<1x1x16xf32> to vector<16xf32>
        %parallel_loop3A_724 = vector.shape_cast %parallel_loop3A_717 : vector<16xf32> to vector<1x1x16xf32>
        tpu.vector_store %arg6[%parallel_loop3A_719, %parallel_loop3A_720, %parallel_loop3A_721], %parallel_loop3A_724 {strides = array<i32>} : memref<10x128x64xf32, #tpu.memory_space<vmem>>, vector<1x1x16xf32>,
        %parallel_loop3A_725 = arith.constant 4 : i32
        %parallel_loop3A_726 = arith.index_cast %parallel_loop3A_725 : i32 to index
        %parallel_loop3A_727 = arith.index_cast %parallel_loop3A_708 : i32 to index
        %parallel_loop3A_728 = arith.constant 16 : index
        %parallel_loop3A_729 = tpu.vector_load %arg6[%parallel_loop3A_726, %parallel_loop3A_727, %parallel_loop3A_728] {strides = array<i32>} : memref<10x128x64xf32, #tpu.memory_space<vmem>>, vector<1x1x16xf32>,
        %parallel_loop3A_730 = vector.shape_cast %parallel_loop3A_729 : vector<1x1x16xf32> to vector<16xf32>
        %parallel_loop3A_731 = arith.constant 8.000000e+00 : f32
        %parallel_loop3A_732 = vector.broadcast %parallel_loop3A_731 : f32 to vector<16xf32>
        %parallel_loop3A_733 = arith.mulf %parallel_loop3A_730, %parallel_loop3A_732 : vector<16xf32>
        %parallel_loop3A_734 = arith.constant 4 : i32
        %parallel_loop3A_735 = arith.index_cast %parallel_loop3A_734 : i32 to index
        %parallel_loop3A_736 = arith.index_cast %parallel_loop3A_708 : i32 to index
        %parallel_loop3A_737 = arith.constant 16 : index
        %parallel_loop3A_738 = tpu.vector_load %arg6[%parallel_loop3A_735, %parallel_loop3A_736, %parallel_loop3A_737] {strides = array<i32>} : memref<10x128x64xf32, #tpu.memory_space<vmem>>, vector<1x1x16xf32>,
        %parallel_loop3A_739 = vector.shape_cast %parallel_loop3A_738 : vector<1x1x16xf32> to vector<16xf32>
        %parallel_loop3A_740 = vector.shape_cast %parallel_loop3A_733 : vector<16xf32> to vector<1x1x16xf32>
        tpu.vector_store %arg6[%parallel_loop3A_735, %parallel_loop3A_736, %parallel_loop3A_737], %parallel_loop3A_740 {strides = array<i32>} : memref<10x128x64xf32, #tpu.memory_space<vmem>>, vector<1x1x16xf32>,
        %parallel_loop3A_741 = arith.constant 4 : i32
        %parallel_loop3A_742 = arith.index_cast %parallel_loop3A_741 : i32 to index
        %parallel_loop3A_743 = arith.index_cast %parallel_loop3A_708 : i32 to index
        %parallel_loop3A_744 = arith.constant 32 : index
        %parallel_loop3A_745 = tpu.vector_load %arg6[%parallel_loop3A_742, %parallel_loop3A_743, %parallel_loop3A_744] {strides = array<i32>} : memref<10x128x64xf32, #tpu.memory_space<vmem>>, vector<1x1x16xf32>,
        %parallel_loop3A_746 = vector.shape_cast %parallel_loop3A_745 : vector<1x1x16xf32> to vector<16xf32>
        %parallel_loop3A_747 = arith.constant 8.000000e+00 : f32
        %parallel_loop3A_748 = vector.broadcast %parallel_loop3A_747 : f32 to vector<16xf32>
        %parallel_loop3A_749 = arith.mulf %parallel_loop3A_746, %parallel_loop3A_748 : vector<16xf32>
        %parallel_loop3A_750 = arith.constant 4 : i32
        %parallel_loop3A_751 = arith.index_cast %parallel_loop3A_750 : i32 to index
        %parallel_loop3A_752 = arith.index_cast %parallel_loop3A_708 : i32 to index
        %parallel_loop3A_753 = arith.constant 32 : index
        %parallel_loop3A_754 = tpu.vector_load %arg6[%parallel_loop3A_751, %parallel_loop3A_752, %parallel_loop3A_753] {strides = array<i32>} : memref<10x128x64xf32, #tpu.memory_space<vmem>>, vector<1x1x16xf32>,
        %parallel_loop3A_755 = vector.shape_cast %parallel_loop3A_754 : vector<1x1x16xf32> to vector<16xf32>
        %parallel_loop3A_756 = vector.shape_cast %parallel_loop3A_749 : vector<16xf32> to vector<1x1x16xf32>
        tpu.vector_store %arg6[%parallel_loop3A_751, %parallel_loop3A_752, %parallel_loop3A_753], %parallel_loop3A_756 {strides = array<i32>} : memref<10x128x64xf32, #tpu.memory_space<vmem>>, vector<1x1x16xf32>,
        %parallel_loop3A_757 = arith.constant 4 : i32
        %parallel_loop3A_758 = arith.index_cast %parallel_loop3A_757 : i32 to index
        %parallel_loop3A_759 = arith.index_cast %parallel_loop3A_708 : i32 to index
        %parallel_loop3A_760 = arith.constant 48 : index
        %parallel_loop3A_761 = tpu.vector_load %arg6[%parallel_loop3A_758, %parallel_loop3A_759, %parallel_loop3A_760] {strides = array<i32>} : memref<10x128x64xf32, #tpu.memory_space<vmem>>, vector<1x1x16xf32>,
        %parallel_loop3A_762 = vector.shape_cast %parallel_loop3A_761 : vector<1x1x16xf32> to vector<16xf32>
        %parallel_loop3A_763 = arith.constant 8.000000e+00 : f32
        %parallel_loop3A_764 = vector.broadcast %parallel_loop3A_763 : f32 to vector<16xf32>
        %parallel_loop3A_765 = arith.mulf %parallel_loop3A_762, %parallel_loop3A_764 : vector<16xf32>
        %parallel_loop3A_766 = arith.constant 4 : i32
        %parallel_loop3A_767 = arith.index_cast %parallel_loop3A_766 : i32 to index
        %parallel_loop3A_768 = arith.index_cast %parallel_loop3A_708 : i32 to index
        %parallel_loop3A_769 = arith.constant 48 : index
        %parallel_loop3A_770 = tpu.vector_load %arg6[%parallel_loop3A_767, %parallel_loop3A_768, %parallel_loop3A_769] {strides = array<i32>} : memref<10x128x64xf32, #tpu.memory_space<vmem>>, vector<1x1x16xf32>,
        %parallel_loop3A_771 = vector.shape_cast %parallel_loop3A_770 : vector<1x1x16xf32> to vector<16xf32>
        %parallel_loop3A_772 = vector.shape_cast %parallel_loop3A_765 : vector<16xf32> to vector<1x1x16xf32>
        tpu.vector_store %arg6[%parallel_loop3A_767, %parallel_loop3A_768, %parallel_loop3A_769], %parallel_loop3A_772 {strides = array<i32>} : memref<10x128x64xf32, #tpu.memory_space<vmem>>, vector<1x1x16xf32>,
      } {sc.loop_unroll_factor = 4 : i64, sc.parallel_access}
      %mul3A_459 = arith.constant 128 : i32
      %mul3A_460 = arith.muli %add3A_435, %mul3A_459 : i32
      %add3A_461 = arith.addi %mul3A_2, %mul3A_460 : i32
      %dma_start3A_462 = arith.constant 4 : i32
      %dma_start3A_463 = arith.constant 4 : i32
      %dma_start3A_464 = arith.constant 0 : i32
      %dma_start3A_465 = arith.constant 0 : i32
      %dma_start3A_466 = tpu.memref_slice %arg6[%dma_start3A_462, %dma_start3A_464, %dma_start3A_465] : memref<10x128x64xf32, #tpu.memory_space<vmem>> -> memref<1x128x64xf32, #tpu.memory_space<vmem>>
      %dma_start3A_467 = tpu.memref_squeeze %dma_start3A_466 : memref<1x128x64xf32, #tpu.memory_space<vmem>> -> memref<128x64xf32, #tpu.memory_space<vmem>>
      %dma_start3A_468 = arith.constant 0 : i32
      %dma_start3A_469 = tpu.memref_slice %arg4[%add3A_461, %dma_start3A_468] : memref<819200x64xf32, #tpu.memory_space<hbm>> -> memref<128x64xf32, #tpu.memory_space<hbm>>
      %dma_start3A_470 = tpu.memref_slice %arg7[%dma_start3A_463] : memref<10x!tpu.dma_semaphore, #tpu.memory_space<semaphore_mem>> -> memref<1x!tpu.dma_semaphore, #tpu.memory_space<semaphore_mem>>
      %dma_start3A_471 = tpu.memref_squeeze %dma_start3A_470 : memref<1x!tpu.dma_semaphore, #tpu.memory_space<semaphore_mem>> -> memref<!tpu.dma_semaphore, #tpu.memory_space<semaphore_mem>>
      %dma_start3A_472 = arith.constant 0 : i32
      %dma_start3A_473 = tpu.memref_slice %arg4[%add3A_461, %dma_start3A_472] : memref<819200x64xf32, #tpu.memory_space<hbm>> -> memref<128x64xf32, #tpu.memory_space<hbm>>
      %dma_start3A_474 = arith.constant 0 : i32
      %dma_start3A_475 = arith.constant 0 : i32
      %dma_start3A_476 = tpu.memref_slice %arg6[%dma_start3A_462, %dma_start3A_474, %dma_start3A_475] : memref<10x128x64xf32, #tpu.memory_space<vmem>> -> memref<1x128x64xf32, #tpu.memory_space<vmem>>
      %dma_start3A_477 = tpu.memref_squeeze %dma_start3A_476 : memref<1x128x64xf32, #tpu.memory_space<vmem>> -> memref<128x64xf32, #tpu.memory_space<vmem>>
      tpu.enqueue_dma source(%dma_start3A_477 : memref<128x64xf32, #tpu.memory_space<vmem>>) target(%dma_start3A_473 : memref<128x64xf32, #tpu.memory_space<hbm>>) target_semaphore(%dma_start3A_471 : memref<!tpu.dma_semaphore, #tpu.memory_space<semaphore_mem>>)
      %mul3A_478 = arith.constant 10 : i32
      %mul3A_479 = arith.muli %scan3A_251, %mul3A_478 : i32
      %add3A_480 = arith.constant 5 : i32
      %add3A_481 = arith.addi %mul3A_479, %add3A_480 : i32
      %add3A_482 = arith.constant 5 : i32
      %add3A_483 = arith.addi %add3A_481, %add3A_482 : i32
      %lt3A_484 = arith.constant 200 : i32
      %lt3A_485 = arith.cmpi slt, %add3A_483, %lt3A_484 : i32
      %convert_element_type3A_486 = arith.extui %lt3A_485 : i1 to i32
      %cond3A_487 = arith.constant 0 : i32
      %cond3A_488 = arith.cmpi ne, %convert_element_type3A_486, %cond3A_487 : i32
      scf.if %cond3A_488 {
        %ge3A = arith.constant 10 : i32
        %ge3A_708 = arith.cmpi sge, %add3A_483, %ge3A : i32
        %convert_element_type3A_709 = arith.extui %ge3A_708 : i1 to i32
        %cond3A_710 = arith.constant 0 : i32
        %cond3A_711 = arith.cmpi ne, %convert_element_type3A_709, %cond3A_710 : i32
        scf.if %cond3A_711 {
          %dma_wait3A_726 = arith.constant 0 : i32
          %dma_wait3A_727 = arith.constant 0 : i32
          %dma_wait3A_728 = arith.constant 0 : i32
          %dma_wait3A_729 = arith.constant 0 : i32
          %dma_wait3A_730 = tpu.memref_slice %arg6[%dma_wait3A_726, %dma_wait3A_728, %dma_wait3A_729] : memref<10x128x64xf32, #tpu.memory_space<vmem>> -> memref<1x128x64xf32, #tpu.memory_space<vmem>>
          %dma_wait3A_731 = tpu.memref_squeeze %dma_wait3A_730 : memref<1x128x64xf32, #tpu.memory_space<vmem>> -> memref<128x64xf32, #tpu.memory_space<vmem>>
          %dma_wait3A_732 = arith.constant 0 : i32
          %dma_wait3A_733 = arith.constant 0 : i32
          %dma_wait3A_734 = tpu.memref_slice %arg4[%dma_wait3A_732, %dma_wait3A_733] : memref<819200x64xf32, #tpu.memory_space<hbm>> -> memref<128x64xf32, #tpu.memory_space<hbm>>
          %dma_wait3A_735 = tpu.memref_slice %arg7[%dma_wait3A_727] : memref<10x!tpu.dma_semaphore, #tpu.memory_space<semaphore_mem>> -> memref<1x!tpu.dma_semaphore, #tpu.memory_space<semaphore_mem>>
          %dma_wait3A_736 = tpu.memref_squeeze %dma_wait3A_735 : memref<1x!tpu.dma_semaphore, #tpu.memory_space<semaphore_mem>> -> memref<!tpu.dma_semaphore, #tpu.memory_space<semaphore_mem>>
          %dma_wait3A_737 = arith.constant 0 : i32
          %dma_wait3A_738 = arith.constant 0 : i32
          %dma_wait3A_739 = tpu.memref_slice %arg4[%dma_wait3A_737, %dma_wait3A_738] : memref<819200x64xf32, #tpu.memory_space<hbm>> -> memref<128x64xf32, #tpu.memory_space<hbm>>
          %dma_wait3A_740 = arith.constant 0 : i32
          %dma_wait3A_741 = arith.constant 0 : i32
          %dma_wait3A_742 = tpu.memref_slice %arg6[%dma_wait3A_726, %dma_wait3A_740, %dma_wait3A_741] : memref<10x128x64xf32, #tpu.memory_space<vmem>> -> memref<1x128x64xf32, #tpu.memory_space<vmem>>
          %dma_wait3A_743 = tpu.memref_squeeze %dma_wait3A_742 : memref<1x128x64xf32, #tpu.memory_space<vmem>> -> memref<128x64xf32, #tpu.memory_space<vmem>>
          tpu.wait_dma2 semaphore(%dma_wait3A_736 : memref<!tpu.dma_semaphore, #tpu.memory_space<semaphore_mem>>) src(%dma_wait3A_743 : memref<128x64xf32, #tpu.memory_space<vmem>>) dst(%dma_wait3A_739 : memref<128x64xf32, #tpu.memory_space<hbm>>)
        } else {
        }
        %mul3A_712 = arith.constant 128 : i32
        %mul3A_713 = arith.muli %add3A_483, %mul3A_712 : i32
        %dma_start3A_714 = arith.constant 0 : i32
        %dma_start3A_715 = arith.constant 0 : i32
        %dma_start3A_716 = arith.constant 0 : i32
        %dma_start3A_717 = arith.constant 0 : i32
        %dma_start3A_718 = tpu.memref_slice %arg6[%dma_start3A_714, %dma_start3A_716, %dma_start3A_717] : memref<10x128x64xf32, #tpu.memory_space<vmem>> -> memref<1x128x64xf32, #tpu.memory_space<vmem>>
        %dma_start3A_719 = tpu.memref_squeeze %dma_start3A_718 : memref<1x128x64xf32, #tpu.memory_space<vmem>> -> memref<128x64xf32, #tpu.memory_space<vmem>>
        %dma_start3A_720 = tpu.memref_slice %arg5[%mul3A_713] : memref<25600xi32, #tpu.memory_space<vmem>> -> memref<128xi32, #tpu.memory_space<vmem>>
        %dma_start3A_721 = arith.constant 0 : i32
        %dma_start3A_722 = arith.constant 0 : i32
        %dma_start3A_723 = tpu.memref_slice %arg3[%dma_start3A_721, %dma_start3A_722] : memref<1000000x64xf32, #tpu.memory_space<hbm>> -> memref<1000000x64xf32, #tpu.memory_space<hbm>>
        %dma_start3A_724 = tpu.memref_slice %arg7[%dma_start3A_715] : memref<10x!tpu.dma_semaphore, #tpu.memory_space<semaphore_mem>> -> memref<1x!tpu.dma_semaphore, #tpu.memory_space<semaphore_mem>>
        %dma_start3A_725 = tpu.memref_squeeze %dma_start3A_724 : memref<1x!tpu.dma_semaphore, #tpu.memory_space<semaphore_mem>> -> memref<!tpu.dma_semaphore, #tpu.memory_space<semaphore_mem>>
        tpu.enqueue_indirect_dma source(%dma_start3A_723 : memref<1000000x64xf32, #tpu.memory_space<hbm>>) target(%dma_start3A_719 : memref<128x64xf32, #tpu.memory_space<vmem>>) offsets(%dma_start3A_720 : memref<128xi32, #tpu.memory_space<vmem>>) semaphore(%dma_start3A_725 : memref<!tpu.dma_semaphore, #tpu.memory_space<semaphore_mem>>)
      } else {
      }
      %dma_wait3A_489 = arith.constant 5 : i32
      %dma_wait3A_490 = arith.constant 5 : i32
      %dma_wait3A_491 = arith.constant 0 : i32
      %dma_wait3A_492 = arith.constant 0 : i32
      %dma_wait3A_493 = tpu.memref_slice %arg6[%dma_wait3A_489, %dma_wait3A_491, %dma_wait3A_492] : memref<10x128x64xf32, #tpu.memory_space<vmem>> -> memref<1x128x64xf32, #tpu.memory_space<vmem>>
      %dma_wait3A_494 = tpu.memref_squeeze %dma_wait3A_493 : memref<1x128x64xf32, #tpu.memory_space<vmem>> -> memref<128x64xf32, #tpu.memory_space<vmem>>
      %dma_wait3A_495 = arith.constant 0 : i32
      %dma_wait3A_496 = tpu.memref_slice %arg5[%dma_wait3A_495] : memref<25600xi32, #tpu.memory_space<vmem>> -> memref<128xi32, #tpu.memory_space<vmem>>
      %dma_wait3A_497 = arith.constant 0 : i32
      %dma_wait3A_498 = arith.constant 0 : i32
      %dma_wait3A_499 = tpu.memref_slice %arg3[%dma_wait3A_497, %dma_wait3A_498] : memref<1000000x64xf32, #tpu.memory_space<hbm>> -> memref<1000000x64xf32, #tpu.memory_space<hbm>>
      %dma_wait3A_500 = tpu.memref_slice %arg7[%dma_wait3A_490] : memref<10x!tpu.dma_semaphore, #tpu.memory_space<semaphore_mem>> -> memref<1x!tpu.dma_semaphore, #tpu.memory_space<semaphore_mem>>
      %dma_wait3A_501 = tpu.memref_squeeze %dma_wait3A_500 : memref<1x!tpu.dma_semaphore, #tpu.memory_space<semaphore_mem>> -> memref<!tpu.dma_semaphore, #tpu.memory_space<semaphore_mem>>
      tpu.wait_indirect_dma semaphore(%dma_wait3A_501 : memref<!tpu.dma_semaphore, #tpu.memory_space<semaphore_mem>>) src(%dma_wait3A_499 : memref<1000000x64xf32, #tpu.memory_space<hbm>>) dst(%dma_wait3A_494 : memref<128x64xf32, #tpu.memory_space<vmem>>)
      %parallel_loop3A_502 = arith.constant 0 : i32
      %parallel_loop3A_503 = arith.constant 128 : i32
      %parallel_loop3A_504 = arith.constant 1 : i32
      scf.for %parallel_loop3A_708 = %parallel_loop3A_502 to %parallel_loop3A_503 step %parallel_loop3A_504  : i32 {
        %parallel_loop3A_709 = arith.constant 5 : i32
        %parallel_loop3A_710 = arith.index_cast %parallel_loop3A_709 : i32 to index
        %parallel_loop3A_711 = arith.index_cast %parallel_loop3A_708 : i32 to index
        %parallel_loop3A_712 = arith.constant 0 : index
        %parallel_loop3A_713 = tpu.vector_load %arg6[%parallel_loop3A_710, %parallel_loop3A_711, %parallel_loop3A_712] {strides = array<i32>} : memref<10x128x64xf32, #tpu.memory_space<vmem>>, vector<1x1x16xf32>,
        %parallel_loop3A_714 = vector.shape_cast %parallel_loop3A_713 : vector<1x1x16xf32> to vector<16xf32>
        %parallel_loop3A_715 = arith.constant 8.000000e+00 : f32
        %parallel_loop3A_716 = vector.broadcast %parallel_loop3A_715 : f32 to vector<16xf32>
        %parallel_loop3A_717 = arith.mulf %parallel_loop3A_714, %parallel_loop3A_716 : vector<16xf32>
        %parallel_loop3A_718 = arith.constant 5 : i32
        %parallel_loop3A_719 = arith.index_cast %parallel_loop3A_718 : i32 to index
        %parallel_loop3A_720 = arith.index_cast %parallel_loop3A_708 : i32 to index
        %parallel_loop3A_721 = arith.constant 0 : index
        %parallel_loop3A_722 = tpu.vector_load %arg6[%parallel_loop3A_719, %parallel_loop3A_720, %parallel_loop3A_721] {strides = array<i32>} : memref<10x128x64xf32, #tpu.memory_space<vmem>>, vector<1x1x16xf32>,
        %parallel_loop3A_723 = vector.shape_cast %parallel_loop3A_722 : vector<1x1x16xf32> to vector<16xf32>
        %parallel_loop3A_724 = vector.shape_cast %parallel_loop3A_717 : vector<16xf32> to vector<1x1x16xf32>
        tpu.vector_store %arg6[%parallel_loop3A_719, %parallel_loop3A_720, %parallel_loop3A_721], %parallel_loop3A_724 {strides = array<i32>} : memref<10x128x64xf32, #tpu.memory_space<vmem>>, vector<1x1x16xf32>,
        %parallel_loop3A_725 = arith.constant 5 : i32
        %parallel_loop3A_726 = arith.index_cast %parallel_loop3A_725 : i32 to index
        %parallel_loop3A_727 = arith.index_cast %parallel_loop3A_708 : i32 to index
        %parallel_loop3A_728 = arith.constant 16 : index
        %parallel_loop3A_729 = tpu.vector_load %arg6[%parallel_loop3A_726, %parallel_loop3A_727, %parallel_loop3A_728] {strides = array<i32>} : memref<10x128x64xf32, #tpu.memory_space<vmem>>, vector<1x1x16xf32>,
        %parallel_loop3A_730 = vector.shape_cast %parallel_loop3A_729 : vector<1x1x16xf32> to vector<16xf32>
        %parallel_loop3A_731 = arith.constant 8.000000e+00 : f32
        %parallel_loop3A_732 = vector.broadcast %parallel_loop3A_731 : f32 to vector<16xf32>
        %parallel_loop3A_733 = arith.mulf %parallel_loop3A_730, %parallel_loop3A_732 : vector<16xf32>
        %parallel_loop3A_734 = arith.constant 5 : i32
        %parallel_loop3A_735 = arith.index_cast %parallel_loop3A_734 : i32 to index
        %parallel_loop3A_736 = arith.index_cast %parallel_loop3A_708 : i32 to index
        %parallel_loop3A_737 = arith.constant 16 : index
        %parallel_loop3A_738 = tpu.vector_load %arg6[%parallel_loop3A_735, %parallel_loop3A_736, %parallel_loop3A_737] {strides = array<i32>} : memref<10x128x64xf32, #tpu.memory_space<vmem>>, vector<1x1x16xf32>,
        %parallel_loop3A_739 = vector.shape_cast %parallel_loop3A_738 : vector<1x1x16xf32> to vector<16xf32>
        %parallel_loop3A_740 = vector.shape_cast %parallel_loop3A_733 : vector<16xf32> to vector<1x1x16xf32>
        tpu.vector_store %arg6[%parallel_loop3A_735, %parallel_loop3A_736, %parallel_loop3A_737], %parallel_loop3A_740 {strides = array<i32>} : memref<10x128x64xf32, #tpu.memory_space<vmem>>, vector<1x1x16xf32>,
        %parallel_loop3A_741 = arith.constant 5 : i32
        %parallel_loop3A_742 = arith.index_cast %parallel_loop3A_741 : i32 to index
        %parallel_loop3A_743 = arith.index_cast %parallel_loop3A_708 : i32 to index
        %parallel_loop3A_744 = arith.constant 32 : index
        %parallel_loop3A_745 = tpu.vector_load %arg6[%parallel_loop3A_742, %parallel_loop3A_743, %parallel_loop3A_744] {strides = array<i32>} : memref<10x128x64xf32, #tpu.memory_space<vmem>>, vector<1x1x16xf32>,
        %parallel_loop3A_746 = vector.shape_cast %parallel_loop3A_745 : vector<1x1x16xf32> to vector<16xf32>
        %parallel_loop3A_747 = arith.constant 8.000000e+00 : f32
        %parallel_loop3A_748 = vector.broadcast %parallel_loop3A_747 : f32 to vector<16xf32>
        %parallel_loop3A_749 = arith.mulf %parallel_loop3A_746, %parallel_loop3A_748 : vector<16xf32>
        %parallel_loop3A_750 = arith.constant 5 : i32
        %parallel_loop3A_751 = arith.index_cast %parallel_loop3A_750 : i32 to index
        %parallel_loop3A_752 = arith.index_cast %parallel_loop3A_708 : i32 to index
        %parallel_loop3A_753 = arith.constant 32 : index
        %parallel_loop3A_754 = tpu.vector_load %arg6[%parallel_loop3A_751, %parallel_loop3A_752, %parallel_loop3A_753] {strides = array<i32>} : memref<10x128x64xf32, #tpu.memory_space<vmem>>, vector<1x1x16xf32>,
        %parallel_loop3A_755 = vector.shape_cast %parallel_loop3A_754 : vector<1x1x16xf32> to vector<16xf32>
        %parallel_loop3A_756 = vector.shape_cast %parallel_loop3A_749 : vector<16xf32> to vector<1x1x16xf32>
        tpu.vector_store %arg6[%parallel_loop3A_751, %parallel_loop3A_752, %parallel_loop3A_753], %parallel_loop3A_756 {strides = array<i32>} : memref<10x128x64xf32, #tpu.memory_space<vmem>>, vector<1x1x16xf32>,
        %parallel_loop3A_757 = arith.constant 5 : i32
        %parallel_loop3A_758 = arith.index_cast %parallel_loop3A_757 : i32 to index
        %parallel_loop3A_759 = arith.index_cast %parallel_loop3A_708 : i32 to index
        %parallel_loop3A_760 = arith.constant 48 : index
        %parallel_loop3A_761 = tpu.vector_load %arg6[%parallel_loop3A_758, %parallel_loop3A_759, %parallel_loop3A_760] {strides = array<i32>} : memref<10x128x64xf32, #tpu.memory_space<vmem>>, vector<1x1x16xf32>,
        %parallel_loop3A_762 = vector.shape_cast %parallel_loop3A_761 : vector<1x1x16xf32> to vector<16xf32>
        %parallel_loop3A_763 = arith.constant 8.000000e+00 : f32
        %parallel_loop3A_764 = vector.broadcast %parallel_loop3A_763 : f32 to vector<16xf32>
        %parallel_loop3A_765 = arith.mulf %parallel_loop3A_762, %parallel_loop3A_764 : vector<16xf32>
        %parallel_loop3A_766 = arith.constant 5 : i32
        %parallel_loop3A_767 = arith.index_cast %parallel_loop3A_766 : i32 to index
        %parallel_loop3A_768 = arith.index_cast %parallel_loop3A_708 : i32 to index
        %parallel_loop3A_769 = arith.constant 48 : index
        %parallel_loop3A_770 = tpu.vector_load %arg6[%parallel_loop3A_767, %parallel_loop3A_768, %parallel_loop3A_769] {strides = array<i32>} : memref<10x128x64xf32, #tpu.memory_space<vmem>>, vector<1x1x16xf32>,
        %parallel_loop3A_771 = vector.shape_cast %parallel_loop3A_770 : vector<1x1x16xf32> to vector<16xf32>
        %parallel_loop3A_772 = vector.shape_cast %parallel_loop3A_765 : vector<16xf32> to vector<1x1x16xf32>
        tpu.vector_store %arg6[%parallel_loop3A_767, %parallel_loop3A_768, %parallel_loop3A_769], %parallel_loop3A_772 {strides = array<i32>} : memref<10x128x64xf32, #tpu.memory_space<vmem>>, vector<1x1x16xf32>,
      } {sc.loop_unroll_factor = 4 : i64, sc.parallel_access}
      %mul3A_505 = arith.constant 128 : i32
      %mul3A_506 = arith.muli %add3A_481, %mul3A_505 : i32
      %add3A_507 = arith.addi %mul3A_2, %mul3A_506 : i32
      %dma_start3A_508 = arith.constant 5 : i32
      %dma_start3A_509 = arith.constant 5 : i32
      %dma_start3A_510 = arith.constant 0 : i32
      %dma_start3A_511 = arith.constant 0 : i32
      %dma_start3A_512 = tpu.memref_slice %arg6[%dma_start3A_508, %dma_start3A_510, %dma_start3A_511] : memref<10x128x64xf32, #tpu.memory_space<vmem>> -> memref<1x128x64xf32, #tpu.memory_space<vmem>>
      %dma_start3A_513 = tpu.memref_squeeze %dma_start3A_512 : memref<1x128x64xf32, #tpu.memory_space<vmem>> -> memref<128x64xf32, #tpu.memory_space<vmem>>
      %dma_start3A_514 = arith.constant 0 : i32
      %dma_start3A_515 = tpu.memref_slice %arg4[%add3A_507, %dma_start3A_514] : memref<819200x64xf32, #tpu.memory_space<hbm>> -> memref<128x64xf32, #tpu.memory_space<hbm>>
      %dma_start3A_516 = tpu.memref_slice %arg7[%dma_start3A_509] : memref<10x!tpu.dma_semaphore, #tpu.memory_space<semaphore_mem>> -> memref<1x!tpu.dma_semaphore, #tpu.memory_space<semaphore_mem>>
      %dma_start3A_517 = tpu.memref_squeeze %dma_start3A_516 : memref<1x!tpu.dma_semaphore, #tpu.memory_space<semaphore_mem>> -> memref<!tpu.dma_semaphore, #tpu.memory_space<semaphore_mem>>
      %dma_start3A_518 = arith.constant 0 : i32
      %dma_start3A_519 = tpu.memref_slice %arg4[%add3A_507, %dma_start3A_518] : memref<819200x64xf32, #tpu.memory_space<hbm>> -> memref<128x64xf32, #tpu.memory_space<hbm>>
      %dma_start3A_520 = arith.constant 0 : i32
      %dma_start3A_521 = arith.constant 0 : i32
      %dma_start3A_522 = tpu.memref_slice %arg6[%dma_start3A_508, %dma_start3A_520, %dma_start3A_521] : memref<10x128x64xf32, #tpu.memory_space<vmem>> -> memref<1x128x64xf32, #tpu.memory_space<vmem>>
      %dma_start3A_523 = tpu.memref_squeeze %dma_start3A_522 : memref<1x128x64xf32, #tpu.memory_space<vmem>> -> memref<128x64xf32, #tpu.memory_space<vmem>>
      tpu.enqueue_dma source(%dma_start3A_523 : memref<128x64xf32, #tpu.memory_space<vmem>>) target(%dma_start3A_519 : memref<128x64xf32, #tpu.memory_space<hbm>>) target_semaphore(%dma_start3A_517 : memref<!tpu.dma_semaphore, #tpu.memory_space<semaphore_mem>>)
      %mul3A_524 = arith.constant 10 : i32
      %mul3A_525 = arith.muli %scan3A_251, %mul3A_524 : i32
      %add3A_526 = arith.constant 6 : i32
      %add3A_527 = arith.addi %mul3A_525, %add3A_526 : i32
      %add3A_528 = arith.constant 5 : i32
      %add3A_529 = arith.addi %add3A_527, %add3A_528 : i32
      %lt3A_530 = arith.constant 200 : i32
      %lt3A_531 = arith.cmpi slt, %add3A_529, %lt3A_530 : i32
      %convert_element_type3A_532 = arith.extui %lt3A_531 : i1 to i32
      %cond3A_533 = arith.constant 0 : i32
      %cond3A_534 = arith.cmpi ne, %convert_element_type3A_532, %cond3A_533 : i32
      scf.if %cond3A_534 {
        %ge3A = arith.constant 10 : i32
        %ge3A_708 = arith.cmpi sge, %add3A_529, %ge3A : i32
        %convert_element_type3A_709 = arith.extui %ge3A_708 : i1 to i32
        %cond3A_710 = arith.constant 0 : i32
        %cond3A_711 = arith.cmpi ne, %convert_element_type3A_709, %cond3A_710 : i32
        scf.if %cond3A_711 {
          %dma_wait3A_726 = arith.constant 1 : i32
          %dma_wait3A_727 = arith.constant 1 : i32
          %dma_wait3A_728 = arith.constant 0 : i32
          %dma_wait3A_729 = arith.constant 0 : i32
          %dma_wait3A_730 = tpu.memref_slice %arg6[%dma_wait3A_726, %dma_wait3A_728, %dma_wait3A_729] : memref<10x128x64xf32, #tpu.memory_space<vmem>> -> memref<1x128x64xf32, #tpu.memory_space<vmem>>
          %dma_wait3A_731 = tpu.memref_squeeze %dma_wait3A_730 : memref<1x128x64xf32, #tpu.memory_space<vmem>> -> memref<128x64xf32, #tpu.memory_space<vmem>>
          %dma_wait3A_732 = arith.constant 0 : i32
          %dma_wait3A_733 = arith.constant 0 : i32
          %dma_wait3A_734 = tpu.memref_slice %arg4[%dma_wait3A_732, %dma_wait3A_733] : memref<819200x64xf32, #tpu.memory_space<hbm>> -> memref<128x64xf32, #tpu.memory_space<hbm>>
          %dma_wait3A_735 = tpu.memref_slice %arg7[%dma_wait3A_727] : memref<10x!tpu.dma_semaphore, #tpu.memory_space<semaphore_mem>> -> memref<1x!tpu.dma_semaphore, #tpu.memory_space<semaphore_mem>>
          %dma_wait3A_736 = tpu.memref_squeeze %dma_wait3A_735 : memref<1x!tpu.dma_semaphore, #tpu.memory_space<semaphore_mem>> -> memref<!tpu.dma_semaphore, #tpu.memory_space<semaphore_mem>>
          %dma_wait3A_737 = arith.constant 0 : i32
          %dma_wait3A_738 = arith.constant 0 : i32
          %dma_wait3A_739 = tpu.memref_slice %arg4[%dma_wait3A_737, %dma_wait3A_738] : memref<819200x64xf32, #tpu.memory_space<hbm>> -> memref<128x64xf32, #tpu.memory_space<hbm>>
          %dma_wait3A_740 = arith.constant 0 : i32
          %dma_wait3A_741 = arith.constant 0 : i32
          %dma_wait3A_742 = tpu.memref_slice %arg6[%dma_wait3A_726, %dma_wait3A_740, %dma_wait3A_741] : memref<10x128x64xf32, #tpu.memory_space<vmem>> -> memref<1x128x64xf32, #tpu.memory_space<vmem>>
          %dma_wait3A_743 = tpu.memref_squeeze %dma_wait3A_742 : memref<1x128x64xf32, #tpu.memory_space<vmem>> -> memref<128x64xf32, #tpu.memory_space<vmem>>
          tpu.wait_dma2 semaphore(%dma_wait3A_736 : memref<!tpu.dma_semaphore, #tpu.memory_space<semaphore_mem>>) src(%dma_wait3A_743 : memref<128x64xf32, #tpu.memory_space<vmem>>) dst(%dma_wait3A_739 : memref<128x64xf32, #tpu.memory_space<hbm>>)
        } else {
        }
        %mul3A_712 = arith.constant 128 : i32
        %mul3A_713 = arith.muli %add3A_529, %mul3A_712 : i32
        %dma_start3A_714 = arith.constant 1 : i32
        %dma_start3A_715 = arith.constant 1 : i32
        %dma_start3A_716 = arith.constant 0 : i32
        %dma_start3A_717 = arith.constant 0 : i32
        %dma_start3A_718 = tpu.memref_slice %arg6[%dma_start3A_714, %dma_start3A_716, %dma_start3A_717] : memref<10x128x64xf32, #tpu.memory_space<vmem>> -> memref<1x128x64xf32, #tpu.memory_space<vmem>>
        %dma_start3A_719 = tpu.memref_squeeze %dma_start3A_718 : memref<1x128x64xf32, #tpu.memory_space<vmem>> -> memref<128x64xf32, #tpu.memory_space<vmem>>
        %dma_start3A_720 = tpu.memref_slice %arg5[%mul3A_713] : memref<25600xi32, #tpu.memory_space<vmem>> -> memref<128xi32, #tpu.memory_space<vmem>>
        %dma_start3A_721 = arith.constant 0 : i32
        %dma_start3A_722 = arith.constant 0 : i32
        %dma_start3A_723 = tpu.memref_slice %arg3[%dma_start3A_721, %dma_start3A_722] : memref<1000000x64xf32, #tpu.memory_space<hbm>> -> memref<1000000x64xf32, #tpu.memory_space<hbm>>
        %dma_start3A_724 = tpu.memref_slice %arg7[%dma_start3A_715] : memref<10x!tpu.dma_semaphore, #tpu.memory_space<semaphore_mem>> -> memref<1x!tpu.dma_semaphore, #tpu.memory_space<semaphore_mem>>
        %dma_start3A_725 = tpu.memref_squeeze %dma_start3A_724 : memref<1x!tpu.dma_semaphore, #tpu.memory_space<semaphore_mem>> -> memref<!tpu.dma_semaphore, #tpu.memory_space<semaphore_mem>>
        tpu.enqueue_indirect_dma source(%dma_start3A_723 : memref<1000000x64xf32, #tpu.memory_space<hbm>>) target(%dma_start3A_719 : memref<128x64xf32, #tpu.memory_space<vmem>>) offsets(%dma_start3A_720 : memref<128xi32, #tpu.memory_space<vmem>>) semaphore(%dma_start3A_725 : memref<!tpu.dma_semaphore, #tpu.memory_space<semaphore_mem>>)
      } else {
      }
      %dma_wait3A_535 = arith.constant 6 : i32
      %dma_wait3A_536 = arith.constant 6 : i32
      %dma_wait3A_537 = arith.constant 0 : i32
      %dma_wait3A_538 = arith.constant 0 : i32
      %dma_wait3A_539 = tpu.memref_slice %arg6[%dma_wait3A_535, %dma_wait3A_537, %dma_wait3A_538] : memref<10x128x64xf32, #tpu.memory_space<vmem>> -> memref<1x128x64xf32, #tpu.memory_space<vmem>>
      %dma_wait3A_540 = tpu.memref_squeeze %dma_wait3A_539 : memref<1x128x64xf32, #tpu.memory_space<vmem>> -> memref<128x64xf32, #tpu.memory_space<vmem>>
      %dma_wait3A_541 = arith.constant 0 : i32
      %dma_wait3A_542 = tpu.memref_slice %arg5[%dma_wait3A_541] : memref<25600xi32, #tpu.memory_space<vmem>> -> memref<128xi32, #tpu.memory_space<vmem>>
      %dma_wait3A_543 = arith.constant 0 : i32
      %dma_wait3A_544 = arith.constant 0 : i32
      %dma_wait3A_545 = tpu.memref_slice %arg3[%dma_wait3A_543, %dma_wait3A_544] : memref<1000000x64xf32, #tpu.memory_space<hbm>> -> memref<1000000x64xf32, #tpu.memory_space<hbm>>
      %dma_wait3A_546 = tpu.memref_slice %arg7[%dma_wait3A_536] : memref<10x!tpu.dma_semaphore, #tpu.memory_space<semaphore_mem>> -> memref<1x!tpu.dma_semaphore, #tpu.memory_space<semaphore_mem>>
      %dma_wait3A_547 = tpu.memref_squeeze %dma_wait3A_546 : memref<1x!tpu.dma_semaphore, #tpu.memory_space<semaphore_mem>> -> memref<!tpu.dma_semaphore, #tpu.memory_space<semaphore_mem>>
      tpu.wait_indirect_dma semaphore(%dma_wait3A_547 : memref<!tpu.dma_semaphore, #tpu.memory_space<semaphore_mem>>) src(%dma_wait3A_545 : memref<1000000x64xf32, #tpu.memory_space<hbm>>) dst(%dma_wait3A_540 : memref<128x64xf32, #tpu.memory_space<vmem>>)
      %parallel_loop3A_548 = arith.constant 0 : i32
      %parallel_loop3A_549 = arith.constant 128 : i32
      %parallel_loop3A_550 = arith.constant 1 : i32
      scf.for %parallel_loop3A_708 = %parallel_loop3A_548 to %parallel_loop3A_549 step %parallel_loop3A_550  : i32 {
        %parallel_loop3A_709 = arith.constant 6 : i32
        %parallel_loop3A_710 = arith.index_cast %parallel_loop3A_709 : i32 to index
        %parallel_loop3A_711 = arith.index_cast %parallel_loop3A_708 : i32 to index
        %parallel_loop3A_712 = arith.constant 0 : index
        %parallel_loop3A_713 = tpu.vector_load %arg6[%parallel_loop3A_710, %parallel_loop3A_711, %parallel_loop3A_712] {strides = array<i32>} : memref<10x128x64xf32, #tpu.memory_space<vmem>>, vector<1x1x16xf32>,
        %parallel_loop3A_714 = vector.shape_cast %parallel_loop3A_713 : vector<1x1x16xf32> to vector<16xf32>
        %parallel_loop3A_715 = arith.constant 8.000000e+00 : f32
        %parallel_loop3A_716 = vector.broadcast %parallel_loop3A_715 : f32 to vector<16xf32>
        %parallel_loop3A_717 = arith.mulf %parallel_loop3A_714, %parallel_loop3A_716 : vector<16xf32>
        %parallel_loop3A_718 = arith.constant 6 : i32
        %parallel_loop3A_719 = arith.index_cast %parallel_loop3A_718 : i32 to index
        %parallel_loop3A_720 = arith.index_cast %parallel_loop3A_708 : i32 to index
        %parallel_loop3A_721 = arith.constant 0 : index
        %parallel_loop3A_722 = tpu.vector_load %arg6[%parallel_loop3A_719, %parallel_loop3A_720, %parallel_loop3A_721] {strides = array<i32>} : memref<10x128x64xf32, #tpu.memory_space<vmem>>, vector<1x1x16xf32>,
        %parallel_loop3A_723 = vector.shape_cast %parallel_loop3A_722 : vector<1x1x16xf32> to vector<16xf32>
        %parallel_loop3A_724 = vector.shape_cast %parallel_loop3A_717 : vector<16xf32> to vector<1x1x16xf32>
        tpu.vector_store %arg6[%parallel_loop3A_719, %parallel_loop3A_720, %parallel_loop3A_721], %parallel_loop3A_724 {strides = array<i32>} : memref<10x128x64xf32, #tpu.memory_space<vmem>>, vector<1x1x16xf32>,
        %parallel_loop3A_725 = arith.constant 6 : i32
        %parallel_loop3A_726 = arith.index_cast %parallel_loop3A_725 : i32 to index
        %parallel_loop3A_727 = arith.index_cast %parallel_loop3A_708 : i32 to index
        %parallel_loop3A_728 = arith.constant 16 : index
        %parallel_loop3A_729 = tpu.vector_load %arg6[%parallel_loop3A_726, %parallel_loop3A_727, %parallel_loop3A_728] {strides = array<i32>} : memref<10x128x64xf32, #tpu.memory_space<vmem>>, vector<1x1x16xf32>,
        %parallel_loop3A_730 = vector.shape_cast %parallel_loop3A_729 : vector<1x1x16xf32> to vector<16xf32>
        %parallel_loop3A_731 = arith.constant 8.000000e+00 : f32
        %parallel_loop3A_732 = vector.broadcast %parallel_loop3A_731 : f32 to vector<16xf32>
        %parallel_loop3A_733 = arith.mulf %parallel_loop3A_730, %parallel_loop3A_732 : vector<16xf32>
        %parallel_loop3A_734 = arith.constant 6 : i32
        %parallel_loop3A_735 = arith.index_cast %parallel_loop3A_734 : i32 to index
        %parallel_loop3A_736 = arith.index_cast %parallel_loop3A_708 : i32 to index
        %parallel_loop3A_737 = arith.constant 16 : index
        %parallel_loop3A_738 = tpu.vector_load %arg6[%parallel_loop3A_735, %parallel_loop3A_736, %parallel_loop3A_737] {strides = array<i32>} : memref<10x128x64xf32, #tpu.memory_space<vmem>>, vector<1x1x16xf32>,
        %parallel_loop3A_739 = vector.shape_cast %parallel_loop3A_738 : vector<1x1x16xf32> to vector<16xf32>
        %parallel_loop3A_740 = vector.shape_cast %parallel_loop3A_733 : vector<16xf32> to vector<1x1x16xf32>
        tpu.vector_store %arg6[%parallel_loop3A_735, %parallel_loop3A_736, %parallel_loop3A_737], %parallel_loop3A_740 {strides = array<i32>} : memref<10x128x64xf32, #tpu.memory_space<vmem>>, vector<1x1x16xf32>,
        %parallel_loop3A_741 = arith.constant 6 : i32
        %parallel_loop3A_742 = arith.index_cast %parallel_loop3A_741 : i32 to index
        %parallel_loop3A_743 = arith.index_cast %parallel_loop3A_708 : i32 to index
        %parallel_loop3A_744 = arith.constant 32 : index
        %parallel_loop3A_745 = tpu.vector_load %arg6[%parallel_loop3A_742, %parallel_loop3A_743, %parallel_loop3A_744] {strides = array<i32>} : memref<10x128x64xf32, #tpu.memory_space<vmem>>, vector<1x1x16xf32>,
        %parallel_loop3A_746 = vector.shape_cast %parallel_loop3A_745 : vector<1x1x16xf32> to vector<16xf32>
        %parallel_loop3A_747 = arith.constant 8.000000e+00 : f32
        %parallel_loop3A_748 = vector.broadcast %parallel_loop3A_747 : f32 to vector<16xf32>
        %parallel_loop3A_749 = arith.mulf %parallel_loop3A_746, %parallel_loop3A_748 : vector<16xf32>
        %parallel_loop3A_750 = arith.constant 6 : i32
        %parallel_loop3A_751 = arith.index_cast %parallel_loop3A_750 : i32 to index
        %parallel_loop3A_752 = arith.index_cast %parallel_loop3A_708 : i32 to index
        %parallel_loop3A_753 = arith.constant 32 : index
        %parallel_loop3A_754 = tpu.vector_load %arg6[%parallel_loop3A_751, %parallel_loop3A_752, %parallel_loop3A_753] {strides = array<i32>} : memref<10x128x64xf32, #tpu.memory_space<vmem>>, vector<1x1x16xf32>,
        %parallel_loop3A_755 = vector.shape_cast %parallel_loop3A_754 : vector<1x1x16xf32> to vector<16xf32>
        %parallel_loop3A_756 = vector.shape_cast %parallel_loop3A_749 : vector<16xf32> to vector<1x1x16xf32>
        tpu.vector_store %arg6[%parallel_loop3A_751, %parallel_loop3A_752, %parallel_loop3A_753], %parallel_loop3A_756 {strides = array<i32>} : memref<10x128x64xf32, #tpu.memory_space<vmem>>, vector<1x1x16xf32>,
        %parallel_loop3A_757 = arith.constant 6 : i32
        %parallel_loop3A_758 = arith.index_cast %parallel_loop3A_757 : i32 to index
        %parallel_loop3A_759 = arith.index_cast %parallel_loop3A_708 : i32 to index
        %parallel_loop3A_760 = arith.constant 48 : index
        %parallel_loop3A_761 = tpu.vector_load %arg6[%parallel_loop3A_758, %parallel_loop3A_759, %parallel_loop3A_760] {strides = array<i32>} : memref<10x128x64xf32, #tpu.memory_space<vmem>>, vector<1x1x16xf32>,
        %parallel_loop3A_762 = vector.shape_cast %parallel_loop3A_761 : vector<1x1x16xf32> to vector<16xf32>
        %parallel_loop3A_763 = arith.constant 8.000000e+00 : f32
        %parallel_loop3A_764 = vector.broadcast %parallel_loop3A_763 : f32 to vector<16xf32>
        %parallel_loop3A_765 = arith.mulf %parallel_loop3A_762, %parallel_loop3A_764 : vector<16xf32>
        %parallel_loop3A_766 = arith.constant 6 : i32
        %parallel_loop3A_767 = arith.index_cast %parallel_loop3A_766 : i32 to index
        %parallel_loop3A_768 = arith.index_cast %parallel_loop3A_708 : i32 to index
        %parallel_loop3A_769 = arith.constant 48 : index
        %parallel_loop3A_770 = tpu.vector_load %arg6[%parallel_loop3A_767, %parallel_loop3A_768, %parallel_loop3A_769] {strides = array<i32>} : memref<10x128x64xf32, #tpu.memory_space<vmem>>, vector<1x1x16xf32>,
        %parallel_loop3A_771 = vector.shape_cast %parallel_loop3A_770 : vector<1x1x16xf32> to vector<16xf32>
        %parallel_loop3A_772 = vector.shape_cast %parallel_loop3A_765 : vector<16xf32> to vector<1x1x16xf32>
        tpu.vector_store %arg6[%parallel_loop3A_767, %parallel_loop3A_768, %parallel_loop3A_769], %parallel_loop3A_772 {strides = array<i32>} : memref<10x128x64xf32, #tpu.memory_space<vmem>>, vector<1x1x16xf32>,
      } {sc.loop_unroll_factor = 4 : i64, sc.parallel_access}
      %mul3A_551 = arith.constant 128 : i32
      %mul3A_552 = arith.muli %add3A_527, %mul3A_551 : i32
      %add3A_553 = arith.addi %mul3A_2, %mul3A_552 : i32
      %dma_start3A_554 = arith.constant 6 : i32
      %dma_start3A_555 = arith.constant 6 : i32
      %dma_start3A_556 = arith.constant 0 : i32
      %dma_start3A_557 = arith.constant 0 : i32
      %dma_start3A_558 = tpu.memref_slice %arg6[%dma_start3A_554, %dma_start3A_556, %dma_start3A_557] : memref<10x128x64xf32, #tpu.memory_space<vmem>> -> memref<1x128x64xf32, #tpu.memory_space<vmem>>
      %dma_start3A_559 = tpu.memref_squeeze %dma_start3A_558 : memref<1x128x64xf32, #tpu.memory_space<vmem>> -> memref<128x64xf32, #tpu.memory_space<vmem>>
      %dma_start3A_560 = arith.constant 0 : i32
      %dma_start3A_561 = tpu.memref_slice %arg4[%add3A_553, %dma_start3A_560] : memref<819200x64xf32, #tpu.memory_space<hbm>> -> memref<128x64xf32, #tpu.memory_space<hbm>>
      %dma_start3A_562 = tpu.memref_slice %arg7[%dma_start3A_555] : memref<10x!tpu.dma_semaphore, #tpu.memory_space<semaphore_mem>> -> memref<1x!tpu.dma_semaphore, #tpu.memory_space<semaphore_mem>>
      %dma_start3A_563 = tpu.memref_squeeze %dma_start3A_562 : memref<1x!tpu.dma_semaphore, #tpu.memory_space<semaphore_mem>> -> memref<!tpu.dma_semaphore, #tpu.memory_space<semaphore_mem>>
      %dma_start3A_564 = arith.constant 0 : i32
      %dma_start3A_565 = tpu.memref_slice %arg4[%add3A_553, %dma_start3A_564] : memref<819200x64xf32, #tpu.memory_space<hbm>> -> memref<128x64xf32, #tpu.memory_space<hbm>>
      %dma_start3A_566 = arith.constant 0 : i32
      %dma_start3A_567 = arith.constant 0 : i32
      %dma_start3A_568 = tpu.memref_slice %arg6[%dma_start3A_554, %dma_start3A_566, %dma_start3A_567] : memref<10x128x64xf32, #tpu.memory_space<vmem>> -> memref<1x128x64xf32, #tpu.memory_space<vmem>>
      %dma_start3A_569 = tpu.memref_squeeze %dma_start3A_568 : memref<1x128x64xf32, #tpu.memory_space<vmem>> -> memref<128x64xf32, #tpu.memory_space<vmem>>
      tpu.enqueue_dma source(%dma_start3A_569 : memref<128x64xf32, #tpu.memory_space<vmem>>) target(%dma_start3A_565 : memref<128x64xf32, #tpu.memory_space<hbm>>) target_semaphore(%dma_start3A_563 : memref<!tpu.dma_semaphore, #tpu.memory_space<semaphore_mem>>)
      %mul3A_570 = arith.constant 10 : i32
      %mul3A_571 = arith.muli %scan3A_251, %mul3A_570 : i32
      %add3A_572 = arith.constant 7 : i32
      %add3A_573 = arith.addi %mul3A_571, %add3A_572 : i32
      %add3A_574 = arith.constant 5 : i32
      %add3A_575 = arith.addi %add3A_573, %add3A_574 : i32
      %lt3A_576 = arith.constant 200 : i32
      %lt3A_577 = arith.cmpi slt, %add3A_575, %lt3A_576 : i32
      %convert_element_type3A_578 = arith.extui %lt3A_577 : i1 to i32
      %cond3A_579 = arith.constant 0 : i32
      %cond3A_580 = arith.cmpi ne, %convert_element_type3A_578, %cond3A_579 : i32
      scf.if %cond3A_580 {
        %ge3A = arith.constant 10 : i32
        %ge3A_708 = arith.cmpi sge, %add3A_575, %ge3A : i32
        %convert_element_type3A_709 = arith.extui %ge3A_708 : i1 to i32
        %cond3A_710 = arith.constant 0 : i32
        %cond3A_711 = arith.cmpi ne, %convert_element_type3A_709, %cond3A_710 : i32
        scf.if %cond3A_711 {
          %dma_wait3A_726 = arith.constant 2 : i32
          %dma_wait3A_727 = arith.constant 2 : i32
          %dma_wait3A_728 = arith.constant 0 : i32
          %dma_wait3A_729 = arith.constant 0 : i32
          %dma_wait3A_730 = tpu.memref_slice %arg6[%dma_wait3A_726, %dma_wait3A_728, %dma_wait3A_729] : memref<10x128x64xf32, #tpu.memory_space<vmem>> -> memref<1x128x64xf32, #tpu.memory_space<vmem>>
          %dma_wait3A_731 = tpu.memref_squeeze %dma_wait3A_730 : memref<1x128x64xf32, #tpu.memory_space<vmem>> -> memref<128x64xf32, #tpu.memory_space<vmem>>
          %dma_wait3A_732 = arith.constant 0 : i32
          %dma_wait3A_733 = arith.constant 0 : i32
          %dma_wait3A_734 = tpu.memref_slice %arg4[%dma_wait3A_732, %dma_wait3A_733] : memref<819200x64xf32, #tpu.memory_space<hbm>> -> memref<128x64xf32, #tpu.memory_space<hbm>>
          %dma_wait3A_735 = tpu.memref_slice %arg7[%dma_wait3A_727] : memref<10x!tpu.dma_semaphore, #tpu.memory_space<semaphore_mem>> -> memref<1x!tpu.dma_semaphore, #tpu.memory_space<semaphore_mem>>
          %dma_wait3A_736 = tpu.memref_squeeze %dma_wait3A_735 : memref<1x!tpu.dma_semaphore, #tpu.memory_space<semaphore_mem>> -> memref<!tpu.dma_semaphore, #tpu.memory_space<semaphore_mem>>
          %dma_wait3A_737 = arith.constant 0 : i32
          %dma_wait3A_738 = arith.constant 0 : i32
          %dma_wait3A_739 = tpu.memref_slice %arg4[%dma_wait3A_737, %dma_wait3A_738] : memref<819200x64xf32, #tpu.memory_space<hbm>> -> memref<128x64xf32, #tpu.memory_space<hbm>>
          %dma_wait3A_740 = arith.constant 0 : i32
          %dma_wait3A_741 = arith.constant 0 : i32
          %dma_wait3A_742 = tpu.memref_slice %arg6[%dma_wait3A_726, %dma_wait3A_740, %dma_wait3A_741] : memref<10x128x64xf32, #tpu.memory_space<vmem>> -> memref<1x128x64xf32, #tpu.memory_space<vmem>>
          %dma_wait3A_743 = tpu.memref_squeeze %dma_wait3A_742 : memref<1x128x64xf32, #tpu.memory_space<vmem>> -> memref<128x64xf32, #tpu.memory_space<vmem>>
          tpu.wait_dma2 semaphore(%dma_wait3A_736 : memref<!tpu.dma_semaphore, #tpu.memory_space<semaphore_mem>>) src(%dma_wait3A_743 : memref<128x64xf32, #tpu.memory_space<vmem>>) dst(%dma_wait3A_739 : memref<128x64xf32, #tpu.memory_space<hbm>>)
        } else {
        }
        %mul3A_712 = arith.constant 128 : i32
        %mul3A_713 = arith.muli %add3A_575, %mul3A_712 : i32
        %dma_start3A_714 = arith.constant 2 : i32
        %dma_start3A_715 = arith.constant 2 : i32
        %dma_start3A_716 = arith.constant 0 : i32
        %dma_start3A_717 = arith.constant 0 : i32
        %dma_start3A_718 = tpu.memref_slice %arg6[%dma_start3A_714, %dma_start3A_716, %dma_start3A_717] : memref<10x128x64xf32, #tpu.memory_space<vmem>> -> memref<1x128x64xf32, #tpu.memory_space<vmem>>
        %dma_start3A_719 = tpu.memref_squeeze %dma_start3A_718 : memref<1x128x64xf32, #tpu.memory_space<vmem>> -> memref<128x64xf32, #tpu.memory_space<vmem>>
        %dma_start3A_720 = tpu.memref_slice %arg5[%mul3A_713] : memref<25600xi32, #tpu.memory_space<vmem>> -> memref<128xi32, #tpu.memory_space<vmem>>
        %dma_start3A_721 = arith.constant 0 : i32
        %dma_start3A_722 = arith.constant 0 : i32
        %dma_start3A_723 = tpu.memref_slice %arg3[%dma_start3A_721, %dma_start3A_722] : memref<1000000x64xf32, #tpu.memory_space<hbm>> -> memref<1000000x64xf32, #tpu.memory_space<hbm>>
        %dma_start3A_724 = tpu.memref_slice %arg7[%dma_start3A_715] : memref<10x!tpu.dma_semaphore, #tpu.memory_space<semaphore_mem>> -> memref<1x!tpu.dma_semaphore, #tpu.memory_space<semaphore_mem>>
        %dma_start3A_725 = tpu.memref_squeeze %dma_start3A_724 : memref<1x!tpu.dma_semaphore, #tpu.memory_space<semaphore_mem>> -> memref<!tpu.dma_semaphore, #tpu.memory_space<semaphore_mem>>
        tpu.enqueue_indirect_dma source(%dma_start3A_723 : memref<1000000x64xf32, #tpu.memory_space<hbm>>) target(%dma_start3A_719 : memref<128x64xf32, #tpu.memory_space<vmem>>) offsets(%dma_start3A_720 : memref<128xi32, #tpu.memory_space<vmem>>) semaphore(%dma_start3A_725 : memref<!tpu.dma_semaphore, #tpu.memory_space<semaphore_mem>>)
      } else {
      }
      %dma_wait3A_581 = arith.constant 7 : i32
      %dma_wait3A_582 = arith.constant 7 : i32
      %dma_wait3A_583 = arith.constant 0 : i32
      %dma_wait3A_584 = arith.constant 0 : i32
      %dma_wait3A_585 = tpu.memref_slice %arg6[%dma_wait3A_581, %dma_wait3A_583, %dma_wait3A_584] : memref<10x128x64xf32, #tpu.memory_space<vmem>> -> memref<1x128x64xf32, #tpu.memory_space<vmem>>
      %dma_wait3A_586 = tpu.memref_squeeze %dma_wait3A_585 : memref<1x128x64xf32, #tpu.memory_space<vmem>> -> memref<128x64xf32, #tpu.memory_space<vmem>>
      %dma_wait3A_587 = arith.constant 0 : i32
      %dma_wait3A_588 = tpu.memref_slice %arg5[%dma_wait3A_587] : memref<25600xi32, #tpu.memory_space<vmem>> -> memref<128xi32, #tpu.memory_space<vmem>>
      %dma_wait3A_589 = arith.constant 0 : i32
      %dma_wait3A_590 = arith.constant 0 : i32
      %dma_wait3A_591 = tpu.memref_slice %arg3[%dma_wait3A_589, %dma_wait3A_590] : memref<1000000x64xf32, #tpu.memory_space<hbm>> -> memref<1000000x64xf32, #tpu.memory_space<hbm>>
      %dma_wait3A_592 = tpu.memref_slice %arg7[%dma_wait3A_582] : memref<10x!tpu.dma_semaphore, #tpu.memory_space<semaphore_mem>> -> memref<1x!tpu.dma_semaphore, #tpu.memory_space<semaphore_mem>>
      %dma_wait3A_593 = tpu.memref_squeeze %dma_wait3A_592 : memref<1x!tpu.dma_semaphore, #tpu.memory_space<semaphore_mem>> -> memref<!tpu.dma_semaphore, #tpu.memory_space<semaphore_mem>>
      tpu.wait_indirect_dma semaphore(%dma_wait3A_593 : memref<!tpu.dma_semaphore, #tpu.memory_space<semaphore_mem>>) src(%dma_wait3A_591 : memref<1000000x64xf32, #tpu.memory_space<hbm>>) dst(%dma_wait3A_586 : memref<128x64xf32, #tpu.memory_space<vmem>>)
      %parallel_loop3A_594 = arith.constant 0 : i32
      %parallel_loop3A_595 = arith.constant 128 : i32
      %parallel_loop3A_596 = arith.constant 1 : i32
      scf.for %parallel_loop3A_708 = %parallel_loop3A_594 to %parallel_loop3A_595 step %parallel_loop3A_596  : i32 {
        %parallel_loop3A_709 = arith.constant 7 : i32
        %parallel_loop3A_710 = arith.index_cast %parallel_loop3A_709 : i32 to index
        %parallel_loop3A_711 = arith.index_cast %parallel_loop3A_708 : i32 to index
        %parallel_loop3A_712 = arith.constant 0 : index
        %parallel_loop3A_713 = tpu.vector_load %arg6[%parallel_loop3A_710, %parallel_loop3A_711, %parallel_loop3A_712] {strides = array<i32>} : memref<10x128x64xf32, #tpu.memory_space<vmem>>, vector<1x1x16xf32>,
        %parallel_loop3A_714 = vector.shape_cast %parallel_loop3A_713 : vector<1x1x16xf32> to vector<16xf32>
        %parallel_loop3A_715 = arith.constant 8.000000e+00 : f32
        %parallel_loop3A_716 = vector.broadcast %parallel_loop3A_715 : f32 to vector<16xf32>
        %parallel_loop3A_717 = arith.mulf %parallel_loop3A_714, %parallel_loop3A_716 : vector<16xf32>
        %parallel_loop3A_718 = arith.constant 7 : i32
        %parallel_loop3A_719 = arith.index_cast %parallel_loop3A_718 : i32 to index
        %parallel_loop3A_720 = arith.index_cast %parallel_loop3A_708 : i32 to index
        %parallel_loop3A_721 = arith.constant 0 : index
        %parallel_loop3A_722 = tpu.vector_load %arg6[%parallel_loop3A_719, %parallel_loop3A_720, %parallel_loop3A_721] {strides = array<i32>} : memref<10x128x64xf32, #tpu.memory_space<vmem>>, vector<1x1x16xf32>,
        %parallel_loop3A_723 = vector.shape_cast %parallel_loop3A_722 : vector<1x1x16xf32> to vector<16xf32>
        %parallel_loop3A_724 = vector.shape_cast %parallel_loop3A_717 : vector<16xf32> to vector<1x1x16xf32>
        tpu.vector_store %arg6[%parallel_loop3A_719, %parallel_loop3A_720, %parallel_loop3A_721], %parallel_loop3A_724 {strides = array<i32>} : memref<10x128x64xf32, #tpu.memory_space<vmem>>, vector<1x1x16xf32>,
        %parallel_loop3A_725 = arith.constant 7 : i32
        %parallel_loop3A_726 = arith.index_cast %parallel_loop3A_725 : i32 to index
        %parallel_loop3A_727 = arith.index_cast %parallel_loop3A_708 : i32 to index
        %parallel_loop3A_728 = arith.constant 16 : index
        %parallel_loop3A_729 = tpu.vector_load %arg6[%parallel_loop3A_726, %parallel_loop3A_727, %parallel_loop3A_728] {strides = array<i32>} : memref<10x128x64xf32, #tpu.memory_space<vmem>>, vector<1x1x16xf32>,
        %parallel_loop3A_730 = vector.shape_cast %parallel_loop3A_729 : vector<1x1x16xf32> to vector<16xf32>
        %parallel_loop3A_731 = arith.constant 8.000000e+00 : f32
        %parallel_loop3A_732 = vector.broadcast %parallel_loop3A_731 : f32 to vector<16xf32>
        %parallel_loop3A_733 = arith.mulf %parallel_loop3A_730, %parallel_loop3A_732 : vector<16xf32>
        %parallel_loop3A_734 = arith.constant 7 : i32
        %parallel_loop3A_735 = arith.index_cast %parallel_loop3A_734 : i32 to index
        %parallel_loop3A_736 = arith.index_cast %parallel_loop3A_708 : i32 to index
        %parallel_loop3A_737 = arith.constant 16 : index
        %parallel_loop3A_738 = tpu.vector_load %arg6[%parallel_loop3A_735, %parallel_loop3A_736, %parallel_loop3A_737] {strides = array<i32>} : memref<10x128x64xf32, #tpu.memory_space<vmem>>, vector<1x1x16xf32>,
        %parallel_loop3A_739 = vector.shape_cast %parallel_loop3A_738 : vector<1x1x16xf32> to vector<16xf32>
        %parallel_loop3A_740 = vector.shape_cast %parallel_loop3A_733 : vector<16xf32> to vector<1x1x16xf32>
        tpu.vector_store %arg6[%parallel_loop3A_735, %parallel_loop3A_736, %parallel_loop3A_737], %parallel_loop3A_740 {strides = array<i32>} : memref<10x128x64xf32, #tpu.memory_space<vmem>>, vector<1x1x16xf32>,
        %parallel_loop3A_741 = arith.constant 7 : i32
        %parallel_loop3A_742 = arith.index_cast %parallel_loop3A_741 : i32 to index
        %parallel_loop3A_743 = arith.index_cast %parallel_loop3A_708 : i32 to index
        %parallel_loop3A_744 = arith.constant 32 : index
        %parallel_loop3A_745 = tpu.vector_load %arg6[%parallel_loop3A_742, %parallel_loop3A_743, %parallel_loop3A_744] {strides = array<i32>} : memref<10x128x64xf32, #tpu.memory_space<vmem>>, vector<1x1x16xf32>,
        %parallel_loop3A_746 = vector.shape_cast %parallel_loop3A_745 : vector<1x1x16xf32> to vector<16xf32>
        %parallel_loop3A_747 = arith.constant 8.000000e+00 : f32
        %parallel_loop3A_748 = vector.broadcast %parallel_loop3A_747 : f32 to vector<16xf32>
        %parallel_loop3A_749 = arith.mulf %parallel_loop3A_746, %parallel_loop3A_748 : vector<16xf32>
        %parallel_loop3A_750 = arith.constant 7 : i32
        %parallel_loop3A_751 = arith.index_cast %parallel_loop3A_750 : i32 to index
        %parallel_loop3A_752 = arith.index_cast %parallel_loop3A_708 : i32 to index
        %parallel_loop3A_753 = arith.constant 32 : index
        %parallel_loop3A_754 = tpu.vector_load %arg6[%parallel_loop3A_751, %parallel_loop3A_752, %parallel_loop3A_753] {strides = array<i32>} : memref<10x128x64xf32, #tpu.memory_space<vmem>>, vector<1x1x16xf32>,
        %parallel_loop3A_755 = vector.shape_cast %parallel_loop3A_754 : vector<1x1x16xf32> to vector<16xf32>
        %parallel_loop3A_756 = vector.shape_cast %parallel_loop3A_749 : vector<16xf32> to vector<1x1x16xf32>
        tpu.vector_store %arg6[%parallel_loop3A_751, %parallel_loop3A_752, %parallel_loop3A_753], %parallel_loop3A_756 {strides = array<i32>} : memref<10x128x64xf32, #tpu.memory_space<vmem>>, vector<1x1x16xf32>,
        %parallel_loop3A_757 = arith.constant 7 : i32
        %parallel_loop3A_758 = arith.index_cast %parallel_loop3A_757 : i32 to index
        %parallel_loop3A_759 = arith.index_cast %parallel_loop3A_708 : i32 to index
        %parallel_loop3A_760 = arith.constant 48 : index
        %parallel_loop3A_761 = tpu.vector_load %arg6[%parallel_loop3A_758, %parallel_loop3A_759, %parallel_loop3A_760] {strides = array<i32>} : memref<10x128x64xf32, #tpu.memory_space<vmem>>, vector<1x1x16xf32>,
        %parallel_loop3A_762 = vector.shape_cast %parallel_loop3A_761 : vector<1x1x16xf32> to vector<16xf32>
        %parallel_loop3A_763 = arith.constant 8.000000e+00 : f32
        %parallel_loop3A_764 = vector.broadcast %parallel_loop3A_763 : f32 to vector<16xf32>
        %parallel_loop3A_765 = arith.mulf %parallel_loop3A_762, %parallel_loop3A_764 : vector<16xf32>
        %parallel_loop3A_766 = arith.constant 7 : i32
        %parallel_loop3A_767 = arith.index_cast %parallel_loop3A_766 : i32 to index
        %parallel_loop3A_768 = arith.index_cast %parallel_loop3A_708 : i32 to index
        %parallel_loop3A_769 = arith.constant 48 : index
        %parallel_loop3A_770 = tpu.vector_load %arg6[%parallel_loop3A_767, %parallel_loop3A_768, %parallel_loop3A_769] {strides = array<i32>} : memref<10x128x64xf32, #tpu.memory_space<vmem>>, vector<1x1x16xf32>,
        %parallel_loop3A_771 = vector.shape_cast %parallel_loop3A_770 : vector<1x1x16xf32> to vector<16xf32>
        %parallel_loop3A_772 = vector.shape_cast %parallel_loop3A_765 : vector<16xf32> to vector<1x1x16xf32>
        tpu.vector_store %arg6[%parallel_loop3A_767, %parallel_loop3A_768, %parallel_loop3A_769], %parallel_loop3A_772 {strides = array<i32>} : memref<10x128x64xf32, #tpu.memory_space<vmem>>, vector<1x1x16xf32>,
      } {sc.loop_unroll_factor = 4 : i64, sc.parallel_access}
      %mul3A_597 = arith.constant 128 : i32
      %mul3A_598 = arith.muli %add3A_573, %mul3A_597 : i32
      %add3A_599 = arith.addi %mul3A_2, %mul3A_598 : i32
      %dma_start3A_600 = arith.constant 7 : i32
      %dma_start3A_601 = arith.constant 7 : i32
      %dma_start3A_602 = arith.constant 0 : i32
      %dma_start3A_603 = arith.constant 0 : i32
      %dma_start3A_604 = tpu.memref_slice %arg6[%dma_start3A_600, %dma_start3A_602, %dma_start3A_603] : memref<10x128x64xf32, #tpu.memory_space<vmem>> -> memref<1x128x64xf32, #tpu.memory_space<vmem>>
      %dma_start3A_605 = tpu.memref_squeeze %dma_start3A_604 : memref<1x128x64xf32, #tpu.memory_space<vmem>> -> memref<128x64xf32, #tpu.memory_space<vmem>>
      %dma_start3A_606 = arith.constant 0 : i32
      %dma_start3A_607 = tpu.memref_slice %arg4[%add3A_599, %dma_start3A_606] : memref<819200x64xf32, #tpu.memory_space<hbm>> -> memref<128x64xf32, #tpu.memory_space<hbm>>
      %dma_start3A_608 = tpu.memref_slice %arg7[%dma_start3A_601] : memref<10x!tpu.dma_semaphore, #tpu.memory_space<semaphore_mem>> -> memref<1x!tpu.dma_semaphore, #tpu.memory_space<semaphore_mem>>
      %dma_start3A_609 = tpu.memref_squeeze %dma_start3A_608 : memref<1x!tpu.dma_semaphore, #tpu.memory_space<semaphore_mem>> -> memref<!tpu.dma_semaphore, #tpu.memory_space<semaphore_mem>>
      %dma_start3A_610 = arith.constant 0 : i32
      %dma_start3A_611 = tpu.memref_slice %arg4[%add3A_599, %dma_start3A_610] : memref<819200x64xf32, #tpu.memory_space<hbm>> -> memref<128x64xf32, #tpu.memory_space<hbm>>
      %dma_start3A_612 = arith.constant 0 : i32
      %dma_start3A_613 = arith.constant 0 : i32
      %dma_start3A_614 = tpu.memref_slice %arg6[%dma_start3A_600, %dma_start3A_612, %dma_start3A_613] : memref<10x128x64xf32, #tpu.memory_space<vmem>> -> memref<1x128x64xf32, #tpu.memory_space<vmem>>
      %dma_start3A_615 = tpu.memref_squeeze %dma_start3A_614 : memref<1x128x64xf32, #tpu.memory_space<vmem>> -> memref<128x64xf32, #tpu.memory_space<vmem>>
      tpu.enqueue_dma source(%dma_start3A_615 : memref<128x64xf32, #tpu.memory_space<vmem>>) target(%dma_start3A_611 : memref<128x64xf32, #tpu.memory_space<hbm>>) target_semaphore(%dma_start3A_609 : memref<!tpu.dma_semaphore, #tpu.memory_space<semaphore_mem>>)
      %mul3A_616 = arith.constant 10 : i32
      %mul3A_617 = arith.muli %scan3A_251, %mul3A_616 : i32
      %add3A_618 = arith.constant 8 : i32
      %add3A_619 = arith.addi %mul3A_617, %add3A_618 : i32
      %add3A_620 = arith.constant 5 : i32
      %add3A_621 = arith.addi %add3A_619, %add3A_620 : i32
      %lt3A_622 = arith.constant 200 : i32
      %lt3A_623 = arith.cmpi slt, %add3A_621, %lt3A_622 : i32
      %convert_element_type3A_624 = arith.extui %lt3A_623 : i1 to i32
      %cond3A_625 = arith.constant 0 : i32
      %cond3A_626 = arith.cmpi ne, %convert_element_type3A_624, %cond3A_625 : i32
      scf.if %cond3A_626 {
        %ge3A = arith.constant 10 : i32
        %ge3A_708 = arith.cmpi sge, %add3A_621, %ge3A : i32
        %convert_element_type3A_709 = arith.extui %ge3A_708 : i1 to i32
        %cond3A_710 = arith.constant 0 : i32
        %cond3A_711 = arith.cmpi ne, %convert_element_type3A_709, %cond3A_710 : i32
        scf.if %cond3A_711 {
          %dma_wait3A_726 = arith.constant 3 : i32
          %dma_wait3A_727 = arith.constant 3 : i32
          %dma_wait3A_728 = arith.constant 0 : i32
          %dma_wait3A_729 = arith.constant 0 : i32
          %dma_wait3A_730 = tpu.memref_slice %arg6[%dma_wait3A_726, %dma_wait3A_728, %dma_wait3A_729] : memref<10x128x64xf32, #tpu.memory_space<vmem>> -> memref<1x128x64xf32, #tpu.memory_space<vmem>>
          %dma_wait3A_731 = tpu.memref_squeeze %dma_wait3A_730 : memref<1x128x64xf32, #tpu.memory_space<vmem>> -> memref<128x64xf32, #tpu.memory_space<vmem>>
          %dma_wait3A_732 = arith.constant 0 : i32
          %dma_wait3A_733 = arith.constant 0 : i32
          %dma_wait3A_734 = tpu.memref_slice %arg4[%dma_wait3A_732, %dma_wait3A_733] : memref<819200x64xf32, #tpu.memory_space<hbm>> -> memref<128x64xf32, #tpu.memory_space<hbm>>
          %dma_wait3A_735 = tpu.memref_slice %arg7[%dma_wait3A_727] : memref<10x!tpu.dma_semaphore, #tpu.memory_space<semaphore_mem>> -> memref<1x!tpu.dma_semaphore, #tpu.memory_space<semaphore_mem>>
          %dma_wait3A_736 = tpu.memref_squeeze %dma_wait3A_735 : memref<1x!tpu.dma_semaphore, #tpu.memory_space<semaphore_mem>> -> memref<!tpu.dma_semaphore, #tpu.memory_space<semaphore_mem>>
          %dma_wait3A_737 = arith.constant 0 : i32
          %dma_wait3A_738 = arith.constant 0 : i32
          %dma_wait3A_739 = tpu.memref_slice %arg4[%dma_wait3A_737, %dma_wait3A_738] : memref<819200x64xf32, #tpu.memory_space<hbm>> -> memref<128x64xf32, #tpu.memory_space<hbm>>
          %dma_wait3A_740 = arith.constant 0 : i32
          %dma_wait3A_741 = arith.constant 0 : i32
          %dma_wait3A_742 = tpu.memref_slice %arg6[%dma_wait3A_726, %dma_wait3A_740, %dma_wait3A_741] : memref<10x128x64xf32, #tpu.memory_space<vmem>> -> memref<1x128x64xf32, #tpu.memory_space<vmem>>
          %dma_wait3A_743 = tpu.memref_squeeze %dma_wait3A_742 : memref<1x128x64xf32, #tpu.memory_space<vmem>> -> memref<128x64xf32, #tpu.memory_space<vmem>>
          tpu.wait_dma2 semaphore(%dma_wait3A_736 : memref<!tpu.dma_semaphore, #tpu.memory_space<semaphore_mem>>) src(%dma_wait3A_743 : memref<128x64xf32, #tpu.memory_space<vmem>>) dst(%dma_wait3A_739 : memref<128x64xf32, #tpu.memory_space<hbm>>)
        } else {
        }
        %mul3A_712 = arith.constant 128 : i32
        %mul3A_713 = arith.muli %add3A_621, %mul3A_712 : i32
        %dma_start3A_714 = arith.constant 3 : i32
        %dma_start3A_715 = arith.constant 3 : i32
        %dma_start3A_716 = arith.constant 0 : i32
        %dma_start3A_717 = arith.constant 0 : i32
        %dma_start3A_718 = tpu.memref_slice %arg6[%dma_start3A_714, %dma_start3A_716, %dma_start3A_717] : memref<10x128x64xf32, #tpu.memory_space<vmem>> -> memref<1x128x64xf32, #tpu.memory_space<vmem>>
        %dma_start3A_719 = tpu.memref_squeeze %dma_start3A_718 : memref<1x128x64xf32, #tpu.memory_space<vmem>> -> memref<128x64xf32, #tpu.memory_space<vmem>>
        %dma_start3A_720 = tpu.memref_slice %arg5[%mul3A_713] : memref<25600xi32, #tpu.memory_space<vmem>> -> memref<128xi32, #tpu.memory_space<vmem>>
        %dma_start3A_721 = arith.constant 0 : i32
        %dma_start3A_722 = arith.constant 0 : i32
        %dma_start3A_723 = tpu.memref_slice %arg3[%dma_start3A_721, %dma_start3A_722] : memref<1000000x64xf32, #tpu.memory_space<hbm>> -> memref<1000000x64xf32, #tpu.memory_space<hbm>>
        %dma_start3A_724 = tpu.memref_slice %arg7[%dma_start3A_715] : memref<10x!tpu.dma_semaphore, #tpu.memory_space<semaphore_mem>> -> memref<1x!tpu.dma_semaphore, #tpu.memory_space<semaphore_mem>>
        %dma_start3A_725 = tpu.memref_squeeze %dma_start3A_724 : memref<1x!tpu.dma_semaphore, #tpu.memory_space<semaphore_mem>> -> memref<!tpu.dma_semaphore, #tpu.memory_space<semaphore_mem>>
        tpu.enqueue_indirect_dma source(%dma_start3A_723 : memref<1000000x64xf32, #tpu.memory_space<hbm>>) target(%dma_start3A_719 : memref<128x64xf32, #tpu.memory_space<vmem>>) offsets(%dma_start3A_720 : memref<128xi32, #tpu.memory_space<vmem>>) semaphore(%dma_start3A_725 : memref<!tpu.dma_semaphore, #tpu.memory_space<semaphore_mem>>)
      } else {
      }
      %dma_wait3A_627 = arith.constant 8 : i32
      %dma_wait3A_628 = arith.constant 8 : i32
      %dma_wait3A_629 = arith.constant 0 : i32
      %dma_wait3A_630 = arith.constant 0 : i32
      %dma_wait3A_631 = tpu.memref_slice %arg6[%dma_wait3A_627, %dma_wait3A_629, %dma_wait3A_630] : memref<10x128x64xf32, #tpu.memory_space<vmem>> -> memref<1x128x64xf32, #tpu.memory_space<vmem>>
      %dma_wait3A_632 = tpu.memref_squeeze %dma_wait3A_631 : memref<1x128x64xf32, #tpu.memory_space<vmem>> -> memref<128x64xf32, #tpu.memory_space<vmem>>
      %dma_wait3A_633 = arith.constant 0 : i32
      %dma_wait3A_634 = tpu.memref_slice %arg5[%dma_wait3A_633] : memref<25600xi32, #tpu.memory_space<vmem>> -> memref<128xi32, #tpu.memory_space<vmem>>
      %dma_wait3A_635 = arith.constant 0 : i32
      %dma_wait3A_636 = arith.constant 0 : i32
      %dma_wait3A_637 = tpu.memref_slice %arg3[%dma_wait3A_635, %dma_wait3A_636] : memref<1000000x64xf32, #tpu.memory_space<hbm>> -> memref<1000000x64xf32, #tpu.memory_space<hbm>>
      %dma_wait3A_638 = tpu.memref_slice %arg7[%dma_wait3A_628] : memref<10x!tpu.dma_semaphore, #tpu.memory_space<semaphore_mem>> -> memref<1x!tpu.dma_semaphore, #tpu.memory_space<semaphore_mem>>
      %dma_wait3A_639 = tpu.memref_squeeze %dma_wait3A_638 : memref<1x!tpu.dma_semaphore, #tpu.memory_space<semaphore_mem>> -> memref<!tpu.dma_semaphore, #tpu.memory_space<semaphore_mem>>
      tpu.wait_indirect_dma semaphore(%dma_wait3A_639 : memref<!tpu.dma_semaphore, #tpu.memory_space<semaphore_mem>>) src(%dma_wait3A_637 : memref<1000000x64xf32, #tpu.memory_space<hbm>>) dst(%dma_wait3A_632 : memref<128x64xf32, #tpu.memory_space<vmem>>)
      %parallel_loop3A_640 = arith.constant 0 : i32
      %parallel_loop3A_641 = arith.constant 128 : i32
      %parallel_loop3A_642 = arith.constant 1 : i32
      scf.for %parallel_loop3A_708 = %parallel_loop3A_640 to %parallel_loop3A_641 step %parallel_loop3A_642  : i32 {
        %parallel_loop3A_709 = arith.constant 8 : i32
        %parallel_loop3A_710 = arith.index_cast %parallel_loop3A_709 : i32 to index
        %parallel_loop3A_711 = arith.index_cast %parallel_loop3A_708 : i32 to index
        %parallel_loop3A_712 = arith.constant 0 : index
        %parallel_loop3A_713 = tpu.vector_load %arg6[%parallel_loop3A_710, %parallel_loop3A_711, %parallel_loop3A_712] {strides = array<i32>} : memref<10x128x64xf32, #tpu.memory_space<vmem>>, vector<1x1x16xf32>,
        %parallel_loop3A_714 = vector.shape_cast %parallel_loop3A_713 : vector<1x1x16xf32> to vector<16xf32>
        %parallel_loop3A_715 = arith.constant 8.000000e+00 : f32
        %parallel_loop3A_716 = vector.broadcast %parallel_loop3A_715 : f32 to vector<16xf32>
        %parallel_loop3A_717 = arith.mulf %parallel_loop3A_714, %parallel_loop3A_716 : vector<16xf32>
        %parallel_loop3A_718 = arith.constant 8 : i32
        %parallel_loop3A_719 = arith.index_cast %parallel_loop3A_718 : i32 to index
        %parallel_loop3A_720 = arith.index_cast %parallel_loop3A_708 : i32 to index
        %parallel_loop3A_721 = arith.constant 0 : index
        %parallel_loop3A_722 = tpu.vector_load %arg6[%parallel_loop3A_719, %parallel_loop3A_720, %parallel_loop3A_721] {strides = array<i32>} : memref<10x128x64xf32, #tpu.memory_space<vmem>>, vector<1x1x16xf32>,
        %parallel_loop3A_723 = vector.shape_cast %parallel_loop3A_722 : vector<1x1x16xf32> to vector<16xf32>
        %parallel_loop3A_724 = vector.shape_cast %parallel_loop3A_717 : vector<16xf32> to vector<1x1x16xf32>
        tpu.vector_store %arg6[%parallel_loop3A_719, %parallel_loop3A_720, %parallel_loop3A_721], %parallel_loop3A_724 {strides = array<i32>} : memref<10x128x64xf32, #tpu.memory_space<vmem>>, vector<1x1x16xf32>,
        %parallel_loop3A_725 = arith.constant 8 : i32
        %parallel_loop3A_726 = arith.index_cast %parallel_loop3A_725 : i32 to index
        %parallel_loop3A_727 = arith.index_cast %parallel_loop3A_708 : i32 to index
        %parallel_loop3A_728 = arith.constant 16 : index
        %parallel_loop3A_729 = tpu.vector_load %arg6[%parallel_loop3A_726, %parallel_loop3A_727, %parallel_loop3A_728] {strides = array<i32>} : memref<10x128x64xf32, #tpu.memory_space<vmem>>, vector<1x1x16xf32>,
        %parallel_loop3A_730 = vector.shape_cast %parallel_loop3A_729 : vector<1x1x16xf32> to vector<16xf32>
        %parallel_loop3A_731 = arith.constant 8.000000e+00 : f32
        %parallel_loop3A_732 = vector.broadcast %parallel_loop3A_731 : f32 to vector<16xf32>
        %parallel_loop3A_733 = arith.mulf %parallel_loop3A_730, %parallel_loop3A_732 : vector<16xf32>
        %parallel_loop3A_734 = arith.constant 8 : i32
        %parallel_loop3A_735 = arith.index_cast %parallel_loop3A_734 : i32 to index
        %parallel_loop3A_736 = arith.index_cast %parallel_loop3A_708 : i32 to index
        %parallel_loop3A_737 = arith.constant 16 : index
        %parallel_loop3A_738 = tpu.vector_load %arg6[%parallel_loop3A_735, %parallel_loop3A_736, %parallel_loop3A_737] {strides = array<i32>} : memref<10x128x64xf32, #tpu.memory_space<vmem>>, vector<1x1x16xf32>,
        %parallel_loop3A_739 = vector.shape_cast %parallel_loop3A_738 : vector<1x1x16xf32> to vector<16xf32>
        %parallel_loop3A_740 = vector.shape_cast %parallel_loop3A_733 : vector<16xf32> to vector<1x1x16xf32>
        tpu.vector_store %arg6[%parallel_loop3A_735, %parallel_loop3A_736, %parallel_loop3A_737], %parallel_loop3A_740 {strides = array<i32>} : memref<10x128x64xf32, #tpu.memory_space<vmem>>, vector<1x1x16xf32>,
        %parallel_loop3A_741 = arith.constant 8 : i32
        %parallel_loop3A_742 = arith.index_cast %parallel_loop3A_741 : i32 to index
        %parallel_loop3A_743 = arith.index_cast %parallel_loop3A_708 : i32 to index
        %parallel_loop3A_744 = arith.constant 32 : index
        %parallel_loop3A_745 = tpu.vector_load %arg6[%parallel_loop3A_742, %parallel_loop3A_743, %parallel_loop3A_744] {strides = array<i32>} : memref<10x128x64xf32, #tpu.memory_space<vmem>>, vector<1x1x16xf32>,
        %parallel_loop3A_746 = vector.shape_cast %parallel_loop3A_745 : vector<1x1x16xf32> to vector<16xf32>
        %parallel_loop3A_747 = arith.constant 8.000000e+00 : f32
        %parallel_loop3A_748 = vector.broadcast %parallel_loop3A_747 : f32 to vector<16xf32>
        %parallel_loop3A_749 = arith.mulf %parallel_loop3A_746, %parallel_loop3A_748 : vector<16xf32>
        %parallel_loop3A_750 = arith.constant 8 : i32
        %parallel_loop3A_751 = arith.index_cast %parallel_loop3A_750 : i32 to index
        %parallel_loop3A_752 = arith.index_cast %parallel_loop3A_708 : i32 to index
        %parallel_loop3A_753 = arith.constant 32 : index
        %parallel_loop3A_754 = tpu.vector_load %arg6[%parallel_loop3A_751, %parallel_loop3A_752, %parallel_loop3A_753] {strides = array<i32>} : memref<10x128x64xf32, #tpu.memory_space<vmem>>, vector<1x1x16xf32>,
        %parallel_loop3A_755 = vector.shape_cast %parallel_loop3A_754 : vector<1x1x16xf32> to vector<16xf32>
        %parallel_loop3A_756 = vector.shape_cast %parallel_loop3A_749 : vector<16xf32> to vector<1x1x16xf32>
        tpu.vector_store %arg6[%parallel_loop3A_751, %parallel_loop3A_752, %parallel_loop3A_753], %parallel_loop3A_756 {strides = array<i32>} : memref<10x128x64xf32, #tpu.memory_space<vmem>>, vector<1x1x16xf32>,
        %parallel_loop3A_757 = arith.constant 8 : i32
        %parallel_loop3A_758 = arith.index_cast %parallel_loop3A_757 : i32 to index
        %parallel_loop3A_759 = arith.index_cast %parallel_loop3A_708 : i32 to index
        %parallel_loop3A_760 = arith.constant 48 : index
        %parallel_loop3A_761 = tpu.vector_load %arg6[%parallel_loop3A_758, %parallel_loop3A_759, %parallel_loop3A_760] {strides = array<i32>} : memref<10x128x64xf32, #tpu.memory_space<vmem>>, vector<1x1x16xf32>,
        %parallel_loop3A_762 = vector.shape_cast %parallel_loop3A_761 : vector<1x1x16xf32> to vector<16xf32>
        %parallel_loop3A_763 = arith.constant 8.000000e+00 : f32
        %parallel_loop3A_764 = vector.broadcast %parallel_loop3A_763 : f32 to vector<16xf32>
        %parallel_loop3A_765 = arith.mulf %parallel_loop3A_762, %parallel_loop3A_764 : vector<16xf32>
        %parallel_loop3A_766 = arith.constant 8 : i32
        %parallel_loop3A_767 = arith.index_cast %parallel_loop3A_766 : i32 to index
        %parallel_loop3A_768 = arith.index_cast %parallel_loop3A_708 : i32 to index
        %parallel_loop3A_769 = arith.constant 48 : index
        %parallel_loop3A_770 = tpu.vector_load %arg6[%parallel_loop3A_767, %parallel_loop3A_768, %parallel_loop3A_769] {strides = array<i32>} : memref<10x128x64xf32, #tpu.memory_space<vmem>>, vector<1x1x16xf32>,
        %parallel_loop3A_771 = vector.shape_cast %parallel_loop3A_770 : vector<1x1x16xf32> to vector<16xf32>
        %parallel_loop3A_772 = vector.shape_cast %parallel_loop3A_765 : vector<16xf32> to vector<1x1x16xf32>
        tpu.vector_store %arg6[%parallel_loop3A_767, %parallel_loop3A_768, %parallel_loop3A_769], %parallel_loop3A_772 {strides = array<i32>} : memref<10x128x64xf32, #tpu.memory_space<vmem>>, vector<1x1x16xf32>,
      } {sc.loop_unroll_factor = 4 : i64, sc.parallel_access}
      %mul3A_643 = arith.constant 128 : i32
      %mul3A_644 = arith.muli %add3A_619, %mul3A_643 : i32
      %add3A_645 = arith.addi %mul3A_2, %mul3A_644 : i32
      %dma_start3A_646 = arith.constant 8 : i32
      %dma_start3A_647 = arith.constant 8 : i32
      %dma_start3A_648 = arith.constant 0 : i32
      %dma_start3A_649 = arith.constant 0 : i32
      %dma_start3A_650 = tpu.memref_slice %arg6[%dma_start3A_646, %dma_start3A_648, %dma_start3A_649] : memref<10x128x64xf32, #tpu.memory_space<vmem>> -> memref<1x128x64xf32, #tpu.memory_space<vmem>>
      %dma_start3A_651 = tpu.memref_squeeze %dma_start3A_650 : memref<1x128x64xf32, #tpu.memory_space<vmem>> -> memref<128x64xf32, #tpu.memory_space<vmem>>
      %dma_start3A_652 = arith.constant 0 : i32
      %dma_start3A_653 = tpu.memref_slice %arg4[%add3A_645, %dma_start3A_652] : memref<819200x64xf32, #tpu.memory_space<hbm>> -> memref<128x64xf32, #tpu.memory_space<hbm>>
      %dma_start3A_654 = tpu.memref_slice %arg7[%dma_start3A_647] : memref<10x!tpu.dma_semaphore, #tpu.memory_space<semaphore_mem>> -> memref<1x!tpu.dma_semaphore, #tpu.memory_space<semaphore_mem>>
      %dma_start3A_655 = tpu.memref_squeeze %dma_start3A_654 : memref<1x!tpu.dma_semaphore, #tpu.memory_space<semaphore_mem>> -> memref<!tpu.dma_semaphore, #tpu.memory_space<semaphore_mem>>
      %dma_start3A_656 = arith.constant 0 : i32
      %dma_start3A_657 = tpu.memref_slice %arg4[%add3A_645, %dma_start3A_656] : memref<819200x64xf32, #tpu.memory_space<hbm>> -> memref<128x64xf32, #tpu.memory_space<hbm>>
      %dma_start3A_658 = arith.constant 0 : i32
      %dma_start3A_659 = arith.constant 0 : i32
      %dma_start3A_660 = tpu.memref_slice %arg6[%dma_start3A_646, %dma_start3A_658, %dma_start3A_659] : memref<10x128x64xf32, #tpu.memory_space<vmem>> -> memref<1x128x64xf32, #tpu.memory_space<vmem>>
      %dma_start3A_661 = tpu.memref_squeeze %dma_start3A_660 : memref<1x128x64xf32, #tpu.memory_space<vmem>> -> memref<128x64xf32, #tpu.memory_space<vmem>>
      tpu.enqueue_dma source(%dma_start3A_661 : memref<128x64xf32, #tpu.memory_space<vmem>>) target(%dma_start3A_657 : memref<128x64xf32, #tpu.memory_space<hbm>>) target_semaphore(%dma_start3A_655 : memref<!tpu.dma_semaphore, #tpu.memory_space<semaphore_mem>>)
      %mul3A_662 = arith.constant 10 : i32
      %mul3A_663 = arith.muli %scan3A_251, %mul3A_662 : i32
      %add3A_664 = arith.constant 9 : i32
      %add3A_665 = arith.addi %mul3A_663, %add3A_664 : i32
      %add3A_666 = arith.constant 5 : i32
      %add3A_667 = arith.addi %add3A_665, %add3A_666 : i32
      %lt3A_668 = arith.constant 200 : i32
      %lt3A_669 = arith.cmpi slt, %add3A_667, %lt3A_668 : i32
      %convert_element_type3A_670 = arith.extui %lt3A_669 : i1 to i32
      %cond3A_671 = arith.constant 0 : i32
      %cond3A_672 = arith.cmpi ne, %convert_element_type3A_670, %cond3A_671 : i32
      scf.if %cond3A_672 {
        %ge3A = arith.constant 10 : i32
        %ge3A_708 = arith.cmpi sge, %add3A_667, %ge3A : i32
        %convert_element_type3A_709 = arith.extui %ge3A_708 : i1 to i32
        %cond3A_710 = arith.constant 0 : i32
        %cond3A_711 = arith.cmpi ne, %convert_element_type3A_709, %cond3A_710 : i32
        scf.if %cond3A_711 {
          %dma_wait3A_726 = arith.constant 4 : i32
          %dma_wait3A_727 = arith.constant 4 : i32
          %dma_wait3A_728 = arith.constant 0 : i32
          %dma_wait3A_729 = arith.constant 0 : i32
          %dma_wait3A_730 = tpu.memref_slice %arg6[%dma_wait3A_726, %dma_wait3A_728, %dma_wait3A_729] : memref<10x128x64xf32, #tpu.memory_space<vmem>> -> memref<1x128x64xf32, #tpu.memory_space<vmem>>
          %dma_wait3A_731 = tpu.memref_squeeze %dma_wait3A_730 : memref<1x128x64xf32, #tpu.memory_space<vmem>> -> memref<128x64xf32, #tpu.memory_space<vmem>>
          %dma_wait3A_732 = arith.constant 0 : i32
          %dma_wait3A_733 = arith.constant 0 : i32
          %dma_wait3A_734 = tpu.memref_slice %arg4[%dma_wait3A_732, %dma_wait3A_733] : memref<819200x64xf32, #tpu.memory_space<hbm>> -> memref<128x64xf32, #tpu.memory_space<hbm>>
          %dma_wait3A_735 = tpu.memref_slice %arg7[%dma_wait3A_727] : memref<10x!tpu.dma_semaphore, #tpu.memory_space<semaphore_mem>> -> memref<1x!tpu.dma_semaphore, #tpu.memory_space<semaphore_mem>>
          %dma_wait3A_736 = tpu.memref_squeeze %dma_wait3A_735 : memref<1x!tpu.dma_semaphore, #tpu.memory_space<semaphore_mem>> -> memref<!tpu.dma_semaphore, #tpu.memory_space<semaphore_mem>>
          %dma_wait3A_737 = arith.constant 0 : i32
          %dma_wait3A_738 = arith.constant 0 : i32
          %dma_wait3A_739 = tpu.memref_slice %arg4[%dma_wait3A_737, %dma_wait3A_738] : memref<819200x64xf32, #tpu.memory_space<hbm>> -> memref<128x64xf32, #tpu.memory_space<hbm>>
          %dma_wait3A_740 = arith.constant 0 : i32
          %dma_wait3A_741 = arith.constant 0 : i32
          %dma_wait3A_742 = tpu.memref_slice %arg6[%dma_wait3A_726, %dma_wait3A_740, %dma_wait3A_741] : memref<10x128x64xf32, #tpu.memory_space<vmem>> -> memref<1x128x64xf32, #tpu.memory_space<vmem>>
          %dma_wait3A_743 = tpu.memref_squeeze %dma_wait3A_742 : memref<1x128x64xf32, #tpu.memory_space<vmem>> -> memref<128x64xf32, #tpu.memory_space<vmem>>
          tpu.wait_dma2 semaphore(%dma_wait3A_736 : memref<!tpu.dma_semaphore, #tpu.memory_space<semaphore_mem>>) src(%dma_wait3A_743 : memref<128x64xf32, #tpu.memory_space<vmem>>) dst(%dma_wait3A_739 : memref<128x64xf32, #tpu.memory_space<hbm>>)
        } else {
        }
        %mul3A_712 = arith.constant 128 : i32
        %mul3A_713 = arith.muli %add3A_667, %mul3A_712 : i32
        %dma_start3A_714 = arith.constant 4 : i32
        %dma_start3A_715 = arith.constant 4 : i32
        %dma_start3A_716 = arith.constant 0 : i32
        %dma_start3A_717 = arith.constant 0 : i32
        %dma_start3A_718 = tpu.memref_slice %arg6[%dma_start3A_714, %dma_start3A_716, %dma_start3A_717] : memref<10x128x64xf32, #tpu.memory_space<vmem>> -> memref<1x128x64xf32, #tpu.memory_space<vmem>>
        %dma_start3A_719 = tpu.memref_squeeze %dma_start3A_718 : memref<1x128x64xf32, #tpu.memory_space<vmem>> -> memref<128x64xf32, #tpu.memory_space<vmem>>
        %dma_start3A_720 = tpu.memref_slice %arg5[%mul3A_713] : memref<25600xi32, #tpu.memory_space<vmem>> -> memref<128xi32, #tpu.memory_space<vmem>>
        %dma_start3A_721 = arith.constant 0 : i32
        %dma_start3A_722 = arith.constant 0 : i32
        %dma_start3A_723 = tpu.memref_slice %arg3[%dma_start3A_721, %dma_start3A_722] : memref<1000000x64xf32, #tpu.memory_space<hbm>> -> memref<1000000x64xf32, #tpu.memory_space<hbm>>
        %dma_start3A_724 = tpu.memref_slice %arg7[%dma_start3A_715] : memref<10x!tpu.dma_semaphore, #tpu.memory_space<semaphore_mem>> -> memref<1x!tpu.dma_semaphore, #tpu.memory_space<semaphore_mem>>
        %dma_start3A_725 = tpu.memref_squeeze %dma_start3A_724 : memref<1x!tpu.dma_semaphore, #tpu.memory_space<semaphore_mem>> -> memref<!tpu.dma_semaphore, #tpu.memory_space<semaphore_mem>>
        tpu.enqueue_indirect_dma source(%dma_start3A_723 : memref<1000000x64xf32, #tpu.memory_space<hbm>>) target(%dma_start3A_719 : memref<128x64xf32, #tpu.memory_space<vmem>>) offsets(%dma_start3A_720 : memref<128xi32, #tpu.memory_space<vmem>>) semaphore(%dma_start3A_725 : memref<!tpu.dma_semaphore, #tpu.memory_space<semaphore_mem>>)
      } else {
      }
      %dma_wait3A_673 = arith.constant 9 : i32
      %dma_wait3A_674 = arith.constant 9 : i32
      %dma_wait3A_675 = arith.constant 0 : i32
      %dma_wait3A_676 = arith.constant 0 : i32
      %dma_wait3A_677 = tpu.memref_slice %arg6[%dma_wait3A_673, %dma_wait3A_675, %dma_wait3A_676] : memref<10x128x64xf32, #tpu.memory_space<vmem>> -> memref<1x128x64xf32, #tpu.memory_space<vmem>>
      %dma_wait3A_678 = tpu.memref_squeeze %dma_wait3A_677 : memref<1x128x64xf32, #tpu.memory_space<vmem>> -> memref<128x64xf32, #tpu.memory_space<vmem>>
      %dma_wait3A_679 = arith.constant 0 : i32
      %dma_wait3A_680 = tpu.memref_slice %arg5[%dma_wait3A_679] : memref<25600xi32, #tpu.memory_space<vmem>> -> memref<128xi32, #tpu.memory_space<vmem>>
      %dma_wait3A_681 = arith.constant 0 : i32
      %dma_wait3A_682 = arith.constant 0 : i32
      %dma_wait3A_683 = tpu.memref_slice %arg3[%dma_wait3A_681, %dma_wait3A_682] : memref<1000000x64xf32, #tpu.memory_space<hbm>> -> memref<1000000x64xf32, #tpu.memory_space<hbm>>
      %dma_wait3A_684 = tpu.memref_slice %arg7[%dma_wait3A_674] : memref<10x!tpu.dma_semaphore, #tpu.memory_space<semaphore_mem>> -> memref<1x!tpu.dma_semaphore, #tpu.memory_space<semaphore_mem>>
      %dma_wait3A_685 = tpu.memref_squeeze %dma_wait3A_684 : memref<1x!tpu.dma_semaphore, #tpu.memory_space<semaphore_mem>> -> memref<!tpu.dma_semaphore, #tpu.memory_space<semaphore_mem>>
      tpu.wait_indirect_dma semaphore(%dma_wait3A_685 : memref<!tpu.dma_semaphore, #tpu.memory_space<semaphore_mem>>) src(%dma_wait3A_683 : memref<1000000x64xf32, #tpu.memory_space<hbm>>) dst(%dma_wait3A_678 : memref<128x64xf32, #tpu.memory_space<vmem>>)
      %parallel_loop3A_686 = arith.constant 0 : i32
      %parallel_loop3A_687 = arith.constant 128 : i32
      %parallel_loop3A_688 = arith.constant 1 : i32
      scf.for %parallel_loop3A_708 = %parallel_loop3A_686 to %parallel_loop3A_687 step %parallel_loop3A_688  : i32 {
        %parallel_loop3A_709 = arith.constant 9 : i32
        %parallel_loop3A_710 = arith.index_cast %parallel_loop3A_709 : i32 to index
        %parallel_loop3A_711 = arith.index_cast %parallel_loop3A_708 : i32 to index
        %parallel_loop3A_712 = arith.constant 0 : index
        %parallel_loop3A_713 = tpu.vector_load %arg6[%parallel_loop3A_710, %parallel_loop3A_711, %parallel_loop3A_712] {strides = array<i32>} : memref<10x128x64xf32, #tpu.memory_space<vmem>>, vector<1x1x16xf32>,
        %parallel_loop3A_714 = vector.shape_cast %parallel_loop3A_713 : vector<1x1x16xf32> to vector<16xf32>
        %parallel_loop3A_715 = arith.constant 8.000000e+00 : f32
        %parallel_loop3A_716 = vector.broadcast %parallel_loop3A_715 : f32 to vector<16xf32>
        %parallel_loop3A_717 = arith.mulf %parallel_loop3A_714, %parallel_loop3A_716 : vector<16xf32>
        %parallel_loop3A_718 = arith.constant 9 : i32
        %parallel_loop3A_719 = arith.index_cast %parallel_loop3A_718 : i32 to index
        %parallel_loop3A_720 = arith.index_cast %parallel_loop3A_708 : i32 to index
        %parallel_loop3A_721 = arith.constant 0 : index
        %parallel_loop3A_722 = tpu.vector_load %arg6[%parallel_loop3A_719, %parallel_loop3A_720, %parallel_loop3A_721] {strides = array<i32>} : memref<10x128x64xf32, #tpu.memory_space<vmem>>, vector<1x1x16xf32>,
        %parallel_loop3A_723 = vector.shape_cast %parallel_loop3A_722 : vector<1x1x16xf32> to vector<16xf32>
        %parallel_loop3A_724 = vector.shape_cast %parallel_loop3A_717 : vector<16xf32> to vector<1x1x16xf32>
        tpu.vector_store %arg6[%parallel_loop3A_719, %parallel_loop3A_720, %parallel_loop3A_721], %parallel_loop3A_724 {strides = array<i32>} : memref<10x128x64xf32, #tpu.memory_space<vmem>>, vector<1x1x16xf32>,
        %parallel_loop3A_725 = arith.constant 9 : i32
        %parallel_loop3A_726 = arith.index_cast %parallel_loop3A_725 : i32 to index
        %parallel_loop3A_727 = arith.index_cast %parallel_loop3A_708 : i32 to index
        %parallel_loop3A_728 = arith.constant 16 : index
        %parallel_loop3A_729 = tpu.vector_load %arg6[%parallel_loop3A_726, %parallel_loop3A_727, %parallel_loop3A_728] {strides = array<i32>} : memref<10x128x64xf32, #tpu.memory_space<vmem>>, vector<1x1x16xf32>,
        %parallel_loop3A_730 = vector.shape_cast %parallel_loop3A_729 : vector<1x1x16xf32> to vector<16xf32>
        %parallel_loop3A_731 = arith.constant 8.000000e+00 : f32
        %parallel_loop3A_732 = vector.broadcast %parallel_loop3A_731 : f32 to vector<16xf32>
        %parallel_loop3A_733 = arith.mulf %parallel_loop3A_730, %parallel_loop3A_732 : vector<16xf32>
        %parallel_loop3A_734 = arith.constant 9 : i32
        %parallel_loop3A_735 = arith.index_cast %parallel_loop3A_734 : i32 to index
        %parallel_loop3A_736 = arith.index_cast %parallel_loop3A_708 : i32 to index
        %parallel_loop3A_737 = arith.constant 16 : index
        %parallel_loop3A_738 = tpu.vector_load %arg6[%parallel_loop3A_735, %parallel_loop3A_736, %parallel_loop3A_737] {strides = array<i32>} : memref<10x128x64xf32, #tpu.memory_space<vmem>>, vector<1x1x16xf32>,
        %parallel_loop3A_739 = vector.shape_cast %parallel_loop3A_738 : vector<1x1x16xf32> to vector<16xf32>
        %parallel_loop3A_740 = vector.shape_cast %parallel_loop3A_733 : vector<16xf32> to vector<1x1x16xf32>
        tpu.vector_store %arg6[%parallel_loop3A_735, %parallel_loop3A_736, %parallel_loop3A_737], %parallel_loop3A_740 {strides = array<i32>} : memref<10x128x64xf32, #tpu.memory_space<vmem>>, vector<1x1x16xf32>,
        %parallel_loop3A_741 = arith.constant 9 : i32
        %parallel_loop3A_742 = arith.index_cast %parallel_loop3A_741 : i32 to index
        %parallel_loop3A_743 = arith.index_cast %parallel_loop3A_708 : i32 to index
        %parallel_loop3A_744 = arith.constant 32 : index
        %parallel_loop3A_745 = tpu.vector_load %arg6[%parallel_loop3A_742, %parallel_loop3A_743, %parallel_loop3A_744] {strides = array<i32>} : memref<10x128x64xf32, #tpu.memory_space<vmem>>, vector<1x1x16xf32>,
        %parallel_loop3A_746 = vector.shape_cast %parallel_loop3A_745 : vector<1x1x16xf32> to vector<16xf32>
        %parallel_loop3A_747 = arith.constant 8.000000e+00 : f32
        %parallel_loop3A_748 = vector.broadcast %parallel_loop3A_747 : f32 to vector<16xf32>
        %parallel_loop3A_749 = arith.mulf %parallel_loop3A_746, %parallel_loop3A_748 : vector<16xf32>
        %parallel_loop3A_750 = arith.constant 9 : i32
        %parallel_loop3A_751 = arith.index_cast %parallel_loop3A_750 : i32 to index
        %parallel_loop3A_752 = arith.index_cast %parallel_loop3A_708 : i32 to index
        %parallel_loop3A_753 = arith.constant 32 : index
        %parallel_loop3A_754 = tpu.vector_load %arg6[%parallel_loop3A_751, %parallel_loop3A_752, %parallel_loop3A_753] {strides = array<i32>} : memref<10x128x64xf32, #tpu.memory_space<vmem>>, vector<1x1x16xf32>,
        %parallel_loop3A_755 = vector.shape_cast %parallel_loop3A_754 : vector<1x1x16xf32> to vector<16xf32>
        %parallel_loop3A_756 = vector.shape_cast %parallel_loop3A_749 : vector<16xf32> to vector<1x1x16xf32>
        tpu.vector_store %arg6[%parallel_loop3A_751, %parallel_loop3A_752, %parallel_loop3A_753], %parallel_loop3A_756 {strides = array<i32>} : memref<10x128x64xf32, #tpu.memory_space<vmem>>, vector<1x1x16xf32>,
        %parallel_loop3A_757 = arith.constant 9 : i32
        %parallel_loop3A_758 = arith.index_cast %parallel_loop3A_757 : i32 to index
        %parallel_loop3A_759 = arith.index_cast %parallel_loop3A_708 : i32 to index
        %parallel_loop3A_760 = arith.constant 48 : index
        %parallel_loop3A_761 = tpu.vector_load %arg6[%parallel_loop3A_758, %parallel_loop3A_759, %parallel_loop3A_760] {strides = array<i32>} : memref<10x128x64xf32, #tpu.memory_space<vmem>>, vector<1x1x16xf32>,
        %parallel_loop3A_762 = vector.shape_cast %parallel_loop3A_761 : vector<1x1x16xf32> to vector<16xf32>
        %parallel_loop3A_763 = arith.constant 8.000000e+00 : f32
        %parallel_loop3A_764 = vector.broadcast %parallel_loop3A_763 : f32 to vector<16xf32>
        %parallel_loop3A_765 = arith.mulf %parallel_loop3A_762, %parallel_loop3A_764 : vector<16xf32>
        %parallel_loop3A_766 = arith.constant 9 : i32
        %parallel_loop3A_767 = arith.index_cast %parallel_loop3A_766 : i32 to index
        %parallel_loop3A_768 = arith.index_cast %parallel_loop3A_708 : i32 to index
        %parallel_loop3A_769 = arith.constant 48 : index
        %parallel_loop3A_770 = tpu.vector_load %arg6[%parallel_loop3A_767, %parallel_loop3A_768, %parallel_loop3A_769] {strides = array<i32>} : memref<10x128x64xf32, #tpu.memory_space<vmem>>, vector<1x1x16xf32>,
        %parallel_loop3A_771 = vector.shape_cast %parallel_loop3A_770 : vector<1x1x16xf32> to vector<16xf32>
        %parallel_loop3A_772 = vector.shape_cast %parallel_loop3A_765 : vector<16xf32> to vector<1x1x16xf32>
        tpu.vector_store %arg6[%parallel_loop3A_767, %parallel_loop3A_768, %parallel_loop3A_769], %parallel_loop3A_772 {strides = array<i32>} : memref<10x128x64xf32, #tpu.memory_space<vmem>>, vector<1x1x16xf32>,
      } {sc.loop_unroll_factor = 4 : i64, sc.parallel_access}
      %mul3A_689 = arith.constant 128 : i32
      %mul3A_690 = arith.muli %add3A_665, %mul3A_689 : i32
      %add3A_691 = arith.addi %mul3A_2, %mul3A_690 : i32
      %dma_start3A_692 = arith.constant 9 : i32
      %dma_start3A_693 = arith.constant 9 : i32
      %dma_start3A_694 = arith.constant 0 : i32
      %dma_start3A_695 = arith.constant 0 : i32
      %dma_start3A_696 = tpu.memref_slice %arg6[%dma_start3A_692, %dma_start3A_694, %dma_start3A_695] : memref<10x128x64xf32, #tpu.memory_space<vmem>> -> memref<1x128x64xf32, #tpu.memory_space<vmem>>
      %dma_start3A_697 = tpu.memref_squeeze %dma_start3A_696 : memref<1x128x64xf32, #tpu.memory_space<vmem>> -> memref<128x64xf32, #tpu.memory_space<vmem>>
      %dma_start3A_698 = arith.constant 0 : i32
      %dma_start3A_699 = tpu.memref_slice %arg4[%add3A_691, %dma_start3A_698] : memref<819200x64xf32, #tpu.memory_space<hbm>> -> memref<128x64xf32, #tpu.memory_space<hbm>>
      %dma_start3A_700 = tpu.memref_slice %arg7[%dma_start3A_693] : memref<10x!tpu.dma_semaphore, #tpu.memory_space<semaphore_mem>> -> memref<1x!tpu.dma_semaphore, #tpu.memory_space<semaphore_mem>>
      %dma_start3A_701 = tpu.memref_squeeze %dma_start3A_700 : memref<1x!tpu.dma_semaphore, #tpu.memory_space<semaphore_mem>> -> memref<!tpu.dma_semaphore, #tpu.memory_space<semaphore_mem>>
      %dma_start3A_702 = arith.constant 0 : i32
      %dma_start3A_703 = tpu.memref_slice %arg4[%add3A_691, %dma_start3A_702] : memref<819200x64xf32, #tpu.memory_space<hbm>> -> memref<128x64xf32, #tpu.memory_space<hbm>>
      %dma_start3A_704 = arith.constant 0 : i32
      %dma_start3A_705 = arith.constant 0 : i32
      %dma_start3A_706 = tpu.memref_slice %arg6[%dma_start3A_692, %dma_start3A_704, %dma_start3A_705] : memref<10x128x64xf32, #tpu.memory_space<vmem>> -> memref<1x128x64xf32, #tpu.memory_space<vmem>>
      %dma_start3A_707 = tpu.memref_squeeze %dma_start3A_706 : memref<1x128x64xf32, #tpu.memory_space<vmem>> -> memref<128x64xf32, #tpu.memory_space<vmem>>
      tpu.enqueue_dma source(%dma_start3A_707 : memref<128x64xf32, #tpu.memory_space<vmem>>) target(%dma_start3A_703 : memref<128x64xf32, #tpu.memory_space<hbm>>) target_semaphore(%dma_start3A_701 : memref<!tpu.dma_semaphore, #tpu.memory_space<semaphore_mem>>)
    }
    %scan3A_71 = arith.constant 20 : i32
    %dma_wait3A = arith.constant 0 : i32
    %dma_wait3A_72 = arith.constant 0 : i32
    %dma_wait3A_73 = arith.constant 0 : i32
    %dma_wait3A_74 = arith.constant 0 : i32
    %dma_wait3A_75 = tpu.memref_slice %arg6[%dma_wait3A, %dma_wait3A_73, %dma_wait3A_74] : memref<10x128x64xf32, #tpu.memory_space<vmem>> -> memref<1x128x64xf32, #tpu.memory_space<vmem>>
    %dma_wait3A_76 = tpu.memref_squeeze %dma_wait3A_75 : memref<1x128x64xf32, #tpu.memory_space<vmem>> -> memref<128x64xf32, #tpu.memory_space<vmem>>
    %dma_wait3A_77 = arith.constant 0 : i32
    %dma_wait3A_78 = arith.constant 0 : i32
    %dma_wait3A_79 = tpu.memref_slice %arg4[%dma_wait3A_77, %dma_wait3A_78] : memref<819200x64xf32, #tpu.memory_space<hbm>> -> memref<128x64xf32, #tpu.memory_space<hbm>>
    %dma_wait3A_80 = tpu.memref_slice %arg7[%dma_wait3A_72] : memref<10x!tpu.dma_semaphore, #tpu.memory_space<semaphore_mem>> -> memref<1x!tpu.dma_semaphore, #tpu.memory_space<semaphore_mem>>
    %dma_wait3A_81 = tpu.memref_squeeze %dma_wait3A_80 : memref<1x!tpu.dma_semaphore, #tpu.memory_space<semaphore_mem>> -> memref<!tpu.dma_semaphore, #tpu.memory_space<semaphore_mem>>
    %dma_wait3A_82 = arith.constant 0 : i32
    %dma_wait3A_83 = arith.constant 0 : i32
    %dma_wait3A_84 = tpu.memref_slice %arg4[%dma_wait3A_82, %dma_wait3A_83] : memref<819200x64xf32, #tpu.memory_space<hbm>> -> memref<128x64xf32, #tpu.memory_space<hbm>>
    %dma_wait3A_85 = arith.constant 0 : i32
    %dma_wait3A_86 = arith.constant 0 : i32
    %dma_wait3A_87 = tpu.memref_slice %arg6[%dma_wait3A, %dma_wait3A_85, %dma_wait3A_86] : memref<10x128x64xf32, #tpu.memory_space<vmem>> -> memref<1x128x64xf32, #tpu.memory_space<vmem>>
    %dma_wait3A_88 = tpu.memref_squeeze %dma_wait3A_87 : memref<1x128x64xf32, #tpu.memory_space<vmem>> -> memref<128x64xf32, #tpu.memory_space<vmem>>
    tpu.wait_dma2 semaphore(%dma_wait3A_81 : memref<!tpu.dma_semaphore, #tpu.memory_space<semaphore_mem>>) src(%dma_wait3A_88 : memref<128x64xf32, #tpu.memory_space<vmem>>) dst(%dma_wait3A_84 : memref<128x64xf32, #tpu.memory_space<hbm>>)
    %dma_wait3A_89 = arith.constant 1 : i32
    %dma_wait3A_90 = arith.constant 1 : i32
    %dma_wait3A_91 = arith.constant 0 : i32
    %dma_wait3A_92 = arith.constant 0 : i32
    %dma_wait3A_93 = tpu.memref_slice %arg6[%dma_wait3A_89, %dma_wait3A_91, %dma_wait3A_92] : memref<10x128x64xf32, #tpu.memory_space<vmem>> -> memref<1x128x64xf32, #tpu.memory_space<vmem>>
    %dma_wait3A_94 = tpu.memref_squeeze %dma_wait3A_93 : memref<1x128x64xf32, #tpu.memory_space<vmem>> -> memref<128x64xf32, #tpu.memory_space<vmem>>
    %dma_wait3A_95 = arith.constant 0 : i32
    %dma_wait3A_96 = arith.constant 0 : i32
    %dma_wait3A_97 = tpu.memref_slice %arg4[%dma_wait3A_95, %dma_wait3A_96] : memref<819200x64xf32, #tpu.memory_space<hbm>> -> memref<128x64xf32, #tpu.memory_space<hbm>>
    %dma_wait3A_98 = tpu.memref_slice %arg7[%dma_wait3A_90] : memref<10x!tpu.dma_semaphore, #tpu.memory_space<semaphore_mem>> -> memref<1x!tpu.dma_semaphore, #tpu.memory_space<semaphore_mem>>
    %dma_wait3A_99 = tpu.memref_squeeze %dma_wait3A_98 : memref<1x!tpu.dma_semaphore, #tpu.memory_space<semaphore_mem>> -> memref<!tpu.dma_semaphore, #tpu.memory_space<semaphore_mem>>
    %dma_wait3A_100 = arith.constant 0 : i32
    %dma_wait3A_101 = arith.constant 0 : i32
    %dma_wait3A_102 = tpu.memref_slice %arg4[%dma_wait3A_100, %dma_wait3A_101] : memref<819200x64xf32, #tpu.memory_space<hbm>> -> memref<128x64xf32, #tpu.memory_space<hbm>>
    %dma_wait3A_103 = arith.constant 0 : i32
    %dma_wait3A_104 = arith.constant 0 : i32
    %dma_wait3A_105 = tpu.memref_slice %arg6[%dma_wait3A_89, %dma_wait3A_103, %dma_wait3A_104] : memref<10x128x64xf32, #tpu.memory_space<vmem>> -> memref<1x128x64xf32, #tpu.memory_space<vmem>>
    %dma_wait3A_106 = tpu.memref_squeeze %dma_wait3A_105 : memref<1x128x64xf32, #tpu.memory_space<vmem>> -> memref<128x64xf32, #tpu.memory_space<vmem>>
    tpu.wait_dma2 semaphore(%dma_wait3A_99 : memref<!tpu.dma_semaphore, #tpu.memory_space<semaphore_mem>>) src(%dma_wait3A_106 : memref<128x64xf32, #tpu.memory_space<vmem>>) dst(%dma_wait3A_102 : memref<128x64xf32, #tpu.memory_space<hbm>>)
    %dma_wait3A_107 = arith.constant 2 : i32
    %dma_wait3A_108 = arith.constant 2 : i32
    %dma_wait3A_109 = arith.constant 0 : i32
    %dma_wait3A_110 = arith.constant 0 : i32
    %dma_wait3A_111 = tpu.memref_slice %arg6[%dma_wait3A_107, %dma_wait3A_109, %dma_wait3A_110] : memref<10x128x64xf32, #tpu.memory_space<vmem>> -> memref<1x128x64xf32, #tpu.memory_space<vmem>>
    %dma_wait3A_112 = tpu.memref_squeeze %dma_wait3A_111 : memref<1x128x64xf32, #tpu.memory_space<vmem>> -> memref<128x64xf32, #tpu.memory_space<vmem>>
    %dma_wait3A_113 = arith.constant 0 : i32
    %dma_wait3A_114 = arith.constant 0 : i32
    %dma_wait3A_115 = tpu.memref_slice %arg4[%dma_wait3A_113, %dma_wait3A_114] : memref<819200x64xf32, #tpu.memory_space<hbm>> -> memref<128x64xf32, #tpu.memory_space<hbm>>
    %dma_wait3A_116 = tpu.memref_slice %arg7[%dma_wait3A_108] : memref<10x!tpu.dma_semaphore, #tpu.memory_space<semaphore_mem>> -> memref<1x!tpu.dma_semaphore, #tpu.memory_space<semaphore_mem>>
    %dma_wait3A_117 = tpu.memref_squeeze %dma_wait3A_116 : memref<1x!tpu.dma_semaphore, #tpu.memory_space<semaphore_mem>> -> memref<!tpu.dma_semaphore, #tpu.memory_space<semaphore_mem>>
    %dma_wait3A_118 = arith.constant 0 : i32
    %dma_wait3A_119 = arith.constant 0 : i32
    %dma_wait3A_120 = tpu.memref_slice %arg4[%dma_wait3A_118, %dma_wait3A_119] : memref<819200x64xf32, #tpu.memory_space<hbm>> -> memref<128x64xf32, #tpu.memory_space<hbm>>
    %dma_wait3A_121 = arith.constant 0 : i32
    %dma_wait3A_122 = arith.constant 0 : i32
    %dma_wait3A_123 = tpu.memref_slice %arg6[%dma_wait3A_107, %dma_wait3A_121, %dma_wait3A_122] : memref<10x128x64xf32, #tpu.memory_space<vmem>> -> memref<1x128x64xf32, #tpu.memory_space<vmem>>
    %dma_wait3A_124 = tpu.memref_squeeze %dma_wait3A_123 : memref<1x128x64xf32, #tpu.memory_space<vmem>> -> memref<128x64xf32, #tpu.memory_space<vmem>>
    tpu.wait_dma2 semaphore(%dma_wait3A_117 : memref<!tpu.dma_semaphore, #tpu.memory_space<semaphore_mem>>) src(%dma_wait3A_124 : memref<128x64xf32, #tpu.memory_space<vmem>>) dst(%dma_wait3A_120 : memref<128x64xf32, #tpu.memory_space<hbm>>)
    %dma_wait3A_125 = arith.constant 3 : i32
    %dma_wait3A_126 = arith.constant 3 : i32
    %dma_wait3A_127 = arith.constant 0 : i32
    %dma_wait3A_128 = arith.constant 0 : i32
    %dma_wait3A_129 = tpu.memref_slice %arg6[%dma_wait3A_125, %dma_wait3A_127, %dma_wait3A_128] : memref<10x128x64xf32, #tpu.memory_space<vmem>> -> memref<1x128x64xf32, #tpu.memory_space<vmem>>
    %dma_wait3A_130 = tpu.memref_squeeze %dma_wait3A_129 : memref<1x128x64xf32, #tpu.memory_space<vmem>> -> memref<128x64xf32, #tpu.memory_space<vmem>>
    %dma_wait3A_131 = arith.constant 0 : i32
    %dma_wait3A_132 = arith.constant 0 : i32
    %dma_wait3A_133 = tpu.memref_slice %arg4[%dma_wait3A_131, %dma_wait3A_132] : memref<819200x64xf32, #tpu.memory_space<hbm>> -> memref<128x64xf32, #tpu.memory_space<hbm>>
    %dma_wait3A_134 = tpu.memref_slice %arg7[%dma_wait3A_126] : memref<10x!tpu.dma_semaphore, #tpu.memory_space<semaphore_mem>> -> memref<1x!tpu.dma_semaphore, #tpu.memory_space<semaphore_mem>>
    %dma_wait3A_135 = tpu.memref_squeeze %dma_wait3A_134 : memref<1x!tpu.dma_semaphore, #tpu.memory_space<semaphore_mem>> -> memref<!tpu.dma_semaphore, #tpu.memory_space<semaphore_mem>>
    %dma_wait3A_136 = arith.constant 0 : i32
    %dma_wait3A_137 = arith.constant 0 : i32
    %dma_wait3A_138 = tpu.memref_slice %arg4[%dma_wait3A_136, %dma_wait3A_137] : memref<819200x64xf32, #tpu.memory_space<hbm>> -> memref<128x64xf32, #tpu.memory_space<hbm>>
    %dma_wait3A_139 = arith.constant 0 : i32
    %dma_wait3A_140 = arith.constant 0 : i32
    %dma_wait3A_141 = tpu.memref_slice %arg6[%dma_wait3A_125, %dma_wait3A_139, %dma_wait3A_140] : memref<10x128x64xf32, #tpu.memory_space<vmem>> -> memref<1x128x64xf32, #tpu.memory_space<vmem>>
    %dma_wait3A_142 = tpu.memref_squeeze %dma_wait3A_141 : memref<1x128x64xf32, #tpu.memory_space<vmem>> -> memref<128x64xf32, #tpu.memory_space<vmem>>
    tpu.wait_dma2 semaphore(%dma_wait3A_135 : memref<!tpu.dma_semaphore, #tpu.memory_space<semaphore_mem>>) src(%dma_wait3A_142 : memref<128x64xf32, #tpu.memory_space<vmem>>) dst(%dma_wait3A_138 : memref<128x64xf32, #tpu.memory_space<hbm>>)
    %dma_wait3A_143 = arith.constant 4 : i32
    %dma_wait3A_144 = arith.constant 4 : i32
    %dma_wait3A_145 = arith.constant 0 : i32
    %dma_wait3A_146 = arith.constant 0 : i32
    %dma_wait3A_147 = tpu.memref_slice %arg6[%dma_wait3A_143, %dma_wait3A_145, %dma_wait3A_146] : memref<10x128x64xf32, #tpu.memory_space<vmem>> -> memref<1x128x64xf32, #tpu.memory_space<vmem>>
    %dma_wait3A_148 = tpu.memref_squeeze %dma_wait3A_147 : memref<1x128x64xf32, #tpu.memory_space<vmem>> -> memref<128x64xf32, #tpu.memory_space<vmem>>
    %dma_wait3A_149 = arith.constant 0 : i32
    %dma_wait3A_150 = arith.constant 0 : i32
    %dma_wait3A_151 = tpu.memref_slice %arg4[%dma_wait3A_149, %dma_wait3A_150] : memref<819200x64xf32, #tpu.memory_space<hbm>> -> memref<128x64xf32, #tpu.memory_space<hbm>>
    %dma_wait3A_152 = tpu.memref_slice %arg7[%dma_wait3A_144] : memref<10x!tpu.dma_semaphore, #tpu.memory_space<semaphore_mem>> -> memref<1x!tpu.dma_semaphore, #tpu.memory_space<semaphore_mem>>
    %dma_wait3A_153 = tpu.memref_squeeze %dma_wait3A_152 : memref<1x!tpu.dma_semaphore, #tpu.memory_space<semaphore_mem>> -> memref<!tpu.dma_semaphore, #tpu.memory_space<semaphore_mem>>
    %dma_wait3A_154 = arith.constant 0 : i32
    %dma_wait3A_155 = arith.constant 0 : i32
    %dma_wait3A_156 = tpu.memref_slice %arg4[%dma_wait3A_154, %dma_wait3A_155] : memref<819200x64xf32, #tpu.memory_space<hbm>> -> memref<128x64xf32, #tpu.memory_space<hbm>>
    %dma_wait3A_157 = arith.constant 0 : i32
    %dma_wait3A_158 = arith.constant 0 : i32
    %dma_wait3A_159 = tpu.memref_slice %arg6[%dma_wait3A_143, %dma_wait3A_157, %dma_wait3A_158] : memref<10x128x64xf32, #tpu.memory_space<vmem>> -> memref<1x128x64xf32, #tpu.memory_space<vmem>>
    %dma_wait3A_160 = tpu.memref_squeeze %dma_wait3A_159 : memref<1x128x64xf32, #tpu.memory_space<vmem>> -> memref<128x64xf32, #tpu.memory_space<vmem>>
    tpu.wait_dma2 semaphore(%dma_wait3A_153 : memref<!tpu.dma_semaphore, #tpu.memory_space<semaphore_mem>>) src(%dma_wait3A_160 : memref<128x64xf32, #tpu.memory_space<vmem>>) dst(%dma_wait3A_156 : memref<128x64xf32, #tpu.memory_space<hbm>>)
    %dma_wait3A_161 = arith.constant 5 : i32
    %dma_wait3A_162 = arith.constant 5 : i32
    %dma_wait3A_163 = arith.constant 0 : i32
    %dma_wait3A_164 = arith.constant 0 : i32
    %dma_wait3A_165 = tpu.memref_slice %arg6[%dma_wait3A_161, %dma_wait3A_163, %dma_wait3A_164] : memref<10x128x64xf32, #tpu.memory_space<vmem>> -> memref<1x128x64xf32, #tpu.memory_space<vmem>>
    %dma_wait3A_166 = tpu.memref_squeeze %dma_wait3A_165 : memref<1x128x64xf32, #tpu.memory_space<vmem>> -> memref<128x64xf32, #tpu.memory_space<vmem>>
    %dma_wait3A_167 = arith.constant 0 : i32
    %dma_wait3A_168 = arith.constant 0 : i32
    %dma_wait3A_169 = tpu.memref_slice %arg4[%dma_wait3A_167, %dma_wait3A_168] : memref<819200x64xf32, #tpu.memory_space<hbm>> -> memref<128x64xf32, #tpu.memory_space<hbm>>
    %dma_wait3A_170 = tpu.memref_slice %arg7[%dma_wait3A_162] : memref<10x!tpu.dma_semaphore, #tpu.memory_space<semaphore_mem>> -> memref<1x!tpu.dma_semaphore, #tpu.memory_space<semaphore_mem>>
    %dma_wait3A_171 = tpu.memref_squeeze %dma_wait3A_170 : memref<1x!tpu.dma_semaphore, #tpu.memory_space<semaphore_mem>> -> memref<!tpu.dma_semaphore, #tpu.memory_space<semaphore_mem>>
    %dma_wait3A_172 = arith.constant 0 : i32
    %dma_wait3A_173 = arith.constant 0 : i32
    %dma_wait3A_174 = tpu.memref_slice %arg4[%dma_wait3A_172, %dma_wait3A_173] : memref<819200x64xf32, #tpu.memory_space<hbm>> -> memref<128x64xf32, #tpu.memory_space<hbm>>
    %dma_wait3A_175 = arith.constant 0 : i32
    %dma_wait3A_176 = arith.constant 0 : i32
    %dma_wait3A_177 = tpu.memref_slice %arg6[%dma_wait3A_161, %dma_wait3A_175, %dma_wait3A_176] : memref<10x128x64xf32, #tpu.memory_space<vmem>> -> memref<1x128x64xf32, #tpu.memory_space<vmem>>
    %dma_wait3A_178 = tpu.memref_squeeze %dma_wait3A_177 : memref<1x128x64xf32, #tpu.memory_space<vmem>> -> memref<128x64xf32, #tpu.memory_space<vmem>>
    tpu.wait_dma2 semaphore(%dma_wait3A_171 : memref<!tpu.dma_semaphore, #tpu.memory_space<semaphore_mem>>) src(%dma_wait3A_178 : memref<128x64xf32, #tpu.memory_space<vmem>>) dst(%dma_wait3A_174 : memref<128x64xf32, #tpu.memory_space<hbm>>)
    %dma_wait3A_179 = arith.constant 6 : i32
    %dma_wait3A_180 = arith.constant 6 : i32
    %dma_wait3A_181 = arith.constant 0 : i32
    %dma_wait3A_182 = arith.constant 0 : i32
    %dma_wait3A_183 = tpu.memref_slice %arg6[%dma_wait3A_179, %dma_wait3A_181, %dma_wait3A_182] : memref<10x128x64xf32, #tpu.memory_space<vmem>> -> memref<1x128x64xf32, #tpu.memory_space<vmem>>
    %dma_wait3A_184 = tpu.memref_squeeze %dma_wait3A_183 : memref<1x128x64xf32, #tpu.memory_space<vmem>> -> memref<128x64xf32, #tpu.memory_space<vmem>>
    %dma_wait3A_185 = arith.constant 0 : i32
    %dma_wait3A_186 = arith.constant 0 : i32
    %dma_wait3A_187 = tpu.memref_slice %arg4[%dma_wait3A_185, %dma_wait3A_186] : memref<819200x64xf32, #tpu.memory_space<hbm>> -> memref<128x64xf32, #tpu.memory_space<hbm>>
    %dma_wait3A_188 = tpu.memref_slice %arg7[%dma_wait3A_180] : memref<10x!tpu.dma_semaphore, #tpu.memory_space<semaphore_mem>> -> memref<1x!tpu.dma_semaphore, #tpu.memory_space<semaphore_mem>>
    %dma_wait3A_189 = tpu.memref_squeeze %dma_wait3A_188 : memref<1x!tpu.dma_semaphore, #tpu.memory_space<semaphore_mem>> -> memref<!tpu.dma_semaphore, #tpu.memory_space<semaphore_mem>>
    %dma_wait3A_190 = arith.constant 0 : i32
    %dma_wait3A_191 = arith.constant 0 : i32
    %dma_wait3A_192 = tpu.memref_slice %arg4[%dma_wait3A_190, %dma_wait3A_191] : memref<819200x64xf32, #tpu.memory_space<hbm>> -> memref<128x64xf32, #tpu.memory_space<hbm>>
    %dma_wait3A_193 = arith.constant 0 : i32
    %dma_wait3A_194 = arith.constant 0 : i32
    %dma_wait3A_195 = tpu.memref_slice %arg6[%dma_wait3A_179, %dma_wait3A_193, %dma_wait3A_194] : memref<10x128x64xf32, #tpu.memory_space<vmem>> -> memref<1x128x64xf32, #tpu.memory_space<vmem>>
    %dma_wait3A_196 = tpu.memref_squeeze %dma_wait3A_195 : memref<1x128x64xf32, #tpu.memory_space<vmem>> -> memref<128x64xf32, #tpu.memory_space<vmem>>
    tpu.wait_dma2 semaphore(%dma_wait3A_189 : memref<!tpu.dma_semaphore, #tpu.memory_space<semaphore_mem>>) src(%dma_wait3A_196 : memref<128x64xf32, #tpu.memory_space<vmem>>) dst(%dma_wait3A_192 : memref<128x64xf32, #tpu.memory_space<hbm>>)
    %dma_wait3A_197 = arith.constant 7 : i32
    %dma_wait3A_198 = arith.constant 7 : i32
    %dma_wait3A_199 = arith.constant 0 : i32
    %dma_wait3A_200 = arith.constant 0 : i32
    %dma_wait3A_201 = tpu.memref_slice %arg6[%dma_wait3A_197, %dma_wait3A_199, %dma_wait3A_200] : memref<10x128x64xf32, #tpu.memory_space<vmem>> -> memref<1x128x64xf32, #tpu.memory_space<vmem>>
    %dma_wait3A_202 = tpu.memref_squeeze %dma_wait3A_201 : memref<1x128x64xf32, #tpu.memory_space<vmem>> -> memref<128x64xf32, #tpu.memory_space<vmem>>
    %dma_wait3A_203 = arith.constant 0 : i32
    %dma_wait3A_204 = arith.constant 0 : i32
    %dma_wait3A_205 = tpu.memref_slice %arg4[%dma_wait3A_203, %dma_wait3A_204] : memref<819200x64xf32, #tpu.memory_space<hbm>> -> memref<128x64xf32, #tpu.memory_space<hbm>>
    %dma_wait3A_206 = tpu.memref_slice %arg7[%dma_wait3A_198] : memref<10x!tpu.dma_semaphore, #tpu.memory_space<semaphore_mem>> -> memref<1x!tpu.dma_semaphore, #tpu.memory_space<semaphore_mem>>
    %dma_wait3A_207 = tpu.memref_squeeze %dma_wait3A_206 : memref<1x!tpu.dma_semaphore, #tpu.memory_space<semaphore_mem>> -> memref<!tpu.dma_semaphore, #tpu.memory_space<semaphore_mem>>
    %dma_wait3A_208 = arith.constant 0 : i32
    %dma_wait3A_209 = arith.constant 0 : i32
    %dma_wait3A_210 = tpu.memref_slice %arg4[%dma_wait3A_208, %dma_wait3A_209] : memref<819200x64xf32, #tpu.memory_space<hbm>> -> memref<128x64xf32, #tpu.memory_space<hbm>>
    %dma_wait3A_211 = arith.constant 0 : i32
    %dma_wait3A_212 = arith.constant 0 : i32
    %dma_wait3A_213 = tpu.memref_slice %arg6[%dma_wait3A_197, %dma_wait3A_211, %dma_wait3A_212] : memref<10x128x64xf32, #tpu.memory_space<vmem>> -> memref<1x128x64xf32, #tpu.memory_space<vmem>>
    %dma_wait3A_214 = tpu.memref_squeeze %dma_wait3A_213 : memref<1x128x64xf32, #tpu.memory_space<vmem>> -> memref<128x64xf32, #tpu.memory_space<vmem>>
    tpu.wait_dma2 semaphore(%dma_wait3A_207 : memref<!tpu.dma_semaphore, #tpu.memory_space<semaphore_mem>>) src(%dma_wait3A_214 : memref<128x64xf32, #tpu.memory_space<vmem>>) dst(%dma_wait3A_210 : memref<128x64xf32, #tpu.memory_space<hbm>>)
    %dma_wait3A_215 = arith.constant 8 : i32
    %dma_wait3A_216 = arith.constant 8 : i32
    %dma_wait3A_217 = arith.constant 0 : i32
    %dma_wait3A_218 = arith.constant 0 : i32
    %dma_wait3A_219 = tpu.memref_slice %arg6[%dma_wait3A_215, %dma_wait3A_217, %dma_wait3A_218] : memref<10x128x64xf32, #tpu.memory_space<vmem>> -> memref<1x128x64xf32, #tpu.memory_space<vmem>>
    %dma_wait3A_220 = tpu.memref_squeeze %dma_wait3A_219 : memref<1x128x64xf32, #tpu.memory_space<vmem>> -> memref<128x64xf32, #tpu.memory_space<vmem>>
    %dma_wait3A_221 = arith.constant 0 : i32
    %dma_wait3A_222 = arith.constant 0 : i32
    %dma_wait3A_223 = tpu.memref_slice %arg4[%dma_wait3A_221, %dma_wait3A_222] : memref<819200x64xf32, #tpu.memory_space<hbm>> -> memref<128x64xf32, #tpu.memory_space<hbm>>
    %dma_wait3A_224 = tpu.memref_slice %arg7[%dma_wait3A_216] : memref<10x!tpu.dma_semaphore, #tpu.memory_space<semaphore_mem>> -> memref<1x!tpu.dma_semaphore, #tpu.memory_space<semaphore_mem>>
    %dma_wait3A_225 = tpu.memref_squeeze %dma_wait3A_224 : memref<1x!tpu.dma_semaphore, #tpu.memory_space<semaphore_mem>> -> memref<!tpu.dma_semaphore, #tpu.memory_space<semaphore_mem>>
    %dma_wait3A_226 = arith.constant 0 : i32
    %dma_wait3A_227 = arith.constant 0 : i32
    %dma_wait3A_228 = tpu.memref_slice %arg4[%dma_wait3A_226, %dma_wait3A_227] : memref<819200x64xf32, #tpu.memory_space<hbm>> -> memref<128x64xf32, #tpu.memory_space<hbm>>
    %dma_wait3A_229 = arith.constant 0 : i32
    %dma_wait3A_230 = arith.constant 0 : i32
    %dma_wait3A_231 = tpu.memref_slice %arg6[%dma_wait3A_215, %dma_wait3A_229, %dma_wait3A_230] : memref<10x128x64xf32, #tpu.memory_space<vmem>> -> memref<1x128x64xf32, #tpu.memory_space<vmem>>
    %dma_wait3A_232 = tpu.memref_squeeze %dma_wait3A_231 : memref<1x128x64xf32, #tpu.memory_space<vmem>> -> memref<128x64xf32, #tpu.memory_space<vmem>>
    tpu.wait_dma2 semaphore(%dma_wait3A_225 : memref<!tpu.dma_semaphore, #tpu.memory_space<semaphore_mem>>) src(%dma_wait3A_232 : memref<128x64xf32, #tpu.memory_space<vmem>>) dst(%dma_wait3A_228 : memref<128x64xf32, #tpu.memory_space<hbm>>)
    %dma_wait3A_233 = arith.constant 9 : i32
    %dma_wait3A_234 = arith.constant 9 : i32
    %dma_wait3A_235 = arith.constant 0 : i32
    %dma_wait3A_236 = arith.constant 0 : i32
    %dma_wait3A_237 = tpu.memref_slice %arg6[%dma_wait3A_233, %dma_wait3A_235, %dma_wait3A_236] : memref<10x128x64xf32, #tpu.memory_space<vmem>> -> memref<1x128x64xf32, #tpu.memory_space<vmem>>
    %dma_wait3A_238 = tpu.memref_squeeze %dma_wait3A_237 : memref<1x128x64xf32, #tpu.memory_space<vmem>> -> memref<128x64xf32, #tpu.memory_space<vmem>>
    %dma_wait3A_239 = arith.constant 0 : i32
    %dma_wait3A_240 = arith.constant 0 : i32
    %dma_wait3A_241 = tpu.memref_slice %arg4[%dma_wait3A_239, %dma_wait3A_240] : memref<819200x64xf32, #tpu.memory_space<hbm>> -> memref<128x64xf32, #tpu.memory_space<hbm>>
    %dma_wait3A_242 = tpu.memref_slice %arg7[%dma_wait3A_234] : memref<10x!tpu.dma_semaphore, #tpu.memory_space<semaphore_mem>> -> memref<1x!tpu.dma_semaphore, #tpu.memory_space<semaphore_mem>>
    %dma_wait3A_243 = tpu.memref_squeeze %dma_wait3A_242 : memref<1x!tpu.dma_semaphore, #tpu.memory_space<semaphore_mem>> -> memref<!tpu.dma_semaphore, #tpu.memory_space<semaphore_mem>>
    %dma_wait3A_244 = arith.constant 0 : i32
    %dma_wait3A_245 = arith.constant 0 : i32
    %dma_wait3A_246 = tpu.memref_slice %arg4[%dma_wait3A_244, %dma_wait3A_245] : memref<819200x64xf32, #tpu.memory_space<hbm>> -> memref<128x64xf32, #tpu.memory_space<hbm>>
    %dma_wait3A_247 = arith.constant 0 : i32
    %dma_wait3A_248 = arith.constant 0 : i32
    %dma_wait3A_249 = tpu.memref_slice %arg6[%dma_wait3A_233, %dma_wait3A_247, %dma_wait3A_248] : memref<10x128x64xf32, #tpu.memory_space<vmem>> -> memref<1x128x64xf32, #tpu.memory_space<vmem>>
    %dma_wait3A_250 = tpu.memref_squeeze %dma_wait3A_249 : memref<1x128x64xf32, #tpu.memory_space<vmem>> -> memref<128x64xf32, #tpu.memory_space<vmem>>
    tpu.wait_dma2 semaphore(%dma_wait3A_243 : memref<!tpu.dma_semaphore, #tpu.memory_space<semaphore_mem>>) src(%dma_wait3A_250 : memref<128x64xf32, #tpu.memory_space<vmem>>) dst(%dma_wait3A_246 : memref<128x64xf32, #tpu.memory_space<hbm>>)
    return
  }
}

</mosaic_0001>

<sc_bundles>
// kernel: _embed.3.cloned.1.call-start
scs
__scs_entry_jumppad:
0x0: {  	(pc) =	sbr.rel $0x88, $3  }
0x1: {  	(tag) =	ssettag $0x0;
	lr =	simm.s32 $0x1  }
0x2: {  	[smem:$0x3F9F] =	sst lr;
	_ =	strace $0xD0000000  }
0x3: {  	_ = 	snop  }
0x4: {  	_ = 	snop  }
0x5: {  	_ = 	snop  }
0x6: {  	_ = 	snop  }
0x7: {  	_ = 	snop  }
__scs_overlays_trampoline_lowered:
0x8: {  	[smem:$0x3FAE] =	sst s0  }
0x9: {  	[smem:$0x3FAF] =	sst s1  }
0xa: {  	[smem:$0x3FB0] =	sst s2  }
0xb: {  	[smem:$0x3FB1] =	sst s3  }
0xc: {  	[smem:$0x3FB2] =	sst s4  }
0xd: {  	[smem:$0x3FB3] =	sst s5  }
0xe: {  	[smem:$0x3FB4] =	sst s6  }
0xf: {  	[smem:$0x3FB5] =	sst s7  }
0x10: {  	[smem:$0x3FB6] =	sst s8  }
0x11: {  	[smem:$0x3FB7] =	sst s9;
	s0 =	simm.s32 @!p0 $0x0  }
0x12: {  	s1 =	sld [smem:$0x3F9D];
	s0 =	simm.s32 @p0 $0x1  }
0x13: {  	[smem:$0x3FB8] =	sst s0;
	s0 =	simm.s32 @!p1 $0x0  }
0x14: {  	s2 =	sld [smem:$0x3F9C];
	s0 =	simm.s32 @p1 $0x1  }
0x15: {  	[smem:$0x3FB9] =	sst s0;
	s0 =	simm.s32 @!p2 $0x0  }
0x16: {  	s3 =	sld [smem:$0x3FDB];
	s0 =	simm.s32 @p2 $0x1  }
0x17: {  	s4 =	simm.s32 $0x1BF5;
	[smem:$0x3FBB] =	sst s0  }
0x18: {  	s0 =	sld [smem:$0x3F9E];
	_ =	swait.ge [sflag:s4], $0x0  }
0x19: {  	s7 =	sld [smem:$0x3F9F]  }
0x1a: {  	s8 =	sadd.s32 $0xFFFFE003, lr  }
0x1b: {  	s9 =	sadd.s32 $0xFFFFFEF7, lr;
	s5 =	simm.s32 $0xFFFFFFFF;
	p2 =	slt.u32 s8, $0xFFFFF086  }
0x1c: {  	p1 =	slt.u32 s9, $0xF7A;
	s5 =	simm.s32 @!p2 $0x0  }
0x1d: {  	s5 =	simm.s32 @p1 $0x1;
	p0 =	seq.s32 s7, s2  }
0x1e: {  	s7 =	smul.u32 @!p0 $0xF7A, s2;
	p2 =	seq.s32 @!p0 s5, $0x0  }
0x1f: {  	s9 =	smul.u32 $0xF7A, s1;
	s8 =	simm.s32 @!p0 $0x1BF5;
	p2 =	por !p2, p0  }
0x20: {  	[sflag:s8] =	ssyncset.s32 @!p0 $0xFFFFF086;
	s6 =	sadd.s32 @!p0 s3, s7;
	s7 =	simm.s32 @!p0 $0x108  }
0x21: {  	s3 =	sadd.s32 s3, s9;
	s6 =	sadd.s32 @!p0 $0x88, s6;
	s7 =	simm.s32 @p2 $0x1082  }
0x22: {  	[simem:s7], [sflag:s8] =	dma.local @!p0 [hbm:s6], $0xF7A  }
0x23: {  	s9 =	sor.u32 $0xD0000000, s2;
	s6 =	simm.s32 $0x108;
	_ =	swait.ge @!p0 [sflag:s8], $0x0  }
0x24: {  	s3 =	sadd.s32 $0x88, s3;
	s6 =	simm.s32 @!p1 $0x1082;
	[sflag:s4] =	ssyncset.s32 $0xFFFFF086  }
0x25: {  	[simem:s6], [sflag:s4] =	dma.local [hbm:s3], $0xF7A  }
0x26: {  	[smem:$0x3F9F] =	sst s1;
	(tag) =	ssettag s2;
	_ =	strace s9  }
0x27: {  	s1 =	sld [smem:$0x3FAF]  }
0x28: {  	s2 =	sld [smem:$0x3FB0]  }
0x29: {  	s4 =	sld [smem:$0x3FB2]  }
0x2a: {  	p0 =	seq.s32 s5, $0x0;
	s5 =	sld [smem:$0x3FB3]  }
0x2b: {  	s6 =	sld [smem:$0x3FB4]  }
0x2c: {  	s7 =	sld [smem:$0x3FB5]  }
0x2d: {  	s3 =	simm.s32 $0x108;
	s8 =	sld [smem:$0x3FB6]  }
0x2e: {  	s3 =	simm.s32 @!p0 $0x1082;
	s9 =	sld [smem:$0x3FB7]  }
0x2f: {  	lr =	sadd.s32 s0, s3;
	s0 =	sld [smem:$0x3FAE]  }
0x30: {  	s3 =	sld [smem:$0x3FB1]  }
0x31: {  	[smem:$0x3FBA] =	sst s10  }
0x32: {  	s10 =	sld [smem:$0x3FB8];
	_ =	sdelay $0x3  }
0x33: {  	p0 =	seq.s32 s10, $0x1;
	s10 =	sld [smem:$0x3FBA];
	_ =	sdelay $0x3  }
0x34: {  	[smem:$0x3FBA] =	sst s10  }
0x35: {  	s10 =	sld [smem:$0x3FB9];
	_ =	sdelay $0x3  }
0x36: {  	p1 =	seq.s32 s10, $0x1;
	s10 =	sld [smem:$0x3FBA];
	_ =	sdelay $0x3  }
0x37: {  	[smem:$0x3FBA] =	sst s10  }
0x38: {  	s10 =	sld [smem:$0x3FBB]  }
0x39: {  	_ = 	snop;
	(pc) =	sbr.ind lr, $3  }
0x3a: {  	_ = 	snop  }
0x3b: {  	_ = 	snop  }
0x3c: {  	p2 =	seq.s32 s10, $0x1;
	s10 =	sld [smem:$0x3FBA]  }
0x3d: {  	_ =	shalt  }
0x3e: {  	_ =	shalt  }
0x3f: {  	_ =	shalt  }
0x40: {  	_ =	shalt  }
0x41: {  	_ =	shalt  }
0x42: {  	_ =	shalt  }
0x43: {  	_ =	shalt  }
0x44: {  	_ =	shalt  }
0x45: {  	_ =	shalt  }
0x46: {  	_ =	shalt  }
0x47: {  	_ =	shalt  }
0x48: {  	_ =	shalt  }
0x49: {  	_ =	shalt  }
0x4a: {  	_ =	shalt  }
0x4b: {  	_ =	shalt  }
0x4c: {  	_ =	shalt  }
0x4d: {  	_ =	shalt  }
0x4e: {  	_ =	shalt  }
0x4f: {  	_ =	shalt  }
0x50: {  	_ =	shalt  }
0x51: {  	_ =	shalt  }
0x52: {  	_ =	shalt  }
0x53: {  	_ =	shalt  }
0x54: {  	_ =	shalt  }
0x55: {  	_ =	shalt  }
0x56: {  	_ =	shalt  }
0x57: {  	_ =	shalt  }
0x58: {  	_ =	shalt  }
0x59: {  	_ =	shalt  }
0x5a: {  	_ =	shalt  }
0x5b: {  	_ =	shalt  }
0x5c: {  	_ =	shalt  }
0x5d: {  	_ =	shalt  }
0x5e: {  	_ =	shalt  }
0x5f: {  	_ =	shalt  }
0x60: {  	_ =	shalt  }
0x61: {  	_ =	shalt  }
0x62: {  	_ =	shalt  }
0x63: {  	_ =	shalt  }
0x64: {  	_ =	shalt  }
0x65: {  	_ =	shalt  }
0x66: {  	_ =	shalt  }
0x67: {  	_ =	shalt  }
0x68: {  	_ =	shalt  }
0x69: {  	_ =	shalt  }
0x6a: {  	_ =	shalt  }
0x6b: {  	_ =	shalt  }
0x6c: {  	_ =	shalt  }
0x6d: {  	_ =	shalt  }
0x6e: {  	_ =	shalt  }
0x6f: {  	_ =	shalt  }
0x70: {  	_ =	shalt  }
0x71: {  	_ =	shalt  }
0x72: {  	_ =	shalt  }
0x73: {  	_ =	shalt  }
0x74: {  	_ =	shalt  }
0x75: {  	_ =	shalt  }
0x76: {  	_ =	shalt  }
0x77: {  	_ =	shalt  }
0x78: {  	_ =	shalt  }
0x79: {  	_ =	shalt  }
0x7a: {  	_ =	shalt  }
0x7b: {  	_ =	shalt  }
0x7c: {  	_ =	shalt  }
0x7d: {  	_ =	shalt  }
0x7e: {  	_ =	shalt  }
0x7f: {  	_ =	shalt  }
0x80: {  	_ =	shalt  }
0x81: {  	_ =	shalt  }
0x82: {  	_ =	shalt  }
0x83: {  	_ =	shalt  }
0x84: {  	_ =	shalt  }
0x85: {  	_ =	shalt  }
0x86: {  	_ =	shalt  }
0x87: {  	_ =	shalt  }
.Lfunc_end0:
.L_simem_size_0:
called_computation.1_lowered:
.L_overlay_start_0:
0x88: {  	s2 =	sld [smem:$0x3FD9]  }
0x89: {  	s3 =	sld [smem:$0x3FFE];
	_ =	sdelay $0x1  }
0x8a: {  	s1 =	srdreg.scid  }
0x8b: {  	s0 =	sand.u32 $0x1, s1  }
0x8c: {  	s17 =	sshll.u32 s0, $0xA;
	s2 =	sadd.s32 s3, s2  }
0x8d: {  	s2 =	sadd.s32 s2, s17  }
0x8e: {  	[smem:$0x3FC6] =	sst s2  }
0x8f: {  	_ = 	snop  }
0x90: {  	s2 =	sld [smem:$0x3FC9]  }
0x91: {  	s18 =	sld [smem:$0x3FD0];
	(tm) =	ssettm $0x1  }
0x92: {  	s4 =	sld [smem:$0x3FFB];
	_ =	sdelay $0x3  }
0x93: {  	_ =	strace s4  }
0x94: {  	s4 =	sld [smem:$0x3FFC];
	_ =	sdelay $0x3  }
0x95: {  	_ =	strace s4  }
0x96: {  	s4 =	sld [smem:$0x3FFD];
	_ =	sdelay $0x3  }
0x97: {  	_ =	strace s4  }
0x98: {  	_ =	strace $0x8FFFFFFF  }
0x99: {  	s19 =	sld [smem:$0x3FDB];
	_ =	sdelay $0x1  }
0x9a: {  	s5 =	simm.s32 $_scs_section_size  }
0x9b: {  	s6 =	simm.s32 $_size__tile_overlayer_lowered;
	s7 =	simm.s32 $_tile_overlayer_lowered  }
0x9c: {  	s22 =	simm.s32 $0x1BFF;
	s21 =	sshll.u32 s7, $0x1;
	s4 =	sadd.s32 s5, s19  }
0x9d: {  	s8 =	simm.s32 $0x0;
	s20 =	sshll.u32 s6, $0x1;
	s6 =	sadd.s32 s21, s4  }
0x9e: {  	[timem:s8], [sflag:s22] =	dma.local [hbm:s6], s20  }
0x9f: {  	_ =	swait.ge [sflag:s22], s20  }
0xa0: {  	s5 =	ssub.s32 $0x0, s20;
	[sflag:s22] =	ssyncset.done $0x0  }
0xa1: {  	[sflag:s22] =	ssyncadd.s32 s5;
	_ =	sdelay $0x1  }
0xa2: {  	s23 =	simm.s32 $0x1B8B  }
0xa3: {  	_ =	swait.ge [sflag:s23], $0x1  }
0xa4: {  	[sflag:s23] =	ssyncset.done $0x0  }
0xa5: {  	s25 =	simm.s32 $0x1B8E;
	s24 =	sld [smem:$0x3FFE];
	[sflag:s23] =	ssyncadd.s32 $0xFFFFFFFF  }
0xa6: {  	s26 =	simm.s32 $execute0_lowered;
	[smem:$0x3FD2] =	sst s25  }
0xa7: {  	s6 =	sshll.u32 s26, $0x1;
	_ =	strace $0x80000046;
	[dreg:$0x1] =	wrdreg $0xFFFFFFFF  }
0xa8: {  	s28 =	simm.s32 $_size_execute0_lowered;
	s4 =	sadd.s32 s4, s6;
	[dreg:$0x0] =	wrdreg $0x0  }
0xa9: {  	s6 =	sshll.u32 s28, $0x1;
	[dreg:$0x2] =	wrdreg s4  }
0xaa: {  	[dreg:$0x3] =	wrdreg s6  }
0xab: {  	[dreg:$0x4] =	wrdreg $0xC0  }
0xac: {  	_ =	task [dreg:s8], $0x5FFFF  }
0xad: {  	[dreg:$0x1] =	wrdreg $0xFFFFFFFF  }
0xae: {  	[dreg:$0x0] =	wrdreg $0x60  }
0xaf: {  	[dreg:$0x2] =	wrdreg s2  }
0xb0: {  	[dreg:$0x3] =	wrdreg s24  }
0xb1: {  	[dreg:$0x4] =	wrdreg s18  }
0xb2: {  	[dreg:$0x5] =	wrdreg $0x9  }
0xb3: {  	_ =	task.clear_ibuf [dreg:s8], $0x6FFFF;
	_ =	strace $0x90000046  }
0xb4: {  	s29 =	simm.s32 $0x9;
	_ =	strace $0x80000048  }
0xb5: {  	_ =	swait.ge [sflag:s29], $0x1  }
0xb6: {  	[sflag:s29] =	ssyncadd.s32 $0xFFFFFFFF  }
0xb7: {  	_ =	strace $0x90000048  }
0xb8: {  	_ =	sfence  }
0xb9: {  	s30 =	sld [smem:$0x0];
	_ =	sdelay $0x2  }
0xba: {  	s31 =	sshll.u32 s1, $0xD;
	s1 =	sshrl.u32 s1, $0x2  }
0xbb: {  	s3 =	sand.u32 $0x4000, s31;
	s1 =	sadd.s32 s1, s30  }
0xbc: {  	s0 =	sor.u32 s3, s0;
	s1 =	sshll.u32 s1, $0x11  }
0xbd: {  	s0 =	sor.u32 s1, s0  }
0xbe: {  	s0 =	sadd.s32 $0x8F2B, s0  }
0xbf: {  	[sflag:s0] =	ssyncadd.remote.s32 $0x1  }
0xc0: {  	_ =	sfence.sel $0xFFFF  }
0xc1: {  	[dreg:$0x0] =	wrdreg $0xFFFFFFFF;
	(pc) =	sbr.abs _section_cstart, $3  }
0xc2: {  	[dreg:$0x1] =	wrdreg $0xFFFFFFFF  }
0xc3: {  	_ =	task.clear_ibuf [dreg:s8], $0x2FFFF;
	_ =	strace $0x9FFFFFFF  }
0xc4: {  	(tm) =	ssettm $0x7FFFFFFF  }
0xc5: {  	_ =	shalt  }
tec
execute0_lowered:
.L_overlay_start_1:
0x0: {  	(tag) =	ssettag $0x1  }
0x1: {  	s0 =	rddreg [dreg:$0x0]  }
0x2: {  	s1 =	rddreg [dreg:$0x1];
	s3 =	srdreg.scid  }
0x3: {  	s5 =	stileid.u32;
	s2 =	rddreg [dreg:$0x2];
	s14 =	simm.s32 $0x80  }
0x4: {  	s28 =	simm.s32 $0x14400;
	s29 =	simm.s32 $0x3;
	s30 =	simm.s32 $0x16400  }
0x5: {  	s31 =	simm.s32 $0x4;
	s17 =	simm.s32 $0x6;
	s19 =	simm.s32 $0x7  }
0x6: {  	s4 =	sand.u32 $0x1, s3;
	s5 =	sshll.u32 s5, $0x1;
	s3 =	simm.s32 $0x0  }
0x7: {  	s12 =	simm.s32 $0xA;
	s6 =	sor.u32 s4, s5;
	[smem:$0x7FF] =	sst s3  }
0x8: {  	s4 =	ssub.s32 $0x2, s4;
	s5 =	sadd.s32 $0xF42C00, s1;
	s8 =	smul.u32 $0x6400, s6  }
0x9: {  	s1 =	simm.s32 $0x18400;
	_ =	strace $0x80000047;
	s7 =	sshrl.u32 s4, $0x1  }
0xa: {  	s11 =	smul.u32 $0x190000, s6;
	s6 =	simm.s32 $0x9;
	s22 =	sor.u32 $0x80, s8  }
0xb: {  	s20 =	ssub.s32 s4, s7;
	s23 =	sor.u32 $0x100, s8;
	[dreg:$0x5] =	wrdreg s22  }
0xc: {  	s7 =	simm.s32 $0x0;
	s24 =	sor.u32 $0x180, s8;
	[dreg:$0x6] =	wrdreg s23  }
0xd: {  	s21 =	sshrl.u32 s8, $0x3;
	s25 =	sor.u32 $0x200, s8;
	[dreg:$0x7] =	wrdreg s24  }
0xe: {  	s10 =	smov.u32 s8;
	s26 =	smax.u32 s20, $0x1;
	[dreg:$0x8] =	wrdreg s25  }
0xf: {  	s0 =	sadd.s32 s0, s21;
	[dreg:$0x9] =	wrdreg s26;
	s23 =	simm.s32 $0x10400  }
0x10: {  	s24 =	simm.s32 $0x1;
	s25 =	simm.s32 $0x12400;
	s26 =	simm.s32 $0x2  }
0x11: {  	s21 =	simm.s32 $0x8;
	[dreg:$0x4] =	wrdreg s0;
	s0 =	simm.s32 $0x5  }
.LBB2_1:
0x12: {  	[dreg:$0xa] =	wrdreg s7  }
0x13: {  	s4 =	rddreg [dreg:$0x4];
	s7 =	simm.s32 $0xB  }
0x14: {  	[tilespmem:s3], [sflag:$0xB] =	stream.linear.gather [hbm4b:s4+s3], $0x6400, $0x38;
	[tilespmem:$0x1A400] =	vst v63  }
0x15: {  	_ =	swait.ge [sflag:s7], $0x6400  }
0x16: {  	[sflag:s7] =	ssyncset.done $0x0  }
0x17: {  	s8 =	simm.s32 $0x6400;
	[sflag:s7] =	ssyncadd.s32 $0xFFFF9C00  }
0x18: {  	[tilespmem:s8], [sflag:$0x1] =	stream.indirect.gather [hbm4b:s5+s14], $0x40, s3, s14, $0xb8;
	[tilespmem:$0x1A400] =	vst v63  }
0x19: {  	s9 =	simm.s32 $0x8400  }
0x1a: {  	[tilespmem:s9], [sflag:$0x2] =	stream.indirect.gather [hbm4b:s5+s14], $0x40, s14, s14, $0xb8;
	[tilespmem:$0x1A400] =	vst v63  }
0x1b: {  	s13 =	simm.s32 $0x100;
	s15 =	simm.s32 $0xA400  }
0x1c: {  	[tilespmem:s15], [sflag:$0x3] =	stream.indirect.gather [hbm4b:s5+s14], $0x40, s13, s14, $0xb8;
	[tilespmem:$0x1A400] =	vst v63  }
0x1d: {  	s16 =	simm.s32 $0x180;
	s18 =	simm.s32 $0xC400  }
0x1e: {  	[tilespmem:s18], [sflag:$0x4] =	stream.indirect.gather [hbm4b:s5+s14], $0x40, s16, s14, $0xb8;
	[tilespmem:$0x1A400] =	vst v63  }
0x1f: {  	s20 =	simm.s32 $0x200;
	s22 =	simm.s32 $0xE400;
	s13 =	simm.s32 $0x0  }
0x20: {  	[tilespmem:s22], [sflag:$0x5] =	stream.indirect.gather [hbm4b:s5+s14], $0x40, s20, s14, $0xb8;
	[tilespmem:$0x1A400] =	vst v63  }
.LBB2_2:
0x21: {  	s22 =	smul.u32 $0xA, s13;
	p0 =	seq.s32 s13, $0x0  }
0x22: {  	s4 =	simm.s32 @!p0 $0x6  }
0x23: {  	s15 =	sadd.s32 $0x5, s22;
	_ =	swait.ge @!p0 [sflag:s4], $0x2000  }
0x24: {  	[sflag:s4] =	ssyncset.done @!p0 $0x0;
	s7 =	sshll.u32 s15, $0x7  }
0x25: {  	[sflag:s4] =	ssyncadd.s32 @!p0 $0xFFFFE000;
	s20 =	sand.u32 $0x3FFFFF80, s7  }
0x26: {  	[tilespmem:s23], [sflag:$0x6] =	stream.indirect.gather [hbm4b:s5+s14], $0x40, s20, s14, $0xb8;
	[tilespmem:$0x1A400] =	vst v63  }
0x27: {  	_ =	swait.ge [sflag:s24], $0x2000  }
0x28: {  	[sflag:s24] =	ssyncset.done $0x0  }
0x29: {  	s16 =	simm.s32 $0x6480;
	[sflag:s24] =	ssyncadd.s32 $0xFFFFE000  }
0x2a: {  	v0 =	vld [tilespmem:s16+$0x70]  }
0x2b: {  	v1 =	vld [tilespmem:s16+$0xFFFFFF90]  }
0x2c: {  	v2 =	vld [tilespmem:s16+$0xFFFFFFA0]  }
0x2d: {  	v3 =	vld [tilespmem:s16+$0xFFFFFFB0]  }
0x2e: {  	v4 =	vld [tilespmem:s16+$0xFFFFFFC0]  }
0x2f: {  	v5 =	vld [tilespmem:s16+$0xFFFFFFD0];
	v0 =	vmul.f32 $8.000000000e+00, v0  }
0x30: {  	v6 =	vld [tilespmem:s16+$0xFFFFFFE0];
	v1 =	vmul.f32 $8.000000000e+00, v1  }
0x31: {  	v7 =	vld [tilespmem:s16+$0xFFFFFFF0];
	v2 =	vmul.f32 $8.000000000e+00, v2;
	[tilespmem:s16+$0x70] =	vst v0  }
0x32: {  	[tilespmem:s16+$0xFFFFFF90] =	vst v1;
	v0 =	vmul.f32 $8.000000000e+00, v3;
	v3 =	vld [tilespmem:s16+$0x0]  }
0x33: {  	[tilespmem:s16+$0xFFFFFFA0] =	vst v2;
	v1 =	vmul.f32 $8.000000000e+00, v4;
	v4 =	vld [tilespmem:s16+$0x10]  }
0x34: {  	v8 =	vld [tilespmem:s16+$0x20];
	v2 =	vmul.f32 $8.000000000e+00, v5;
	[tilespmem:s16+$0xFFFFFFB0] =	vst v0  }
0x35: {  	v5 =	vmul.f32 $8.000000000e+00, v6;
	[tilespmem:s16+$0xFFFFFFC0] =	vst v1;
	v0 =	vld [tilespmem:s16+$0x30]  }
0x36: {  	[tilespmem:s16+$0xFFFFFFD0] =	vst v2;
	v2 =	vmul.f32 $8.000000000e+00, v7;
	v1 =	vld [tilespmem:s16+$0x40]  }
0x37: {  	[tilespmem:s16+$0xFFFFFFE0] =	vst v5;
	v6 =	vmul.f32 $8.000000000e+00, v3;
	v3 =	vld [tilespmem:s16+$0x50]  }
0x38: {  	[tilespmem:s16+$0xFFFFFFF0] =	vst v2;
	v2 =	vld [tilespmem:s16+$0x60];
	v5 =	vmul.f32 $8.000000000e+00, v4  }
0x39: {  	s4 =	simm.s32 $0x0;
	s7 =	simm.s32 $0x6580;
	v4 =	vld [tilespmem:s16+$0xFFFFFF80];
	[tilespmem:s16+$0x0] =	vst v6;
	v6 =	vmul.f32 $8.000000000e+00, v8  }
.LBB2_3:
0x3a: {  	v7 =	vld [tilespmem:s7+$0x70];
	s4 =	sadd.s32 $0x4, s4;
	[tilespmem:s16+$0x10] =	vst v5;
	v0 =	vmul.f32 $8.000000000e+00, v0  }
0x3b: {  	v5 =	vld [tilespmem:s7+$0xFFFFFF90];
	p1 =	slt.u32 s4, $0x7C;
	[tilespmem:s16+$0x20] =	vst v6;
	v1 =	vmul.f32 $8.000000000e+00, v1  }
0x3c: {  	v6 =	vld [tilespmem:s7+$0xFFFFFFA0];
	[tilespmem:s16+$0x30] =	vst v0;
	v0 =	vmul.f32 $8.000000000e+00, v3  }
0x3d: {  	v3 =	vld [tilespmem:s7+$0xFFFFFFB0];
	[tilespmem:s16+$0x40] =	vst v1;
	v1 =	vmul.f32 $8.000000000e+00, v2  }
0x3e: {  	v2 =	vld [tilespmem:s7+$0xFFFFFFC0];
	v4 =	vmul.f32 $8.000000000e+00, v4;
	[tilespmem:s16+$0x50] =	vst v0  }
0x3f: {  	v0 =	vld [tilespmem:s7+$0xFFFFFFD0];
	v7 =	vmul.f32 $8.000000000e+00, v7;
	[tilespmem:s16+$0x60] =	vst v1  }
0x40: {  	v1 =	vmul.f32 $8.000000000e+00, v5;
	v5 =	vld [tilespmem:s7+$0xFFFFFFE0];
	[tilespmem:s16+$0xFFFFFF80] =	vst v4;
	s16 =	smov.u32 s7  }
0x41: {  	v4 =	vmul.f32 $8.000000000e+00, v6;
	v6 =	vld [tilespmem:s7+$0xFFFFFFF0];
	[tilespmem:s7+$0x70] =	vst v7  }
0x42: {  	[tilespmem:s7+$0xFFFFFF90] =	vst v1;
	v1 =	vmul.f32 $8.000000000e+00, v3;
	v3 =	vld [tilespmem:s7+$0x0]  }
0x43: {  	[tilespmem:s7+$0xFFFFFFA0] =	vst v4;
	v2 =	vmul.f32 $8.000000000e+00, v2;
	v4 =	vld [tilespmem:s7+$0x10]  }
0x44: {  	[tilespmem:s7+$0xFFFFFFB0] =	vst v1;
	v1 =	vmul.f32 $8.000000000e+00, v0;
	v7 =	vld [tilespmem:s7+$0x20]  }
.Ltmp0:
0x45: {  	[tilespmem:s7+$0xFFFFFFC0] =	vst v2;
	v2 =	vmul.f32 $8.000000000e+00, v5;
	v0 =	vld [tilespmem:s7+$0x30];
	(pc) =	sbr.rel @p1 .LBB2_3-.Ltmp0, $4  }
0x46: {  	[tilespmem:s7+$0xFFFFFFD0] =	vst v1;
	v5 =	vmul.f32 $8.000000000e+00, v6;
	v1 =	vld [tilespmem:s7+$0x40]  }
0x47: {  	[tilespmem:s7+$0xFFFFFFE0] =	vst v2;
	v6 =	vmul.f32 $8.000000000e+00, v3;
	v3 =	vld [tilespmem:s7+$0x50]  }
0x48: {  	[tilespmem:s7+$0xFFFFFFF0] =	vst v5;
	v5 =	vmul.f32 $8.000000000e+00, v4;
	v2 =	vld [tilespmem:s7+$0x60]  }
0x49: {  	s7 =	sadd.s32 $0x100, s7;
	v4 =	vld [tilespmem:s16+$0xFFFFFF80];
	[tilespmem:s16+$0x0] =	vst v6;
	v6 =	vmul.f32 $8.000000000e+00, v7  }
0x4a: {  	[tilespmem:s16+$0x10] =	vst v5;
	v0 =	vmul.f32 $8.000000000e+00, v0  }
0x4b: {  	[tilespmem:s16+$0x20] =	vst v6;
	v1 =	vmul.f32 $8.000000000e+00, v1  }
0x4c: {  	s7 =	smul.u32 $0x500, s13;
	[tilespmem:s16+$0x30] =	vst v0;
	v0 =	vmul.f32 $8.000000000e+00, v3  }
0x4d: {  	[tilespmem:s16+$0x40] =	vst v1;
	v1 =	vmul.f32 $8.000000000e+00, v2  }
0x4e: {  	s4 =	sadd.s32 s10, s7;
	v2 =	vmul.f32 $8.000000000e+00, v4;
	[tilespmem:s16+$0x50] =	vst v0  }
0x4f: {  	s4 =	sshll.u32 s4, $0x3;
	[tilespmem:s16+$0x60] =	vst v1  }
0x50: {  	s8 =	simm.s32 $0x6400;
	s4 =	sadd.s32 s2, s4;
	[tilespmem:s16+$0xFFFFFF80] =	vst v2  }
0x51: {  	[hbm4b:s4+s3] =	stream.linear.scatter [tilespmem:s8], [sflag:$0x1], $0x2000, $0x38;
	[tilespmem:$0x1A400] =	vst v63  }
0x52: {  	s4 =	simm.s32 @!p0 $0x7  }
0x53: {  	s16 =	sadd.s32 $0x6, s22;
	_ =	swait.ge @!p0 [sflag:s4], $0x2000  }
0x54: {  	s18 =	sshll.u32 s16, $0x7;
	[sflag:s4] =	ssyncset.done @!p0 $0x0  }
0x55: {  	s20 =	sand.u32 $0x3FFFFF80, s18;
	[sflag:s4] =	ssyncadd.s32 @!p0 $0xFFFFE000  }
0x56: {  	[tilespmem:s25], [sflag:$0x7] =	stream.indirect.gather [hbm4b:s5+s14], $0x40, s20, s14, $0xb8;
	[tilespmem:$0x1A400] =	vst v63  }
0x57: {  	_ =	swait.ge [sflag:s26], $0x2000  }
0x58: {  	[sflag:s26] =	ssyncset.done $0x0  }
0x59: {  	s18 =	simm.s32 $0x84F0;
	[sflag:s26] =	ssyncadd.s32 $0xFFFFE000  }
0x5a: {  	v0 =	vld [tilespmem:s18+$0x0]  }
0x5b: {  	v1 =	vld [tilespmem:s18+$0xFFFFFF20]  }
0x5c: {  	v2 =	vld [tilespmem:s18+$0xFFFFFF30]  }
0x5d: {  	v3 =	vld [tilespmem:s18+$0xFFFFFF40]  }
0x5e: {  	v4 =	vld [tilespmem:s18+$0xFFFFFF50]  }
0x5f: {  	v5 =	vld [tilespmem:s18+$0xFFFFFF60];
	v0 =	vmul.f32 $8.000000000e+00, v0  }
0x60: {  	v6 =	vld [tilespmem:s18+$0xFFFFFF70];
	v1 =	vmul.f32 $8.000000000e+00, v1  }
0x61: {  	v7 =	vld [tilespmem:s18+$0xFFFFFF80];
	v2 =	vmul.f32 $8.000000000e+00, v2;
	[tilespmem:s18+$0x0] =	vst v0  }
0x62: {  	[tilespmem:s18+$0xFFFFFF20] =	vst v1;
	v0 =	vmul.f32 $8.000000000e+00, v3;
	v3 =	vld [tilespmem:s18+$0xFFFFFF90]  }
0x63: {  	[tilespmem:s18+$0xFFFFFF30] =	vst v2;
	v1 =	vmul.f32 $8.000000000e+00, v4;
	v4 =	vld [tilespmem:s18+$0xFFFFFFA0]  }
0x64: {  	v8 =	vld [tilespmem:s18+$0xFFFFFFB0];
	v2 =	vmul.f32 $8.000000000e+00, v5;
	[tilespmem:s18+$0xFFFFFF40] =	vst v0  }
0x65: {  	v5 =	vmul.f32 $8.000000000e+00, v6;
	[tilespmem:s18+$0xFFFFFF50] =	vst v1;
	v0 =	vld [tilespmem:s18+$0xFFFFFFC0]  }
0x66: {  	v6 =	vmul.f32 $8.000000000e+00, v7;
	[tilespmem:s18+$0xFFFFFF60] =	vst v2;
	v1 =	vld [tilespmem:s18+$0xFFFFFFD0]  }
0x67: {  	[tilespmem:s18+$0xFFFFFF70] =	vst v5;
	v2 =	vld [tilespmem:s18+$0xFFFFFFE0];
	v7 =	vmul.f32 $8.000000000e+00, v3  }
0x68: {  	[tilespmem:s18+$0xFFFFFF80] =	vst v6;
	v3 =	vld [tilespmem:s18+$0xFFFFFFF0];
	v5 =	vmul.f32 $8.000000000e+00, v4  }
0x69: {  	s8 =	simm.s32 $0x85F0;
	s4 =	simm.s32 $0x0;
	v6 =	vmul.f32 $8.000000000e+00, v8;
	v4 =	vld [tilespmem:s18+$0xFFFFFF10];
	[tilespmem:s18+$0xFFFFFF90] =	vst v7  }
.LBB2_5:
0x6a: {  	v7 =	vld [tilespmem:s8+$0x0];
	s4 =	sadd.s32 $0x4, s4;
	[tilespmem:s18+$0xFFFFFFA0] =	vst v5;
	v0 =	vmul.f32 $8.000000000e+00, v0  }
0x6b: {  	v5 =	vld [tilespmem:s8+$0xFFFFFF20];
	p1 =	slt.u32 s4, $0x7C;
	[tilespmem:s18+$0xFFFFFFB0] =	vst v6;
	v1 =	vmul.f32 $8.000000000e+00, v1  }
0x6c: {  	v6 =	vld [tilespmem:s8+$0xFFFFFF30];
	[tilespmem:s18+$0xFFFFFFC0] =	vst v0;
	v0 =	vmul.f32 $8.000000000e+00, v2  }
0x6d: {  	v2 =	vld [tilespmem:s8+$0xFFFFFF40];
	[tilespmem:s18+$0xFFFFFFD0] =	vst v1;
	v1 =	vmul.f32 $8.000000000e+00, v3  }
0x6e: {  	v3 =	vld [tilespmem:s8+$0xFFFFFF50];
	v4 =	vmul.f32 $8.000000000e+00, v4;
	[tilespmem:s18+$0xFFFFFFE0] =	vst v0  }
0x6f: {  	v0 =	vld [tilespmem:s8+$0xFFFFFF60];
	v7 =	vmul.f32 $8.000000000e+00, v7;
	[tilespmem:s18+$0xFFFFFFF0] =	vst v1  }
0x70: {  	v1 =	vmul.f32 $8.000000000e+00, v5;
	v5 =	vld [tilespmem:s8+$0xFFFFFF70];
	[tilespmem:s18+$0xFFFFFF10] =	vst v4;
	s18 =	smov.u32 s8  }
0x71: {  	v4 =	vmul.f32 $8.000000000e+00, v6;
	v6 =	vld [tilespmem:s8+$0xFFFFFF80];
	[tilespmem:s8+$0x0] =	vst v7  }
0x72: {  	[tilespmem:s8+$0xFFFFFF20] =	vst v1;
	v1 =	vmul.f32 $8.000000000e+00, v2;
	v2 =	vld [tilespmem:s8+$0xFFFFFF90]  }
0x73: {  	[tilespmem:s8+$0xFFFFFF30] =	vst v4;
	v3 =	vmul.f32 $8.000000000e+00, v3;
	v4 =	vld [tilespmem:s8+$0xFFFFFFA0]  }
0x74: {  	[tilespmem:s8+$0xFFFFFF40] =	vst v1;
	v1 =	vmul.f32 $8.000000000e+00, v0;
	v7 =	vld [tilespmem:s8+$0xFFFFFFB0]  }
.Ltmp1:
0x75: {  	[tilespmem:s8+$0xFFFFFF50] =	vst v3;
	v3 =	vmul.f32 $8.000000000e+00, v5;
	v0 =	vld [tilespmem:s8+$0xFFFFFFC0];
	(pc) =	sbr.rel @p1 .LBB2_5-.Ltmp1, $4  }
0x76: {  	[tilespmem:s8+$0xFFFFFF60] =	vst v1;
	v5 =	vmul.f32 $8.000000000e+00, v6;
	v1 =	vld [tilespmem:s8+$0xFFFFFFD0]  }
0x77: {  	[tilespmem:s8+$0xFFFFFF70] =	vst v3;
	v6 =	vmul.f32 $8.000000000e+00, v2;
	v2 =	vld [tilespmem:s8+$0xFFFFFFE0]  }
0x78: {  	[tilespmem:s8+$0xFFFFFF80] =	vst v5;
	v5 =	vmul.f32 $8.000000000e+00, v4;
	v3 =	vld [tilespmem:s8+$0xFFFFFFF0]  }
0x79: {  	s8 =	sadd.s32 $0x100, s8;
	v4 =	vld [tilespmem:s18+$0xFFFFFF10];
	[tilespmem:s18+$0xFFFFFF90] =	vst v6;
	v6 =	vmul.f32 $8.000000000e+00, v7  }
0x7a: {  	[tilespmem:s18+$0xFFFFFFA0] =	vst v5;
	v0 =	vmul.f32 $8.000000000e+00, v0  }
0x7b: {  	[tilespmem:s18+$0xFFFFFFB0] =	vst v6;
	v1 =	vmul.f32 $8.000000000e+00, v1  }
0x7c: {  	[tilespmem:s18+$0xFFFFFFC0] =	vst v0  }
0x7d: {  	[tilespmem:s18+$0xFFFFFFD0] =	vst v1  }
0x7e: {  	v0 =	vmul.f32 $8.000000000e+00, v2;
	s4 =	rddreg [dreg:$0x5]  }
0x7f: {  	v1 =	vmul.f32 $8.000000000e+00, v3;
	s4 =	sadd.s32 s7, s4  }
0x80: {  	v2 =	vmul.f32 $8.000000000e+00, v4;
	[tilespmem:s18+$0xFFFFFFE0] =	vst v0;
	s4 =	sshll.u32 s4, $0x3  }
0x81: {  	[tilespmem:s18+$0xFFFFFFF0] =	vst v1;
	s4 =	sand.u32 $0x1FFFFC00, s4  }
0x82: {  	s8 =	simm.s32 $0x8400;
	[tilespmem:s18+$0xFFFFFF10] =	vst v2;
	s4 =	sadd.s32 s2, s4  }
0x83: {  	[hbm4b:s4+s3] =	stream.linear.scatter [tilespmem:s8], [sflag:$0x2], $0x2000, $0x38;
	[tilespmem:$0x1A400] =	vst v63  }
0x84: {  	s4 =	simm.s32 @!p0 $0x8  }
0x85: {  	s18 =	sadd.s32 $0x7, s22;
	_ =	swait.ge @!p0 [sflag:s4], $0x2000  }
0x86: {  	s9 =	sshll.u32 s18, $0x7;
	[sflag:s4] =	ssyncset.done @!p0 $0x0  }
0x87: {  	s20 =	sand.u32 $0x3FFFFF80, s9;
	[sflag:s4] =	ssyncadd.s32 @!p0 $0xFFFFE000  }
0x88: {  	[tilespmem:s28], [sflag:$0x8] =	stream.indirect.gather [hbm4b:s5+s14], $0x40, s20, s14, $0xb8;
	[tilespmem:$0x1A400] =	vst v63  }
0x89: {  	_ =	swait.ge [sflag:s29], $0x2000  }
0x8a: {  	[sflag:s29] =	ssyncset.done $0x0  }
0x8b: {  	s20 =	simm.s32 $0xA400;
	[sflag:s29] =	ssyncadd.s32 $0xFFFFE000  }
0x8c: {  	v0 =	vld [tilespmem:s20+$0xF0]  }
0x8d: {  	v1 =	vld [tilespmem:s20+$0x10]  }
0x8e: {  	v2 =	vld [tilespmem:s20+$0x20]  }
0x8f: {  	v3 =	vld [tilespmem:s20+$0x30]  }
0x90: {  	v4 =	vld [tilespmem:s20+$0x40]  }
0x91: {  	v5 =	vld [tilespmem:s20+$0x50];
	v0 =	vmul.f32 $8.000000000e+00, v0  }
0x92: {  	v6 =	vld [tilespmem:s20+$0x60];
	v1 =	vmul.f32 $8.000000000e+00, v1  }
0x93: {  	v7 =	vld [tilespmem:s20+$0x70];
	v2 =	vmul.f32 $8.000000000e+00, v2;
	[tilespmem:s20+$0xF0] =	vst v0  }
0x94: {  	[tilespmem:s20+$0x10] =	vst v1;
	v0 =	vmul.f32 $8.000000000e+00, v3;
	v3 =	vld [tilespmem:s20+$0x80]  }
0x95: {  	[tilespmem:s20+$0x20] =	vst v2;
	v1 =	vmul.f32 $8.000000000e+00, v4;
	v4 =	vld [tilespmem:s20+$0x90]  }
0x96: {  	v8 =	vld [tilespmem:s20+$0xA0];
	v2 =	vmul.f32 $8.000000000e+00, v5;
	[tilespmem:s20+$0x30] =	vst v0  }
0x97: {  	v5 =	vmul.f32 $8.000000000e+00, v6;
	[tilespmem:s20+$0x40] =	vst v1;
	v0 =	vld [tilespmem:s20+$0xB0]  }
0x98: {  	v6 =	vmul.f32 $8.000000000e+00, v7;
	[tilespmem:s20+$0x50] =	vst v2;
	v1 =	vld [tilespmem:s20+$0xC0]  }
0x99: {  	[tilespmem:s20+$0x60] =	vst v5;
	v2 =	vld [tilespmem:s20+$0xD0];
	v7 =	vmul.f32 $8.000000000e+00, v3  }
0x9a: {  	[tilespmem:s20+$0x70] =	vst v6;
	v3 =	vld [tilespmem:s20+$0xE0];
	v5 =	vmul.f32 $8.000000000e+00, v4  }
0x9b: {  	s8 =	simm.s32 $0xA500;
	s4 =	simm.s32 $0x0;
	v6 =	vmul.f32 $8.000000000e+00, v8;
	v4 =	vld [tilespmem:s20+$0x0];
	[tilespmem:s20+$0x80] =	vst v7  }
.LBB2_7:
0x9c: {  	v7 =	vld [tilespmem:s8+$0xF0];
	s4 =	sadd.s32 $0x4, s4;
	[tilespmem:s20+$0x90] =	vst v5;
	v0 =	vmul.f32 $8.000000000e+00, v0  }
0x9d: {  	v5 =	vld [tilespmem:s8+$0x10];
	p1 =	slt.u32 s4, $0x7C;
	[tilespmem:s20+$0xA0] =	vst v6;
	v1 =	vmul.f32 $8.000000000e+00, v1  }
0x9e: {  	v6 =	vld [tilespmem:s8+$0x20];
	[tilespmem:s20+$0xB0] =	vst v0;
	v0 =	vmul.f32 $8.000000000e+00, v2  }
0x9f: {  	v2 =	vld [tilespmem:s8+$0x30];
	[tilespmem:s20+$0xC0] =	vst v1;
	v1 =	vmul.f32 $8.000000000e+00, v3  }
0xa0: {  	v3 =	vld [tilespmem:s8+$0x40];
	v4 =	vmul.f32 $8.000000000e+00, v4;
	[tilespmem:s20+$0xD0] =	vst v0  }
0xa1: {  	v0 =	vld [tilespmem:s8+$0x50];
	v7 =	vmul.f32 $8.000000000e+00, v7;
	[tilespmem:s20+$0xE0] =	vst v1  }
0xa2: {  	v1 =	vmul.f32 $8.000000000e+00, v5;
	v5 =	vld [tilespmem:s8+$0x60];
	[tilespmem:s20+$0x0] =	vst v4;
	s20 =	smov.u32 s8  }
0xa3: {  	v4 =	vmul.f32 $8.000000000e+00, v6;
	v6 =	vld [tilespmem:s8+$0x70];
	[tilespmem:s8+$0xF0] =	vst v7  }
0xa4: {  	[tilespmem:s8+$0x10] =	vst v1;
	v1 =	vmul.f32 $8.000000000e+00, v2;
	v2 =	vld [tilespmem:s8+$0x80]  }
0xa5: {  	[tilespmem:s8+$0x20] =	vst v4;
	v3 =	vmul.f32 $8.000000000e+00, v3;
	v4 =	vld [tilespmem:s8+$0x90]  }
0xa6: {  	[tilespmem:s8+$0x30] =	vst v1;
	v1 =	vmul.f32 $8.000000000e+00, v0;
	v7 =	vld [tilespmem:s8+$0xA0]  }
.Ltmp2:
0xa7: {  	[tilespmem:s8+$0x40] =	vst v3;
	v3 =	vmul.f32 $8.000000000e+00, v5;
	v0 =	vld [tilespmem:s8+$0xB0];
	(pc) =	sbr.rel @p1 .LBB2_7-.Ltmp2, $4  }
0xa8: {  	[tilespmem:s8+$0x50] =	vst v1;
	v5 =	vmul.f32 $8.000000000e+00, v6;
	v1 =	vld [tilespmem:s8+$0xC0]  }
0xa9: {  	[tilespmem:s8+$0x60] =	vst v3;
	v6 =	vmul.f32 $8.000000000e+00, v2;
	v2 =	vld [tilespmem:s8+$0xD0]  }
0xaa: {  	[tilespmem:s8+$0x70] =	vst v5;
	v5 =	vmul.f32 $8.000000000e+00, v4;
	v3 =	vld [tilespmem:s8+$0xE0]  }
0xab: {  	s8 =	sadd.s32 $0x100, s8;
	v4 =	vld [tilespmem:s20+$0x0];
	[tilespmem:s20+$0x80] =	vst v6;
	v6 =	vmul.f32 $8.000000000e+00, v7  }
0xac: {  	[tilespmem:s20+$0x90] =	vst v5;
	v0 =	vmul.f32 $8.000000000e+00, v0  }
0xad: {  	[tilespmem:s20+$0xA0] =	vst v6;
	v1 =	vmul.f32 $8.000000000e+00, v1  }
0xae: {  	[tilespmem:s20+$0xB0] =	vst v0  }
0xaf: {  	[tilespmem:s20+$0xC0] =	vst v1  }
0xb0: {  	v0 =	vmul.f32 $8.000000000e+00, v2;
	s4 =	rddreg [dreg:$0x6]  }
0xb1: {  	v1 =	vmul.f32 $8.000000000e+00, v3;
	s4 =	sadd.s32 s7, s4  }
0xb2: {  	v2 =	vmul.f32 $8.000000000e+00, v4;
	[tilespmem:s20+$0xD0] =	vst v0;
	s4 =	sshll.u32 s4, $0x3  }
0xb3: {  	[tilespmem:s20+$0xE0] =	vst v1;
	s4 =	sand.u32 $0x1FFFF800, s4  }
0xb4: {  	s8 =	simm.s32 $0xA400;
	[tilespmem:s20+$0x0] =	vst v2;
	s4 =	sadd.s32 s2, s4  }
0xb5: {  	[hbm4b:s4+s3] =	stream.linear.scatter [tilespmem:s8], [sflag:$0x3], $0x2000, $0x38;
	[tilespmem:$0x1A400] =	vst v63  }
0xb6: {  	s4 =	simm.s32 @!p0 $0x9  }
0xb7: {  	s20 =	sadd.s32 $0x8, s22;
	_ =	swait.ge @!p0 [sflag:s4], $0x2000  }
0xb8: {  	s9 =	sshll.u32 s20, $0x7;
	[sflag:s4] =	ssyncset.done @!p0 $0x0  }
0xb9: {  	s9 =	sand.u32 $0x3FFFFF80, s9;
	[sflag:s4] =	ssyncadd.s32 @!p0 $0xFFFFE000  }
0xba: {  	[tilespmem:s30], [sflag:$0x9] =	stream.indirect.gather [hbm4b:s5+s14], $0x40, s9, s14, $0xb8;
	[tilespmem:$0x1A400] =	vst v63  }
0xbb: {  	_ =	swait.ge [sflag:s31], $0x2000  }
0xbc: {  	[sflag:s31] =	ssyncset.done $0x0  }
0xbd: {  	s4 =	simm.s32 $0xC400;
	[sflag:s31] =	ssyncadd.s32 $0xFFFFE000  }
0xbe: {  	v0 =	vld [tilespmem:s4+$0xF0]  }
0xbf: {  	v1 =	vld [tilespmem:s4+$0x10]  }
0xc0: {  	v2 =	vld [tilespmem:s4+$0x20]  }
0xc1: {  	v3 =	vld [tilespmem:s4+$0x30]  }
0xc2: {  	v4 =	vld [tilespmem:s4+$0x40]  }
0xc3: {  	v5 =	vld [tilespmem:s4+$0x50];
	v0 =	vmul.f32 $8.000000000e+00, v0  }
0xc4: {  	v6 =	vld [tilespmem:s4+$0x60];
	v1 =	vmul.f32 $8.000000000e+00, v1  }
0xc5: {  	v7 =	vld [tilespmem:s4+$0x70];
	v2 =	vmul.f32 $8.000000000e+00, v2;
	[tilespmem:s4+$0xF0] =	vst v0  }
0xc6: {  	[tilespmem:s4+$0x10] =	vst v1;
	v0 =	vmul.f32 $8.000000000e+00, v3;
	v3 =	vld [tilespmem:s4+$0x80]  }
0xc7: {  	[tilespmem:s4+$0x20] =	vst v2;
	v1 =	vmul.f32 $8.000000000e+00, v4;
	v4 =	vld [tilespmem:s4+$0x90]  }
0xc8: {  	v8 =	vld [tilespmem:s4+$0xA0];
	v2 =	vmul.f32 $8.000000000e+00, v5;
	[tilespmem:s4+$0x30] =	vst v0  }
0xc9: {  	v5 =	vmul.f32 $8.000000000e+00, v6;
	[tilespmem:s4+$0x40] =	vst v1;
	v0 =	vld [tilespmem:s4+$0xB0]  }
0xca: {  	v6 =	vmul.f32 $8.000000000e+00, v7;
	[tilespmem:s4+$0x50] =	vst v2;
	v1 =	vld [tilespmem:s4+$0xC0]  }
0xcb: {  	[tilespmem:s4+$0x60] =	vst v5;
	v2 =	vld [tilespmem:s4+$0xD0];
	v7 =	vmul.f32 $8.000000000e+00, v3  }
0xcc: {  	[tilespmem:s4+$0x70] =	vst v6;
	v3 =	vld [tilespmem:s4+$0xE0];
	v5 =	vmul.f32 $8.000000000e+00, v4  }
0xcd: {  	s8 =	simm.s32 $0x0;
	s9 =	simm.s32 $0xC500;
	v6 =	vmul.f32 $8.000000000e+00, v8;
	v4 =	vld [tilespmem:s4+$0x0];
	[tilespmem:s4+$0x80] =	vst v7  }
.LBB2_9:
0xce: {  	v7 =	vld [tilespmem:s9+$0xF0];
	s8 =	sadd.s32 $0x4, s8;
	[tilespmem:s4+$0x90] =	vst v5;
	v0 =	vmul.f32 $8.000000000e+00, v0  }
0xcf: {  	v5 =	vld [tilespmem:s9+$0x10];
	p1 =	slt.u32 s8, $0x7C;
	[tilespmem:s4+$0xA0] =	vst v6;
	v1 =	vmul.f32 $8.000000000e+00, v1  }
0xd0: {  	v6 =	vld [tilespmem:s9+$0x20];
	[tilespmem:s4+$0xB0] =	vst v0;
	v0 =	vmul.f32 $8.000000000e+00, v2  }
0xd1: {  	v2 =	vld [tilespmem:s9+$0x30];
	[tilespmem:s4+$0xC0] =	vst v1;
	v1 =	vmul.f32 $8.000000000e+00, v3  }
0xd2: {  	v3 =	vld [tilespmem:s9+$0x40];
	v4 =	vmul.f32 $8.000000000e+00, v4;
	[tilespmem:s4+$0xD0] =	vst v0  }
0xd3: {  	v0 =	vld [tilespmem:s9+$0x50];
	v7 =	vmul.f32 $8.000000000e+00, v7;
	[tilespmem:s4+$0xE0] =	vst v1  }
0xd4: {  	v1 =	vmul.f32 $8.000000000e+00, v5;
	v5 =	vld [tilespmem:s9+$0x60];
	[tilespmem:s4+$0x0] =	vst v4;
	s4 =	smov.u32 s9  }
0xd5: {  	v4 =	vmul.f32 $8.000000000e+00, v6;
	v6 =	vld [tilespmem:s9+$0x70];
	[tilespmem:s9+$0xF0] =	vst v7  }
0xd6: {  	[tilespmem:s9+$0x10] =	vst v1;
	v1 =	vmul.f32 $8.000000000e+00, v2;
	v2 =	vld [tilespmem:s9+$0x80]  }
0xd7: {  	[tilespmem:s9+$0x20] =	vst v4;
	v3 =	vmul.f32 $8.000000000e+00, v3;
	v4 =	vld [tilespmem:s9+$0x90]  }
0xd8: {  	[tilespmem:s9+$0x30] =	vst v1;
	v1 =	vmul.f32 $8.000000000e+00, v0;
	v7 =	vld [tilespmem:s9+$0xA0]  }
.Ltmp3:
0xd9: {  	[tilespmem:s9+$0x40] =	vst v3;
	v3 =	vmul.f32 $8.000000000e+00, v5;
	v0 =	vld [tilespmem:s9+$0xB0];
	(pc) =	sbr.rel @p1 .LBB2_9-.Ltmp3, $4  }
0xda: {  	[tilespmem:s9+$0x50] =	vst v1;
	v5 =	vmul.f32 $8.000000000e+00, v6;
	v1 =	vld [tilespmem:s9+$0xC0]  }
0xdb: {  	[tilespmem:s9+$0x60] =	vst v3;
	v6 =	vmul.f32 $8.000000000e+00, v2;
	v2 =	vld [tilespmem:s9+$0xD0]  }
0xdc: {  	[tilespmem:s9+$0x70] =	vst v5;
	v5 =	vmul.f32 $8.000000000e+00, v4;
	v3 =	vld [tilespmem:s9+$0xE0]  }
0xdd: {  	s9 =	sadd.s32 $0x100, s9;
	v4 =	vld [tilespmem:s4+$0x0];
	[tilespmem:s4+$0x80] =	vst v6;
	v6 =	vmul.f32 $8.000000000e+00, v7  }
0xde: {  	[tilespmem:s4+$0x90] =	vst v5;
	v0 =	vmul.f32 $8.000000000e+00, v0  }
0xdf: {  	[tilespmem:s4+$0xA0] =	vst v6;
	v1 =	vmul.f32 $8.000000000e+00, v1  }
0xe0: {  	[tilespmem:s4+$0xB0] =	vst v0  }
0xe1: {  	[tilespmem:s4+$0xC0] =	vst v1  }
0xe2: {  	v0 =	vmul.f32 $8.000000000e+00, v2;
	s8 =	rddreg [dreg:$0x7]  }
0xe3: {  	v1 =	vmul.f32 $8.000000000e+00, v3;
	s8 =	sadd.s32 s7, s8  }
0xe4: {  	v2 =	vmul.f32 $8.000000000e+00, v4;
	[tilespmem:s4+$0xD0] =	vst v0;
	s8 =	sshll.u32 s8, $0x3  }
0xe5: {  	[tilespmem:s4+$0xE0] =	vst v1;
	s8 =	sand.u32 $0x1FFFFC00, s8  }
0xe6: {  	s9 =	simm.s32 $0xC400;
	[tilespmem:s4+$0x0] =	vst v2;
	s4 =	simm.s32 @!p0 $0xA;
	s8 =	sadd.s32 s2, s8  }
0xe7: {  	[hbm4b:s8+s3] =	stream.linear.scatter [tilespmem:s9], [sflag:$0x4], $0x2000, $0x38;
	[tilespmem:$0x1A400] =	vst v63  }
0xe8: {  	s22 =	sadd.s32 $0x9, s22;
	_ =	swait.ge @!p0 [sflag:s4], $0x2000  }
0xe9: {  	s9 =	sshll.u32 s22, $0x7;
	[sflag:s4] =	ssyncset.done @!p0 $0x0  }
0xea: {  	s9 =	sand.u32 $0x3FFFFF80, s9;
	[sflag:s4] =	ssyncadd.s32 @!p0 $0xFFFFE000  }
0xeb: {  	[tilespmem:s1], [sflag:$0xA] =	stream.indirect.gather [hbm4b:s5+s14], $0x40, s9, s14, $0xb8;
	[tilespmem:$0x1A400] =	vst v63  }
0xec: {  	_ =	swait.ge [sflag:s0], $0x2000  }
0xed: {  	[sflag:s0] =	ssyncset.done $0x0  }
0xee: {  	s4 =	simm.s32 $0xE400;
	[sflag:s0] =	ssyncadd.s32 $0xFFFFE000  }
0xef: {  	v0 =	vld [tilespmem:s4+$0xF0]  }
0xf0: {  	v1 =	vld [tilespmem:s4+$0x10]  }
0xf1: {  	v2 =	vld [tilespmem:s4+$0x20]  }
0xf2: {  	v3 =	vld [tilespmem:s4+$0x30]  }
0xf3: {  	v4 =	vld [tilespmem:s4+$0x40]  }
0xf4: {  	v5 =	vld [tilespmem:s4+$0x50];
	v0 =	vmul.f32 $8.000000000e+00, v0  }
0xf5: {  	v6 =	vld [tilespmem:s4+$0x60];
	v1 =	vmul.f32 $8.000000000e+00, v1  }
0xf6: {  	v7 =	vld [tilespmem:s4+$0x70];
	v2 =	vmul.f32 $8.000000000e+00, v2;
	[tilespmem:s4+$0xF0] =	vst v0  }
0xf7: {  	[tilespmem:s4+$0x10] =	vst v1;
	v0 =	vmul.f32 $8.000000000e+00, v3;
	v3 =	vld [tilespmem:s4+$0x80]  }
0xf8: {  	[tilespmem:s4+$0x20] =	vst v2;
	v1 =	vmul.f32 $8.000000000e+00, v4;
	v4 =	vld [tilespmem:s4+$0x90]  }
0xf9: {  	v8 =	vld [tilespmem:s4+$0xA0];
	v2 =	vmul.f32 $8.000000000e+00, v5;
	[tilespmem:s4+$0x30] =	vst v0  }
0xfa: {  	v5 =	vmul.f32 $8.000000000e+00, v6;
	[tilespmem:s4+$0x40] =	vst v1;
	v0 =	vld [tilespmem:s4+$0xB0]  }
0xfb: {  	v6 =	vmul.f32 $8.000000000e+00, v7;
	[tilespmem:s4+$0x50] =	vst v2;
	v1 =	vld [tilespmem:s4+$0xC0]  }
0xfc: {  	[tilespmem:s4+$0x60] =	vst v5;
	v2 =	vld [tilespmem:s4+$0xD0];
	v7 =	vmul.f32 $8.000000000e+00, v3  }
0xfd: {  	[tilespmem:s4+$0x70] =	vst v6;
	v3 =	vld [tilespmem:s4+$0xE0];
	v5 =	vmul.f32 $8.000000000e+00, v4  }
0xfe: {  	s8 =	simm.s32 $0x0;
	s9 =	simm.s32 $0xE500;
	v6 =	vmul.f32 $8.000000000e+00, v8;
	v4 =	vld [tilespmem:s4+$0x0];
	[tilespmem:s4+$0x80] =	vst v7  }
.LBB2_11:
0xff: {  	v7 =	vld [tilespmem:s9+$0xF0];
	s8 =	sadd.s32 $0x4, s8;
	[tilespmem:s4+$0x90] =	vst v5;
	v0 =	vmul.f32 $8.000000000e+00, v0  }
0x100: {  	v5 =	vld [tilespmem:s9+$0x10];
	p0 =	slt.u32 s8, $0x7C;
	[tilespmem:s4+$0xA0] =	vst v6;
	v1 =	vmul.f32 $8.000000000e+00, v1  }
0x101: {  	v6 =	vld [tilespmem:s9+$0x20];
	[tilespmem:s4+$0xB0] =	vst v0;
	v0 =	vmul.f32 $8.000000000e+00, v2  }
0x102: {  	v2 =	vld [tilespmem:s9+$0x30];
	[tilespmem:s4+$0xC0] =	vst v1;
	v1 =	vmul.f32 $8.000000000e+00, v3  }
0x103: {  	v3 =	vld [tilespmem:s9+$0x40];
	v4 =	vmul.f32 $8.000000000e+00, v4;
	[tilespmem:s4+$0xD0] =	vst v0  }
0x104: {  	v0 =	vld [tilespmem:s9+$0x50];
	v7 =	vmul.f32 $8.000000000e+00, v7;
	[tilespmem:s4+$0xE0] =	vst v1  }
0x105: {  	v1 =	vmul.f32 $8.000000000e+00, v5;
	v5 =	vld [tilespmem:s9+$0x60];
	[tilespmem:s4+$0x0] =	vst v4;
	s4 =	smov.u32 s9  }
0x106: {  	v4 =	vmul.f32 $8.000000000e+00, v6;
	v6 =	vld [tilespmem:s9+$0x70];
	[tilespmem:s9+$0xF0] =	vst v7  }
0x107: {  	[tilespmem:s9+$0x10] =	vst v1;
	v1 =	vmul.f32 $8.000000000e+00, v2;
	v2 =	vld [tilespmem:s9+$0x80]  }
0x108: {  	[tilespmem:s9+$0x20] =	vst v4;
	v3 =	vmul.f32 $8.000000000e+00, v3;
	v4 =	vld [tilespmem:s9+$0x90]  }
0x109: {  	[tilespmem:s9+$0x30] =	vst v1;
	v1 =	vmul.f32 $8.000000000e+00, v0;
	v7 =	vld [tilespmem:s9+$0xA0]  }
.Ltmp4:
0x10a: {  	[tilespmem:s9+$0x40] =	vst v3;
	v3 =	vmul.f32 $8.000000000e+00, v5;
	v0 =	vld [tilespmem:s9+$0xB0];
	(pc) =	sbr.rel @p0 .LBB2_11-.Ltmp4, $4  }
0x10b: {  	[tilespmem:s9+$0x50] =	vst v1;
	v5 =	vmul.f32 $8.000000000e+00, v6;
	v1 =	vld [tilespmem:s9+$0xC0]  }
0x10c: {  	[tilespmem:s9+$0x60] =	vst v3;
	v6 =	vmul.f32 $8.000000000e+00, v2;
	v2 =	vld [tilespmem:s9+$0xD0]  }
0x10d: {  	[tilespmem:s9+$0x70] =	vst v5;
	v5 =	vmul.f32 $8.000000000e+00, v4;
	v3 =	vld [tilespmem:s9+$0xE0]  }
0x10e: {  	s9 =	sadd.s32 $0x100, s9;
	v4 =	vld [tilespmem:s4+$0x0];
	[tilespmem:s4+$0x80] =	vst v6;
	v6 =	vmul.f32 $8.000000000e+00, v7  }
0x10f: {  	[tilespmem:s4+$0x90] =	vst v5;
	v0 =	vmul.f32 $8.000000000e+00, v0  }
0x110: {  	[tilespmem:s4+$0xA0] =	vst v6;
	v1 =	vmul.f32 $8.000000000e+00, v1  }
0x111: {  	[tilespmem:s4+$0xB0] =	vst v0  }
0x112: {  	[tilespmem:s4+$0xC0] =	vst v1  }
0x113: {  	v0 =	vmul.f32 $8.000000000e+00, v2;
	s8 =	rddreg [dreg:$0x8]  }
0x114: {  	v1 =	vmul.f32 $8.000000000e+00, v3;
	s7 =	sadd.s32 s7, s8  }
0x115: {  	v2 =	vmul.f32 $8.000000000e+00, v4;
	[tilespmem:s4+$0xD0] =	vst v0;
	s7 =	sshll.u32 s7, $0x3  }
0x116: {  	s9 =	simm.s32 $0xE400;
	p0 =	seq.s32 s13, $0x13;
	[tilespmem:s4+$0xE0] =	vst v1;
	s7 =	sand.u32 $0x1FFFF800, s7  }
0x117: {  	[tilespmem:s4+$0x0] =	vst v2;
	s4 =	simm.s32 @!p0 $0x1;
	s8 =	sadd.s32 s2, s7;
	s7 =	smul.u32 @!p0 $0x1400, s13  }
0x118: {  	[hbm4b:s8+s3] =	stream.linear.scatter [tilespmem:s9], [sflag:$0x5], $0x2000, $0x38;
	[tilespmem:$0x1A400] =	vst v63  }
0x119: {  	_ =	swait.ge @!p0 [sflag:s4], $0x2000  }
0x11a: {  	s8 =	simm.s32 @!p0 $0x80;
	s7 =	sshra.s32 @!p0 s7, $0x2;
	[sflag:s4] =	ssyncset.done @!p0 $0x0  }
0x11b: {  	s9 =	simm.s32 @!p0 $0x6400;
	[sflag:s4] =	ssyncadd.s32 @!p0 $0xFFFFE000;
	s4 =	sadd.s32 @!p0 $0x500, s7  }
0x11c: {  	[tilespmem:s9], [sflag:$0x1] =	stream.indirect.gather @!p0 [hbm4b:s5+s8], $0x40, s4, s8, $0xb8;
	[tilespmem:$0x1A400] =	vst v63  }
0x11d: {  	_ =	swait.ge [sflag:s17], $0x2000  }
0x11e: {  	[sflag:s17] =	ssyncset.done $0x0  }
0x11f: {  	s4 =	simm.s32 $0x10400;
	[sflag:s17] =	ssyncadd.s32 $0xFFFFE000  }
0x120: {  	v0 =	vld [tilespmem:s4+$0xF0]  }
0x121: {  	v1 =	vld [tilespmem:s4+$0x10]  }
0x122: {  	v2 =	vld [tilespmem:s4+$0x20]  }
0x123: {  	v3 =	vld [tilespmem:s4+$0x30]  }
0x124: {  	v4 =	vld [tilespmem:s4+$0x40]  }
0x125: {  	v5 =	vld [tilespmem:s4+$0x50];
	v0 =	vmul.f32 $8.000000000e+00, v0  }
0x126: {  	v6 =	vld [tilespmem:s4+$0x60];
	v1 =	vmul.f32 $8.000000000e+00, v1  }
0x127: {  	v7 =	vld [tilespmem:s4+$0x70];
	v2 =	vmul.f32 $8.000000000e+00, v2;
	[tilespmem:s4+$0xF0] =	vst v0  }
0x128: {  	[tilespmem:s4+$0x10] =	vst v1;
	v0 =	vmul.f32 $8.000000000e+00, v3;
	v3 =	vld [tilespmem:s4+$0x80]  }
0x129: {  	[tilespmem:s4+$0x20] =	vst v2;
	v1 =	vmul.f32 $8.000000000e+00, v4;
	v4 =	vld [tilespmem:s4+$0x90]  }
0x12a: {  	v8 =	vld [tilespmem:s4+$0xA0];
	v2 =	vmul.f32 $8.000000000e+00, v5;
	[tilespmem:s4+$0x30] =	vst v0  }
0x12b: {  	v5 =	vmul.f32 $8.000000000e+00, v6;
	[tilespmem:s4+$0x40] =	vst v1;
	v0 =	vld [tilespmem:s4+$0xB0]  }
0x12c: {  	v6 =	vmul.f32 $8.000000000e+00, v7;
	[tilespmem:s4+$0x50] =	vst v2;
	v1 =	vld [tilespmem:s4+$0xC0]  }
0x12d: {  	[tilespmem:s4+$0x60] =	vst v5;
	v2 =	vld [tilespmem:s4+$0xD0];
	v7 =	vmul.f32 $8.000000000e+00, v3  }
0x12e: {  	[tilespmem:s4+$0x70] =	vst v6;
	v3 =	vld [tilespmem:s4+$0xE0];
	v5 =	vmul.f32 $8.000000000e+00, v4  }
0x12f: {  	s8 =	simm.s32 $0x0;
	s9 =	simm.s32 $0x10500;
	v6 =	vmul.f32 $8.000000000e+00, v8;
	v4 =	vld [tilespmem:s4+$0x0];
	[tilespmem:s4+$0x80] =	vst v7  }
.LBB2_13:
0x130: {  	v7 =	vld [tilespmem:s9+$0xF0];
	s8 =	sadd.s32 $0x4, s8;
	[tilespmem:s4+$0x90] =	vst v5;
	v0 =	vmul.f32 $8.000000000e+00, v0  }
0x131: {  	v5 =	vld [tilespmem:s9+$0x10];
	p1 =	slt.u32 s8, $0x7C;
	[tilespmem:s4+$0xA0] =	vst v6;
	v1 =	vmul.f32 $8.000000000e+00, v1  }
0x132: {  	v6 =	vld [tilespmem:s9+$0x20];
	[tilespmem:s4+$0xB0] =	vst v0;
	v0 =	vmul.f32 $8.000000000e+00, v2  }
0x133: {  	v2 =	vld [tilespmem:s9+$0x30];
	[tilespmem:s4+$0xC0] =	vst v1;
	v1 =	vmul.f32 $8.000000000e+00, v3  }
0x134: {  	v3 =	vld [tilespmem:s9+$0x40];
	v4 =	vmul.f32 $8.000000000e+00, v4;
	[tilespmem:s4+$0xD0] =	vst v0  }
0x135: {  	v0 =	vld [tilespmem:s9+$0x50];
	v7 =	vmul.f32 $8.000000000e+00, v7;
	[tilespmem:s4+$0xE0] =	vst v1  }
0x136: {  	v1 =	vmul.f32 $8.000000000e+00, v5;
	v5 =	vld [tilespmem:s9+$0x60];
	[tilespmem:s4+$0x0] =	vst v4;
	s4 =	smov.u32 s9  }
0x137: {  	v4 =	vmul.f32 $8.000000000e+00, v6;
	v6 =	vld [tilespmem:s9+$0x70];
	[tilespmem:s9+$0xF0] =	vst v7  }
0x138: {  	[tilespmem:s9+$0x10] =	vst v1;
	v1 =	vmul.f32 $8.000000000e+00, v2;
	v2 =	vld [tilespmem:s9+$0x80]  }
0x139: {  	[tilespmem:s9+$0x20] =	vst v4;
	v3 =	vmul.f32 $8.000000000e+00, v3;
	v4 =	vld [tilespmem:s9+$0x90]  }
0x13a: {  	[tilespmem:s9+$0x30] =	vst v1;
	v1 =	vmul.f32 $8.000000000e+00, v0;
	v7 =	vld [tilespmem:s9+$0xA0]  }
.Ltmp5:
0x13b: {  	[tilespmem:s9+$0x40] =	vst v3;
	v3 =	vmul.f32 $8.000000000e+00, v5;
	v0 =	vld [tilespmem:s9+$0xB0];
	(pc) =	sbr.rel @p1 .LBB2_13-.Ltmp5, $4  }
0x13c: {  	[tilespmem:s9+$0x50] =	vst v1;
	v5 =	vmul.f32 $8.000000000e+00, v6;
	v1 =	vld [tilespmem:s9+$0xC0]  }
0x13d: {  	[tilespmem:s9+$0x60] =	vst v3;
	v6 =	vmul.f32 $8.000000000e+00, v2;
	v2 =	vld [tilespmem:s9+$0xD0]  }
0x13e: {  	[tilespmem:s9+$0x70] =	vst v5;
	v5 =	vmul.f32 $8.000000000e+00, v4;
	v3 =	vld [tilespmem:s9+$0xE0]  }
0x13f: {  	s9 =	sadd.s32 $0x100, s9;
	v4 =	vld [tilespmem:s4+$0x0];
	[tilespmem:s4+$0x80] =	vst v6;
	v6 =	vmul.f32 $8.000000000e+00, v7  }
0x140: {  	[tilespmem:s4+$0x90] =	vst v5;
	v0 =	vmul.f32 $8.000000000e+00, v0  }
0x141: {  	[tilespmem:s4+$0xA0] =	vst v6;
	v1 =	vmul.f32 $8.000000000e+00, v1  }
0x142: {  	[tilespmem:s4+$0xB0] =	vst v0;
	v0 =	vmul.f32 $8.000000000e+00, v2  }
0x143: {  	s8 =	sshll.u32 s15, $0xD;
	[tilespmem:s4+$0xC0] =	vst v1;
	v1 =	vmul.f32 $8.000000000e+00, v3  }
0x144: {  	s8 =	sadd.s32 s11, s8;
	v2 =	vmul.f32 $8.000000000e+00, v4;
	[tilespmem:s4+$0xD0] =	vst v0  }
0x145: {  	s8 =	sshrl.u32 s8, $0x3;
	[tilespmem:s4+$0xE0] =	vst v1  }
0x146: {  	s15 =	sadd.s32 s2, s8;
	[tilespmem:s4+$0x0] =	vst v2;
	s4 =	simm.s32 @!p0 $0x2  }
0x147: {  	[hbm4b:s15+s3] =	stream.linear.scatter [tilespmem:s23], [sflag:$0x6], $0x2000, $0x38;
	[tilespmem:$0x1A400] =	vst v63  }
0x148: {  	_ =	swait.ge @!p0 [sflag:s4], $0x2000  }
0x149: {  	s9 =	simm.s32 @!p0 $0x8400;
	[sflag:s4] =	ssyncset.done @!p0 $0x0  }
0x14a: {  	s8 =	simm.s32 @!p0 $0x80;
	[sflag:s4] =	ssyncadd.s32 @!p0 $0xFFFFE000;
	s4 =	sadd.s32 @!p0 $0x580, s7  }
0x14b: {  	[tilespmem:s9], [sflag:$0x2] =	stream.indirect.gather @!p0 [hbm4b:s5+s8], $0x40, s4, s8, $0xb8;
	[tilespmem:$0x1A400] =	vst v63  }
0x14c: {  	_ =	swait.ge [sflag:s19], $0x2000  }
0x14d: {  	[sflag:s19] =	ssyncset.done $0x0  }
0x14e: {  	s4 =	simm.s32 $0x12400;
	[sflag:s19] =	ssyncadd.s32 $0xFFFFE000  }
0x14f: {  	v0 =	vld [tilespmem:s4+$0xF0]  }
0x150: {  	v1 =	vld [tilespmem:s4+$0x10]  }
0x151: {  	v2 =	vld [tilespmem:s4+$0x20]  }
0x152: {  	v3 =	vld [tilespmem:s4+$0x30]  }
0x153: {  	v4 =	vld [tilespmem:s4+$0x40]  }
0x154: {  	v5 =	vld [tilespmem:s4+$0x50];
	v0 =	vmul.f32 $8.000000000e+00, v0  }
0x155: {  	v6 =	vld [tilespmem:s4+$0x60];
	v1 =	vmul.f32 $8.000000000e+00, v1  }
0x156: {  	v7 =	vld [tilespmem:s4+$0x70];
	v2 =	vmul.f32 $8.000000000e+00, v2;
	[tilespmem:s4+$0xF0] =	vst v0  }
0x157: {  	[tilespmem:s4+$0x10] =	vst v1;
	v0 =	vmul.f32 $8.000000000e+00, v3;
	v3 =	vld [tilespmem:s4+$0x80]  }
0x158: {  	[tilespmem:s4+$0x20] =	vst v2;
	v1 =	vmul.f32 $8.000000000e+00, v4;
	v4 =	vld [tilespmem:s4+$0x90]  }
0x159: {  	v8 =	vld [tilespmem:s4+$0xA0];
	v2 =	vmul.f32 $8.000000000e+00, v5;
	[tilespmem:s4+$0x30] =	vst v0  }
0x15a: {  	v5 =	vmul.f32 $8.000000000e+00, v6;
	[tilespmem:s4+$0x40] =	vst v1;
	v0 =	vld [tilespmem:s4+$0xB0]  }
0x15b: {  	v6 =	vmul.f32 $8.000000000e+00, v7;
	[tilespmem:s4+$0x50] =	vst v2;
	v1 =	vld [tilespmem:s4+$0xC0]  }
0x15c: {  	[tilespmem:s4+$0x60] =	vst v5;
	v2 =	vld [tilespmem:s4+$0xD0];
	v7 =	vmul.f32 $8.000000000e+00, v3  }
0x15d: {  	[tilespmem:s4+$0x70] =	vst v6;
	v3 =	vld [tilespmem:s4+$0xE0];
	v5 =	vmul.f32 $8.000000000e+00, v4  }
0x15e: {  	s8 =	simm.s32 $0x0;
	s9 =	simm.s32 $0x12500;
	v6 =	vmul.f32 $8.000000000e+00, v8;
	v4 =	vld [tilespmem:s4+$0x0];
	[tilespmem:s4+$0x80] =	vst v7  }
.LBB2_15:
0x15f: {  	v7 =	vld [tilespmem:s9+$0xF0];
	s8 =	sadd.s32 $0x4, s8;
	[tilespmem:s4+$0x90] =	vst v5;
	v0 =	vmul.f32 $8.000000000e+00, v0  }
0x160: {  	v5 =	vld [tilespmem:s9+$0x10];
	p1 =	slt.u32 s8, $0x7C;
	[tilespmem:s4+$0xA0] =	vst v6;
	v1 =	vmul.f32 $8.000000000e+00, v1  }
0x161: {  	v6 =	vld [tilespmem:s9+$0x20];
	[tilespmem:s4+$0xB0] =	vst v0;
	v0 =	vmul.f32 $8.000000000e+00, v2  }
0x162: {  	v2 =	vld [tilespmem:s9+$0x30];
	[tilespmem:s4+$0xC0] =	vst v1;
	v1 =	vmul.f32 $8.000000000e+00, v3  }
0x163: {  	v3 =	vld [tilespmem:s9+$0x40];
	v4 =	vmul.f32 $8.000000000e+00, v4;
	[tilespmem:s4+$0xD0] =	vst v0  }
0x164: {  	v0 =	vld [tilespmem:s9+$0x50];
	v7 =	vmul.f32 $8.000000000e+00, v7;
	[tilespmem:s4+$0xE0] =	vst v1  }
0x165: {  	v1 =	vmul.f32 $8.000000000e+00, v5;
	v5 =	vld [tilespmem:s9+$0x60];
	[tilespmem:s4+$0x0] =	vst v4;
	s4 =	smov.u32 s9  }
0x166: {  	v4 =	vmul.f32 $8.000000000e+00, v6;
	v6 =	vld [tilespmem:s9+$0x70];
	[tilespmem:s9+$0xF0] =	vst v7  }
0x167: {  	[tilespmem:s9+$0x10] =	vst v1;
	v1 =	vmul.f32 $8.000000000e+00, v2;
	v2 =	vld [tilespmem:s9+$0x80]  }
0x168: {  	[tilespmem:s9+$0x20] =	vst v4;
	v3 =	vmul.f32 $8.000000000e+00, v3;
	v4 =	vld [tilespmem:s9+$0x90]  }
0x169: {  	[tilespmem:s9+$0x30] =	vst v1;
	v1 =	vmul.f32 $8.000000000e+00, v0;
	v7 =	vld [tilespmem:s9+$0xA0]  }
.Ltmp6:
0x16a: {  	[tilespmem:s9+$0x40] =	vst v3;
	v3 =	vmul.f32 $8.000000000e+00, v5;
	v0 =	vld [tilespmem:s9+$0xB0];
	(pc) =	sbr.rel @p1 .LBB2_15-.Ltmp6, $4  }
0x16b: {  	[tilespmem:s9+$0x50] =	vst v1;
	v5 =	vmul.f32 $8.000000000e+00, v6;
	v1 =	vld [tilespmem:s9+$0xC0]  }
0x16c: {  	[tilespmem:s9+$0x60] =	vst v3;
	v6 =	vmul.f32 $8.000000000e+00, v2;
	v2 =	vld [tilespmem:s9+$0xD0]  }
0x16d: {  	[tilespmem:s9+$0x70] =	vst v5;
	v5 =	vmul.f32 $8.000000000e+00, v4;
	v3 =	vld [tilespmem:s9+$0xE0]  }
0x16e: {  	s9 =	sadd.s32 $0x100, s9;
	v4 =	vld [tilespmem:s4+$0x0];
	[tilespmem:s4+$0x80] =	vst v6;
	v6 =	vmul.f32 $8.000000000e+00, v7  }
0x16f: {  	[tilespmem:s4+$0x90] =	vst v5;
	v0 =	vmul.f32 $8.000000000e+00, v0  }
0x170: {  	[tilespmem:s4+$0xA0] =	vst v6;
	v1 =	vmul.f32 $8.000000000e+00, v1  }
0x171: {  	[tilespmem:s4+$0xB0] =	vst v0;
	v0 =	vmul.f32 $8.000000000e+00, v2  }
0x172: {  	s8 =	sshll.u32 s16, $0xD;
	[tilespmem:s4+$0xC0] =	vst v1;
	v1 =	vmul.f32 $8.000000000e+00, v3  }
0x173: {  	s8 =	sadd.s32 s11, s8;
	v2 =	vmul.f32 $8.000000000e+00, v4;
	[tilespmem:s4+$0xD0] =	vst v0  }
0x174: {  	s8 =	sshrl.u32 s8, $0x3;
	[tilespmem:s4+$0xE0] =	vst v1  }
0x175: {  	s16 =	sadd.s32 s2, s8;
	[tilespmem:s4+$0x0] =	vst v2;
	s4 =	simm.s32 @!p0 $0x3  }
0x176: {  	[hbm4b:s16+s3] =	stream.linear.scatter [tilespmem:s25], [sflag:$0x7], $0x2000, $0x38;
	[tilespmem:$0x1A400] =	vst v63  }
0x177: {  	_ =	swait.ge @!p0 [sflag:s4], $0x2000  }
0x178: {  	s9 =	simm.s32 @!p0 $0xA400;
	[sflag:s4] =	ssyncset.done @!p0 $0x0  }
0x179: {  	s8 =	simm.s32 @!p0 $0x80;
	[sflag:s4] =	ssyncadd.s32 @!p0 $0xFFFFE000;
	s4 =	sadd.s32 @!p0 $0x600, s7  }
0x17a: {  	[tilespmem:s9], [sflag:$0x3] =	stream.indirect.gather @!p0 [hbm4b:s5+s8], $0x40, s4, s8, $0xb8;
	[tilespmem:$0x1A400] =	vst v63  }
0x17b: {  	_ =	swait.ge [sflag:s21], $0x2000  }
0x17c: {  	[sflag:s21] =	ssyncset.done $0x0  }
0x17d: {  	s4 =	simm.s32 $0x14400;
	[sflag:s21] =	ssyncadd.s32 $0xFFFFE000  }
0x17e: {  	v0 =	vld [tilespmem:s4+$0xF0]  }
0x17f: {  	v1 =	vld [tilespmem:s4+$0x10]  }
0x180: {  	v2 =	vld [tilespmem:s4+$0x20]  }
0x181: {  	v3 =	vld [tilespmem:s4+$0x30]  }
0x182: {  	v4 =	vld [tilespmem:s4+$0x40]  }
0x183: {  	v5 =	vld [tilespmem:s4+$0x50];
	v0 =	vmul.f32 $8.000000000e+00, v0  }
0x184: {  	v6 =	vld [tilespmem:s4+$0x60];
	v1 =	vmul.f32 $8.000000000e+00, v1  }
0x185: {  	v7 =	vld [tilespmem:s4+$0x70];
	v2 =	vmul.f32 $8.000000000e+00, v2;
	[tilespmem:s4+$0xF0] =	vst v0  }
0x186: {  	[tilespmem:s4+$0x10] =	vst v1;
	v0 =	vmul.f32 $8.000000000e+00, v3;
	v3 =	vld [tilespmem:s4+$0x80]  }
0x187: {  	[tilespmem:s4+$0x20] =	vst v2;
	v1 =	vmul.f32 $8.000000000e+00, v4;
	v4 =	vld [tilespmem:s4+$0x90]  }
0x188: {  	v8 =	vld [tilespmem:s4+$0xA0];
	v2 =	vmul.f32 $8.000000000e+00, v5;
	[tilespmem:s4+$0x30] =	vst v0  }
0x189: {  	v5 =	vmul.f32 $8.000000000e+00, v6;
	[tilespmem:s4+$0x40] =	vst v1;
	v0 =	vld [tilespmem:s4+$0xB0]  }
0x18a: {  	v6 =	vmul.f32 $8.000000000e+00, v7;
	[tilespmem:s4+$0x50] =	vst v2;
	v1 =	vld [tilespmem:s4+$0xC0]  }
0x18b: {  	[tilespmem:s4+$0x60] =	vst v5;
	v2 =	vld [tilespmem:s4+$0xD0];
	v7 =	vmul.f32 $8.000000000e+00, v3  }
0x18c: {  	[tilespmem:s4+$0x70] =	vst v6;
	v3 =	vld [tilespmem:s4+$0xE0];
	v5 =	vmul.f32 $8.000000000e+00, v4  }
0x18d: {  	s8 =	simm.s32 $0x0;
	s9 =	simm.s32 $0x14500;
	v6 =	vmul.f32 $8.000000000e+00, v8;
	v4 =	vld [tilespmem:s4+$0x0];
	[tilespmem:s4+$0x80] =	vst v7  }
.LBB2_17:
0x18e: {  	v7 =	vld [tilespmem:s9+$0xF0];
	s8 =	sadd.s32 $0x4, s8;
	[tilespmem:s4+$0x90] =	vst v5;
	v0 =	vmul.f32 $8.000000000e+00, v0  }
0x18f: {  	v5 =	vld [tilespmem:s9+$0x10];
	p1 =	slt.u32 s8, $0x7C;
	[tilespmem:s4+$0xA0] =	vst v6;
	v1 =	vmul.f32 $8.000000000e+00, v1  }
0x190: {  	v6 =	vld [tilespmem:s9+$0x20];
	[tilespmem:s4+$0xB0] =	vst v0;
	v0 =	vmul.f32 $8.000000000e+00, v2  }
0x191: {  	v2 =	vld [tilespmem:s9+$0x30];
	[tilespmem:s4+$0xC0] =	vst v1;
	v1 =	vmul.f32 $8.000000000e+00, v3  }
0x192: {  	v3 =	vld [tilespmem:s9+$0x40];
	v4 =	vmul.f32 $8.000000000e+00, v4;
	[tilespmem:s4+$0xD0] =	vst v0  }
0x193: {  	v0 =	vld [tilespmem:s9+$0x50];
	v7 =	vmul.f32 $8.000000000e+00, v7;
	[tilespmem:s4+$0xE0] =	vst v1  }
0x194: {  	v1 =	vmul.f32 $8.000000000e+00, v5;
	v5 =	vld [tilespmem:s9+$0x60];
	[tilespmem:s4+$0x0] =	vst v4;
	s4 =	smov.u32 s9  }
0x195: {  	v4 =	vmul.f32 $8.000000000e+00, v6;
	v6 =	vld [tilespmem:s9+$0x70];
	[tilespmem:s9+$0xF0] =	vst v7  }
0x196: {  	[tilespmem:s9+$0x10] =	vst v1;
	v1 =	vmul.f32 $8.000000000e+00, v2;
	v2 =	vld [tilespmem:s9+$0x80]  }
0x197: {  	[tilespmem:s9+$0x20] =	vst v4;
	v3 =	vmul.f32 $8.000000000e+00, v3;
	v4 =	vld [tilespmem:s9+$0x90]  }
0x198: {  	[tilespmem:s9+$0x30] =	vst v1;
	v1 =	vmul.f32 $8.000000000e+00, v0;
	v7 =	vld [tilespmem:s9+$0xA0]  }
.Ltmp7:
0x199: {  	[tilespmem:s9+$0x40] =	vst v3;
	v3 =	vmul.f32 $8.000000000e+00, v5;
	v0 =	vld [tilespmem:s9+$0xB0];
	(pc) =	sbr.rel @p1 .LBB2_17-.Ltmp7, $4  }
0x19a: {  	[tilespmem:s9+$0x50] =	vst v1;
	v5 =	vmul.f32 $8.000000000e+00, v6;
	v1 =	vld [tilespmem:s9+$0xC0]  }
0x19b: {  	[tilespmem:s9+$0x60] =	vst v3;
	v6 =	vmul.f32 $8.000000000e+00, v2;
	v2 =	vld [tilespmem:s9+$0xD0]  }
0x19c: {  	[tilespmem:s9+$0x70] =	vst v5;
	v5 =	vmul.f32 $8.000000000e+00, v4;
	v3 =	vld [tilespmem:s9+$0xE0]  }
0x19d: {  	s9 =	sadd.s32 $0x100, s9;
	v4 =	vld [tilespmem:s4+$0x0];
	[tilespmem:s4+$0x80] =	vst v6;
	v6 =	vmul.f32 $8.000000000e+00, v7  }
0x19e: {  	[tilespmem:s4+$0x90] =	vst v5;
	v0 =	vmul.f32 $8.000000000e+00, v0  }
0x19f: {  	[tilespmem:s4+$0xA0] =	vst v6;
	v1 =	vmul.f32 $8.000000000e+00, v1  }
0x1a0: {  	[tilespmem:s4+$0xB0] =	vst v0;
	v0 =	vmul.f32 $8.000000000e+00, v2  }
0x1a1: {  	s8 =	sshll.u32 s18, $0xD;
	[tilespmem:s4+$0xC0] =	vst v1;
	v1 =	vmul.f32 $8.000000000e+00, v3  }
0x1a2: {  	s8 =	sadd.s32 s11, s8;
	v2 =	vmul.f32 $8.000000000e+00, v4;
	[tilespmem:s4+$0xD0] =	vst v0  }
0x1a3: {  	s8 =	sshrl.u32 s8, $0x3;
	[tilespmem:s4+$0xE0] =	vst v1  }
0x1a4: {  	s18 =	sadd.s32 s2, s8;
	[tilespmem:s4+$0x0] =	vst v2;
	s4 =	simm.s32 @!p0 $0x4  }
0x1a5: {  	[hbm4b:s18+s3] =	stream.linear.scatter [tilespmem:s28], [sflag:$0x8], $0x2000, $0x38;
	[tilespmem:$0x1A400] =	vst v63  }
0x1a6: {  	_ =	swait.ge @!p0 [sflag:s4], $0x2000  }
0x1a7: {  	s9 =	simm.s32 @!p0 $0xC400;
	[sflag:s4] =	ssyncset.done @!p0 $0x0  }
0x1a8: {  	s8 =	simm.s32 @!p0 $0x80;
	[sflag:s4] =	ssyncadd.s32 @!p0 $0xFFFFE000;
	s4 =	sadd.s32 @!p0 $0x680, s7  }
0x1a9: {  	[tilespmem:s9], [sflag:$0x4] =	stream.indirect.gather @!p0 [hbm4b:s5+s8], $0x40, s4, s8, $0xb8;
	[tilespmem:$0x1A400] =	vst v63  }
0x1aa: {  	_ =	swait.ge [sflag:s6], $0x2000  }
0x1ab: {  	[sflag:s6] =	ssyncset.done $0x0  }
0x1ac: {  	s4 =	simm.s32 $0x16400;
	[sflag:s6] =	ssyncadd.s32 $0xFFFFE000  }
0x1ad: {  	v0 =	vld [tilespmem:s4+$0xF0]  }
0x1ae: {  	v1 =	vld [tilespmem:s4+$0x10]  }
0x1af: {  	v2 =	vld [tilespmem:s4+$0x20]  }
0x1b0: {  	v3 =	vld [tilespmem:s4+$0x30]  }
0x1b1: {  	v4 =	vld [tilespmem:s4+$0x40]  }
0x1b2: {  	v5 =	vld [tilespmem:s4+$0x50];
	v0 =	vmul.f32 $8.000000000e+00, v0  }
0x1b3: {  	v6 =	vld [tilespmem:s4+$0x60];
	v1 =	vmul.f32 $8.000000000e+00, v1  }
0x1b4: {  	v7 =	vld [tilespmem:s4+$0x70];
	v2 =	vmul.f32 $8.000000000e+00, v2;
	[tilespmem:s4+$0xF0] =	vst v0  }
0x1b5: {  	[tilespmem:s4+$0x10] =	vst v1;
	v0 =	vmul.f32 $8.000000000e+00, v3;
	v3 =	vld [tilespmem:s4+$0x80]  }
0x1b6: {  	[tilespmem:s4+$0x20] =	vst v2;
	v1 =	vmul.f32 $8.000000000e+00, v4;
	v4 =	vld [tilespmem:s4+$0x90]  }
0x1b7: {  	v8 =	vld [tilespmem:s4+$0xA0];
	v2 =	vmul.f32 $8.000000000e+00, v5;
	[tilespmem:s4+$0x30] =	vst v0  }
0x1b8: {  	v5 =	vmul.f32 $8.000000000e+00, v6;
	[tilespmem:s4+$0x40] =	vst v1;
	v0 =	vld [tilespmem:s4+$0xB0]  }
0x1b9: {  	v6 =	vmul.f32 $8.000000000e+00, v7;
	[tilespmem:s4+$0x50] =	vst v2;
	v1 =	vld [tilespmem:s4+$0xC0]  }
0x1ba: {  	[tilespmem:s4+$0x60] =	vst v5;
	v2 =	vld [tilespmem:s4+$0xD0];
	v7 =	vmul.f32 $8.000000000e+00, v3  }
0x1bb: {  	[tilespmem:s4+$0x70] =	vst v6;
	v3 =	vld [tilespmem:s4+$0xE0];
	v5 =	vmul.f32 $8.000000000e+00, v4  }
0x1bc: {  	s8 =	simm.s32 $0x0;
	s9 =	simm.s32 $0x16500;
	v6 =	vmul.f32 $8.000000000e+00, v8;
	v4 =	vld [tilespmem:s4+$0x0];
	[tilespmem:s4+$0x80] =	vst v7  }
.LBB2_19:
0x1bd: {  	v7 =	vld [tilespmem:s9+$0xF0];
	s8 =	sadd.s32 $0x4, s8;
	[tilespmem:s4+$0x90] =	vst v5;
	v0 =	vmul.f32 $8.000000000e+00, v0  }
0x1be: {  	v5 =	vld [tilespmem:s9+$0x10];
	p1 =	slt.u32 s8, $0x7C;
	[tilespmem:s4+$0xA0] =	vst v6;
	v1 =	vmul.f32 $8.000000000e+00, v1  }
0x1bf: {  	v6 =	vld [tilespmem:s9+$0x20];
	[tilespmem:s4+$0xB0] =	vst v0;
	v0 =	vmul.f32 $8.000000000e+00, v2  }
0x1c0: {  	v2 =	vld [tilespmem:s9+$0x30];
	[tilespmem:s4+$0xC0] =	vst v1;
	v1 =	vmul.f32 $8.000000000e+00, v3  }
0x1c1: {  	v3 =	vld [tilespmem:s9+$0x40];
	v4 =	vmul.f32 $8.000000000e+00, v4;
	[tilespmem:s4+$0xD0] =	vst v0  }
0x1c2: {  	v0 =	vld [tilespmem:s9+$0x50];
	v7 =	vmul.f32 $8.000000000e+00, v7;
	[tilespmem:s4+$0xE0] =	vst v1  }
0x1c3: {  	v1 =	vmul.f32 $8.000000000e+00, v5;
	v5 =	vld [tilespmem:s9+$0x60];
	[tilespmem:s4+$0x0] =	vst v4;
	s4 =	smov.u32 s9  }
0x1c4: {  	v4 =	vmul.f32 $8.000000000e+00, v6;
	v6 =	vld [tilespmem:s9+$0x70];
	[tilespmem:s9+$0xF0] =	vst v7  }
0x1c5: {  	[tilespmem:s9+$0x10] =	vst v1;
	v1 =	vmul.f32 $8.000000000e+00, v2;
	v2 =	vld [tilespmem:s9+$0x80]  }
0x1c6: {  	[tilespmem:s9+$0x20] =	vst v4;
	v3 =	vmul.f32 $8.000000000e+00, v3;
	v4 =	vld [tilespmem:s9+$0x90]  }
0x1c7: {  	[tilespmem:s9+$0x30] =	vst v1;
	v1 =	vmul.f32 $8.000000000e+00, v0;
	v7 =	vld [tilespmem:s9+$0xA0]  }
.Ltmp8:
0x1c8: {  	[tilespmem:s9+$0x40] =	vst v3;
	v3 =	vmul.f32 $8.000000000e+00, v5;
	v0 =	vld [tilespmem:s9+$0xB0];
	(pc) =	sbr.rel @p1 .LBB2_19-.Ltmp8, $4  }
0x1c9: {  	[tilespmem:s9+$0x50] =	vst v1;
	v5 =	vmul.f32 $8.000000000e+00, v6;
	v1 =	vld [tilespmem:s9+$0xC0]  }
0x1ca: {  	[tilespmem:s9+$0x60] =	vst v3;
	v6 =	vmul.f32 $8.000000000e+00, v2;
	v2 =	vld [tilespmem:s9+$0xD0]  }
0x1cb: {  	[tilespmem:s9+$0x70] =	vst v5;
	v5 =	vmul.f32 $8.000000000e+00, v4;
	v3 =	vld [tilespmem:s9+$0xE0]  }
0x1cc: {  	s9 =	sadd.s32 $0x100, s9;
	v4 =	vld [tilespmem:s4+$0x0];
	[tilespmem:s4+$0x80] =	vst v6;
	v6 =	vmul.f32 $8.000000000e+00, v7  }
0x1cd: {  	[tilespmem:s4+$0x90] =	vst v5;
	v0 =	vmul.f32 $8.000000000e+00, v0  }
0x1ce: {  	[tilespmem:s4+$0xA0] =	vst v6;
	v1 =	vmul.f32 $8.000000000e+00, v1  }
0x1cf: {  	[tilespmem:s4+$0xB0] =	vst v0;
	v0 =	vmul.f32 $8.000000000e+00, v2  }
0x1d0: {  	s8 =	sshll.u32 s20, $0xD;
	[tilespmem:s4+$0xC0] =	vst v1;
	v1 =	vmul.f32 $8.000000000e+00, v3  }
0x1d1: {  	s8 =	sadd.s32 s11, s8;
	v2 =	vmul.f32 $8.000000000e+00, v4;
	[tilespmem:s4+$0xD0] =	vst v0  }
0x1d2: {  	s8 =	sshrl.u32 s8, $0x3;
	[tilespmem:s4+$0xE0] =	vst v1  }
0x1d3: {  	s20 =	sadd.s32 s2, s8;
	[tilespmem:s4+$0x0] =	vst v2;
	s4 =	simm.s32 @!p0 $0x5  }
0x1d4: {  	[hbm4b:s20+s3] =	stream.linear.scatter [tilespmem:s30], [sflag:$0x9], $0x2000, $0x38;
	[tilespmem:$0x1A400] =	vst v63  }
0x1d5: {  	_ =	swait.ge @!p0 [sflag:s4], $0x2000  }
0x1d6: {  	s8 =	simm.s32 @!p0 $0xE400;
	[sflag:s4] =	ssyncset.done @!p0 $0x0  }
0x1d7: {  	[sflag:s4] =	ssyncadd.s32 @!p0 $0xFFFFE000;
	s4 =	sadd.s32 @!p0 $0x700, s7;
	s7 =	simm.s32 @!p0 $0x80  }
0x1d8: {  	[tilespmem:s8], [sflag:$0x5] =	stream.indirect.gather @!p0 [hbm4b:s5+s7], $0x40, s4, s7, $0xb8;
	[tilespmem:$0x1A400] =	vst v63  }
0x1d9: {  	_ =	swait.ge [sflag:s12], $0x2000  }
0x1da: {  	[sflag:s12] =	ssyncset.done $0x0  }
0x1db: {  	s4 =	simm.s32 $0x18400;
	[sflag:s12] =	ssyncadd.s32 $0xFFFFE000  }
0x1dc: {  	v0 =	vld [tilespmem:s4+$0xF0]  }
0x1dd: {  	v1 =	vld [tilespmem:s4+$0x10]  }
0x1de: {  	v2 =	vld [tilespmem:s4+$0x20]  }
0x1df: {  	v3 =	vld [tilespmem:s4+$0x30]  }
0x1e0: {  	v4 =	vld [tilespmem:s4+$0x40]  }
0x1e1: {  	v5 =	vld [tilespmem:s4+$0x50];
	v0 =	vmul.f32 $8.000000000e+00, v0  }
0x1e2: {  	v6 =	vld [tilespmem:s4+$0x60];
	v1 =	vmul.f32 $8.000000000e+00, v1  }
0x1e3: {  	v7 =	vld [tilespmem:s4+$0x70];
	v2 =	vmul.f32 $8.000000000e+00, v2;
	[tilespmem:s4+$0xF0] =	vst v0  }
0x1e4: {  	[tilespmem:s4+$0x10] =	vst v1;
	v0 =	vmul.f32 $8.000000000e+00, v3;
	v3 =	vld [tilespmem:s4+$0x80]  }
0x1e5: {  	[tilespmem:s4+$0x20] =	vst v2;
	v1 =	vmul.f32 $8.000000000e+00, v4;
	v4 =	vld [tilespmem:s4+$0x90]  }
0x1e6: {  	v8 =	vld [tilespmem:s4+$0xA0];
	v2 =	vmul.f32 $8.000000000e+00, v5;
	[tilespmem:s4+$0x30] =	vst v0  }
0x1e7: {  	v5 =	vmul.f32 $8.000000000e+00, v6;
	[tilespmem:s4+$0x40] =	vst v1;
	v0 =	vld [tilespmem:s4+$0xB0]  }
0x1e8: {  	v6 =	vmul.f32 $8.000000000e+00, v7;
	[tilespmem:s4+$0x50] =	vst v2;
	v1 =	vld [tilespmem:s4+$0xC0]  }
0x1e9: {  	[tilespmem:s4+$0x60] =	vst v5;
	v2 =	vld [tilespmem:s4+$0xD0];
	v7 =	vmul.f32 $8.000000000e+00, v3  }
0x1ea: {  	[tilespmem:s4+$0x70] =	vst v6;
	v3 =	vld [tilespmem:s4+$0xE0];
	v5 =	vmul.f32 $8.000000000e+00, v4  }
0x1eb: {  	s7 =	simm.s32 $0x0;
	s8 =	simm.s32 $0x18500;
	v6 =	vmul.f32 $8.000000000e+00, v8;
	v4 =	vld [tilespmem:s4+$0x0];
	[tilespmem:s4+$0x80] =	vst v7  }
.LBB2_21:
0x1ec: {  	v7 =	vld [tilespmem:s8+$0xF0];
	s7 =	sadd.s32 $0x4, s7;
	[tilespmem:s4+$0x90] =	vst v5;
	v0 =	vmul.f32 $8.000000000e+00, v0  }
0x1ed: {  	v5 =	vld [tilespmem:s8+$0x10];
	p0 =	slt.u32 s7, $0x7C;
	[tilespmem:s4+$0xA0] =	vst v6;
	v1 =	vmul.f32 $8.000000000e+00, v1  }
0x1ee: {  	v6 =	vld [tilespmem:s8+$0x20];
	[tilespmem:s4+$0xB0] =	vst v0;
	v0 =	vmul.f32 $8.000000000e+00, v2  }
0x1ef: {  	v2 =	vld [tilespmem:s8+$0x30];
	[tilespmem:s4+$0xC0] =	vst v1;
	v1 =	vmul.f32 $8.000000000e+00, v3  }
0x1f0: {  	v3 =	vld [tilespmem:s8+$0x40];
	v4 =	vmul.f32 $8.000000000e+00, v4;
	[tilespmem:s4+$0xD0] =	vst v0  }
0x1f1: {  	v0 =	vld [tilespmem:s8+$0x50];
	v7 =	vmul.f32 $8.000000000e+00, v7;
	[tilespmem:s4+$0xE0] =	vst v1  }
0x1f2: {  	v1 =	vmul.f32 $8.000000000e+00, v5;
	v5 =	vld [tilespmem:s8+$0x60];
	[tilespmem:s4+$0x0] =	vst v4;
	s4 =	smov.u32 s8  }
0x1f3: {  	v4 =	vmul.f32 $8.000000000e+00, v6;
	v6 =	vld [tilespmem:s8+$0x70];
	[tilespmem:s8+$0xF0] =	vst v7  }
0x1f4: {  	[tilespmem:s8+$0x10] =	vst v1;
	v1 =	vmul.f32 $8.000000000e+00, v2;
	v2 =	vld [tilespmem:s8+$0x80]  }
0x1f5: {  	[tilespmem:s8+$0x20] =	vst v4;
	v3 =	vmul.f32 $8.000000000e+00, v3;
	v4 =	vld [tilespmem:s8+$0x90]  }
0x1f6: {  	[tilespmem:s8+$0x30] =	vst v1;
	v1 =	vmul.f32 $8.000000000e+00, v0;
	v7 =	vld [tilespmem:s8+$0xA0]  }
.Ltmp9:
0x1f7: {  	[tilespmem:s8+$0x40] =	vst v3;
	v3 =	vmul.f32 $8.000000000e+00, v5;
	v0 =	vld [tilespmem:s8+$0xB0];
	(pc) =	sbr.rel @p0 .LBB2_21-.Ltmp9, $4  }
0x1f8: {  	[tilespmem:s8+$0x50] =	vst v1;
	v5 =	vmul.f32 $8.000000000e+00, v6;
	v1 =	vld [tilespmem:s8+$0xC0]  }
0x1f9: {  	[tilespmem:s8+$0x60] =	vst v3;
	v6 =	vmul.f32 $8.000000000e+00, v2;
	v2 =	vld [tilespmem:s8+$0xD0]  }
0x1fa: {  	[tilespmem:s8+$0x70] =	vst v5;
	v5 =	vmul.f32 $8.000000000e+00, v4;
	v3 =	vld [tilespmem:s8+$0xE0]  }
0x1fb: {  	s8 =	sadd.s32 $0x100, s8;
	v4 =	vld [tilespmem:s4+$0x0];
	[tilespmem:s4+$0x80] =	vst v6;
	v6 =	vmul.f32 $8.000000000e+00, v7  }
0x1fc: {  	[tilespmem:s4+$0x90] =	vst v5;
	v0 =	vmul.f32 $8.000000000e+00, v0  }
0x1fd: {  	s13 =	sadd.s32 $0x1, s13;
	[tilespmem:s4+$0xA0] =	vst v6;
	v1 =	vmul.f32 $8.000000000e+00, v1  }
0x1fe: {  	p0 =	sne.s32 s13, $0x14;
	[tilespmem:s4+$0xB0] =	vst v0;
	v61 =	vmul.f32 $8.000000000e+00, v2  }
.Ltmp10:
0x1ff: {  	s7 =	sshll.u32 s22, $0xD;
	[tilespmem:s4+$0xC0] =	vst v1;
	v62 =	vmul.f32 $8.000000000e+00, v3;
	(pc) =	sbr.rel @p0 .LBB2_2-.Ltmp10, $4  }
0x200: {  	s7 =	sadd.s32 s11, s7;
	v63 =	vmul.f32 $8.000000000e+00, v4;
	[tilespmem:s4+$0xD0] =	vst v61  }
0x201: {  	s7 =	sshrl.u32 s7, $0x3;
	[tilespmem:s4+$0xE0] =	vst v62  }
0x202: {  	s22 =	sadd.s32 s2, s7;
	[tilespmem:s4+$0x0] =	vst v63  }
0x203: {  	[hbm4b:s22+s3] =	stream.linear.scatter [tilespmem:s1], [sflag:$0xA], $0x2000, $0x38;
	[tilespmem:$0x1A400] =	vst v63  }
0x204: {  	_ =	swait.ge [sflag:s24], $0x2000  }
0x205: {  	[sflag:s24] =	ssyncset.done $0x0  }
0x206: {  	[sflag:s24] =	ssyncadd.s32 $0xFFFFE000  }
0x207: {  	_ =	swait.ge [sflag:s26], $0x2000  }
0x208: {  	[sflag:s26] =	ssyncset.done $0x0  }
0x209: {  	[sflag:s26] =	ssyncadd.s32 $0xFFFFE000  }
0x20a: {  	_ =	swait.ge [sflag:s29], $0x2000  }
0x20b: {  	[sflag:s29] =	ssyncset.done $0x0  }
0x20c: {  	[sflag:s29] =	ssyncadd.s32 $0xFFFFE000  }
0x20d: {  	_ =	swait.ge [sflag:s31], $0x2000  }
0x20e: {  	[sflag:s31] =	ssyncset.done $0x0  }
0x20f: {  	[sflag:s31] =	ssyncadd.s32 $0xFFFFE000  }
0x210: {  	_ =	swait.ge [sflag:s0], $0x2000  }
0x211: {  	[sflag:s0] =	ssyncset.done $0x0  }
0x212: {  	[sflag:s0] =	ssyncadd.s32 $0xFFFFE000  }
0x213: {  	_ =	swait.ge [sflag:s17], $0x2000  }
0x214: {  	[sflag:s17] =	ssyncset.done $0x0  }
0x215: {  	[sflag:s17] =	ssyncadd.s32 $0xFFFFE000  }
0x216: {  	_ =	swait.ge [sflag:s19], $0x2000  }
0x217: {  	[sflag:s19] =	ssyncset.done $0x0  }
0x218: {  	[sflag:s19] =	ssyncadd.s32 $0xFFFFE000  }
0x219: {  	_ =	swait.ge [sflag:s21], $0x2000  }
0x21a: {  	[sflag:s21] =	ssyncset.done $0x0  }
0x21b: {  	[sflag:s21] =	ssyncadd.s32 $0xFFFFE000  }
0x21c: {  	_ =	swait.ge [sflag:s6], $0x2000  }
0x21d: {  	[sflag:s6] =	ssyncset.done $0x0  }
0x21e: {  	[sflag:s6] =	ssyncadd.s32 $0xFFFFE000  }
0x21f: {  	_ =	swait.ge [sflag:s12], $0x2000  }
0x220: {  	s7 =	rddreg [dreg:$0xa]  }
0x221: {  	s4 =	rddreg [dreg:$0x9];
	s7 =	sadd.s32 $0x1, s7  }
0x222: {  	p0 =	sne.s32 s7, s4  }
.Ltmp11:
0x223: {  	_ = 	snop;
	(pc) =	sbr.rel @p0 .LBB2_1-.Ltmp11, $3  }
0x224: {  	_ =	sdelay $0x1  }
0x225: {  	[sflag:s12] =	ssyncset.done $0x0  }
0x226: {  	[sflag:s12] =	ssyncadd.s32 $0xFFFFE000  }
0x227: {  	_ =	sfence.sel $0x180000  }
0x228: {  	[bflag:$0x0] =	sbarrier.arrive $0xFFFF  }
0x229: {  	_ =	strace $0x90000047  }
0x22a: {  	s0 =	stileid.u32;
	[bflag:$0x2] =	sbarrier.arrive $0xFFFF  }
0x22b: {  	p0 =	sne.s32 s0, $0x0;
	s0 =	rddreg [dreg:$0x3]  }
0x22c: {  	s0 =	sadd.s32 @!p0 $0x100000, s0  }
0x22d: {  	[sflag:s0] =	ssyncadd.tile.s32 @!p0 $0x1;
	_ =	shalt  }
.Lfunc_end2:
_tile_overlayer_lowered:
.L_overlay_start_2:
0x22e: {  	(tag) =	ssettag $0x2  }
0x22f: {  	s0 =	rddreg [dreg:$0x0];
	s2 =	stileid.u32  }
0x230: {  	s1 =	rddreg [dreg:$0x1];
	p0 =	sne.s32 s2, $0x0  }
0x231: {  	s3 =	rddreg [dreg:$0x2];
	[bflag:$0x3] =	sbarrier.arrive $0xFFFF;
	s2 =	simm.s32 @!p0 $0x1C0B  }
0x232: {  	[timem:s3], [sflag:s2] =	dma.local @!p0 [hbm:s0], s1  }
0x233: {  	s0 =	simm.s32 @!p0 $0xB  }
0x234: {  	_ =	swait.ge @!p0 [sflag:s0], s1  }
0x235: {  	s1 =	ssub.s32 @!p0 $0x0, s1;
	[sflag:s0] =	ssyncset.done @!p0 $0x0  }
0x236: {  	[sflag:s0] =	ssyncadd.s32 @!p0 s1  }
0x237: {  	[bflag:$0x3] =	sbarrier.arrive $0xFFFF  }
0x238: {  	_ =	shalt  }

// kernel: sparse-core-data-format-call.cloned.1.call-start
scs
called_computation_lowered:
.L_overlay_start_0:
0x0: {  	s2 =	sld [smem:$0x3FD9]  }
0x1: {  	s3 =	sld [smem:$0x3FFE];
	_ =	sdelay $0x1  }
0x2: {  	s1 =	srdreg.scid  }
0x3: {  	s0 =	sand.u32 $0x1, s1  }
0x4: {  	s18 =	sshll.u32 s0, $0xA;
	s2 =	sadd.s32 s3, s2  }
0x5: {  	s2 =	sadd.s32 s2, s18  }
0x6: {  	[smem:$0x3FC6] =	sst s2  }
0x7: {  	_ = 	snop  }
0x8: {  	s2 =	sld [smem:$0x3FD0];
	(tm) =	ssettm $0x1  }
0x9: {  	s19 =	sld [smem:$0x3FFB];
	_ =	sdelay $0x3  }
0xa: {  	_ =	strace s19  }
0xb: {  	s3 =	sld [smem:$0x3FFC];
	_ =	sdelay $0x3  }
0xc: {  	_ =	strace s3  }
0xd: {  	s3 =	sld [smem:$0x3FFD];
	_ =	sdelay $0x3  }
0xe: {  	_ =	strace s3  }
0xf: {  	_ =	strace $0x8FFFFFFF  }
0x10: {  	s20 =	sld [smem:$0x3FDB];
	_ =	sdelay $0x1  }
0x11: {  	s4 =	simm.s32 $_scs_section_size  }
0x12: {  	s5 =	simm.s32 $_size__tile_overlayer_lowered;
	s6 =	simm.s32 $_tile_overlayer_lowered  }
0x13: {  	s23 =	simm.s32 $0x1BFF;
	s22 =	sshll.u32 s6, $0x1;
	s3 =	sadd.s32 s4, s20  }
0x14: {  	s7 =	simm.s32 $0x0;
	s21 =	sshll.u32 s5, $0x1;
	s5 =	sadd.s32 s22, s3  }
0x15: {  	[timem:s7], [sflag:s23] =	dma.local [hbm:s5], s21  }
0x16: {  	_ =	swait.ge [sflag:s23], s21  }
0x17: {  	s4 =	ssub.s32 $0x0, s21;
	[sflag:s23] =	ssyncset.done $0x0  }
0x18: {  	[sflag:s23] =	ssyncadd.s32 s4;
	_ =	sdelay $0x1  }
0x19: {  	s24 =	simm.s32 $0x1B8B  }
0x1a: {  	_ =	swait.ge [sflag:s24], $0x1  }
0x1b: {  	[sflag:s24] =	ssyncset.done $0x0  }
0x1c: {  	s26 =	simm.s32 $0x1B8E;
	s25 =	sld [smem:$0x3FFE];
	[sflag:s24] =	ssyncadd.s32 $0xFFFFFFFF  }
0x1d: {  	s27 =	simm.s32 $execute0_lowered;
	[smem:$0x3FD2] =	sst s26  }
0x1e: {  	s5 =	sshll.u32 s27, $0x1;
	_ =	strace $0x80000049;
	[dreg:$0x1] =	wrdreg $0xFFFFFFFF  }
0x1f: {  	s28 =	simm.s32 $_size_execute0_lowered;
	s3 =	sadd.s32 s3, s5;
	[dreg:$0x0] =	wrdreg $0x0  }
0x20: {  	s5 =	sshll.u32 s28, $0x1;
	[dreg:$0x2] =	wrdreg s3  }
0x21: {  	[dreg:$0x3] =	wrdreg s5  }
0x22: {  	[dreg:$0x4] =	wrdreg $0xC0  }
0x23: {  	_ =	task [dreg:s7], $0x5FFFF  }
0x24: {  	[dreg:$0x1] =	wrdreg $0xFFFFFFFF  }
0x25: {  	[dreg:$0x0] =	wrdreg $0x60  }
0x26: {  	[dreg:$0x2] =	wrdreg s25  }
0x27: {  	[dreg:$0x3] =	wrdreg s2  }
0x28: {  	[dreg:$0x4] =	wrdreg $0x9  }
0x29: {  	_ =	task.clear_ibuf [dreg:s7], $0x5FFFF;
	_ =	strace $0x90000049  }
0x2a: {  	s29 =	simm.s32 $0x9;
	_ =	strace $0x8000004B  }
0x2b: {  	_ =	swait.ge [sflag:s29], $0x1  }
0x2c: {  	[sflag:s29] =	ssyncadd.s32 $0xFFFFFFFF  }
0x2d: {  	_ =	strace $0x9000004B  }
0x2e: {  	_ =	sfence  }
0x2f: {  	s30 =	sld [smem:$0x0];
	_ =	sdelay $0x2  }
0x30: {  	s31 =	sshll.u32 s1, $0xD;
	s1 =	sshrl.u32 s1, $0x2  }
0x31: {  	s3 =	sand.u32 $0x4000, s31;
	s1 =	sadd.s32 s1, s30  }
0x32: {  	s0 =	sor.u32 s3, s0;
	s1 =	sshll.u32 s1, $0x11  }
0x33: {  	s0 =	sor.u32 s1, s0  }
0x34: {  	s0 =	sadd.s32 $0x8F2B, s0  }
0x35: {  	[sflag:s0] =	ssyncadd.remote.s32 $0x1  }
0x36: {  	_ =	sfence.sel $0xFFFF  }
0x37: {  	[dreg:$0x0] =	wrdreg $0xFFFFFFFF;
	(pc) =	sbr.abs _section_cstart, $3  }
0x38: {  	[dreg:$0x1] =	wrdreg $0xFFFFFFFF  }
0x39: {  	_ =	task.clear_ibuf [dreg:s7], $0x2FFFF;
	_ =	strace $0x9FFFFFFF  }
0x3a: {  	(tm) =	ssettm $0x7FFFFFFF  }
0x3b: {  	_ =	shalt  }
tec
execute0_lowered:
.L_overlay_start_1:
0x0: {  	(tag) =	ssettag $0x1  }
0x1: {  	s0 =	srdreg.scid  }
0x2: {  	s1 =	sshll.u32 s0, $0x4  }
0x3: {  	s4 =	rddreg [dreg:$0x0];
	s0 =	stileid.u32;
	s1 =	sand.u32 $0x10, s1  }
0x4: {  	s2 =	rddreg [dreg:$0x1];
	s7 =	simm.s32 $0x1;
	s1 =	sor.u32 s0, s1  }
0x5: {  	s8 =	simm.s32 $0x2;
	s11 =	simm.s32 $0x0;
	s3 =	sshll.u32 s1, $0x7  }
0x6: {  	s10 =	simm.s32 $0x0;
	s4 =	sadd.s32 $0x800, s4;
	s6 =	ssub.s32 $0xC8000, s3  }
.Ltmp0:
0x7: {  	s1 =	rddreg [dreg:$0x2];
	s5 =	sand.u32 $0xF80, s6;
	(pc) =	sbr.rel .LBB1_1-.Ltmp0, $4  }
0x8: {  	_ =	strace $0x8000004A;
	s9 =	smov.u32 s3;
	p0 =	sne.s32 s5, $0x0  }
0x9: {  	s6 =	sshrl.u32 s6, $0xC;
	s5 =	simm.s32 $0x1;
	s7 =	simm.s32 @!p0 $0x0  }
0xa: {  	[sflag:s5] =	ssyncpa.u1 $0x0;
	p0 =	por $0x0, $0x0;
	s6 =	sadd.s32 s7, s6  }
0xb: {  	[sflag:s8] =	ssyncpa.u1 $0x0;
	s8 =	simm.s32 $0x640000;
	s7 =	sadd.s32 $0x1, s6  }
.LBB1_4:
0xc: {  	s14 =	sshll.u32 s11, $0x3  }
0xd: {  	s30 =	sand.u32 $0x7F, s11;
	s15 =	sand.u32 $0xFFFFFC00, s14  }
0xe: {  	s11 =	sor.u32 s30, s15  }
0xf: {  	s15 =	smulhi.u32 $0x51EB851F, s11  }
0x10: {  	s14 =	smulhi.u32 $0x51EB851F, s14  }
0x11: {  	s15 =	sshrl.u32 s15, $0x12  }
0x12: {  	s14 =	sshrl.u32 s14, $0x12;
	s15 =	smul.u32 $0xC8000, s15  }
0x13: {  	s14 =	sand.u32 $0x3F, s14  }
0x14: {  	s14 =	smul.u32 $0x19000, s14;
	s11 =	ssub.s32 s11, s15  }
0x15: {  	[tilespmem:s13+$0x810 ss:$0x81] =	vst.msk $0xffff, v2;
	s15 =	sand.u32 $0x7, s11  }
0x16: {  	[tilespmem:s13+$0x1020 ss:$0x81] =	vst.msk $0xffff, v0;
	s14 =	sadd.s32 s2, s14;
	s11 =	sshrl.u32 s11, $0x3;
	s15 =	sshll.u32 s15, $0x12  }
0x17: {  	[tilespmem:s13+$0x0 ss:$0x81] =	vst.msk $0xffff, v1;
	s11 =	sadd.s32 s11, s14;
	s31 =	sor.u32 $0x400, s15  }
0x18: {  	[hbm4b:s11+s31] =	stream.strided.scatter [tilespmem:s12], [sflag:$0x2], $0x2000, s8, s31, $0x20;
	[tilespmem:$0x8080] =	vst v63  }
.LBB1_5:
0x19: {  	s13 =	sadd.s32 $0x1000, s9  }
0x1a: {  	p2 =	sgt.s32 s13, $0xC7FFF  }
0x1b: {  	s13 =	smov.u32 @p2 s3;
	p2 =	sne.s32 s10, s7  }
.Ltmp1:
0x1c: {  	p1 =	slt.u32 s10, $0x2;
	(pc) =	sbr.rel @!p2 .LBB1_6-.Ltmp1, $4  }
0x1d: {  	s12 =	simm.s32 @!p1 $0x2  }
0x1e: {  	s14 =	sadd.s32 $0x1, s10;
	_ =	swait.ge @!p1 [sflag:s12], $0x2000  }
0x1f: {  	s11 =	smov.u32 s9;
	p0 =	por !p0, !p0;
	[sflag:s12] =	ssyncset.done @!p1 $0x0  }
0x20: {  	s10 =	smov.u32 s14;
	s9 =	smov.u32 s13;
	[sflag:s12] =	ssyncadd.s32 @!p1 $0xFFFFE000  }
.LBB1_1:
0x21: {  	p1 =	sge.u32 s10, s6  }
0x22: {  	s12 =	sand.u32 @!p1 $0x1FFFFFF, s9  }
0x23: {  	s13 =	smulhi.u32 @!p1 $0x147AE15, s12;
	_ =	sdelay $0x1  }
0x24: {  	s13 =	sshrl.u32 @!p1 s13, $0xC  }
0x25: {  	s13 =	smul.u32 @!p1 $0xC8000, s13;
	_ =	sdelay $0x1  }
0x26: {  	s31 =	sadd.s32 $0xFFFFFFFF, s10;
	s14 =	sxor.u32 @!p1 $0xFFFFFFFF, s10;
	s12 =	ssub.s32 @!p1 s12, s13  }
0x27: {  	s15 =	simm.s32 @!p1 $0x80;
	s14 =	sshll.u32 @!p1 s14, $0xD;
	s12 =	sshll.u32 @!p1 s12, $0x4  }
0x28: {  	s13 =	sand.u32 @!p1 $0x2000, s14;
	s14 =	simm.s32 @!p1 $0x40;
	s12 =	sadd.s32 @!p1 s4, s12  }
0x29: {  	[tilespmem:s13], [sflag:$0x1] =	stream.strided.gather @!p1 [hbm4b:s12+s14], $0x2000, s15, s14, $0x38;
	[tilespmem:$0x8080] =	vst v63  }
0x2a: {  	p1 =	sge.u32 s31, s6  }
.Ltmp2:
0x2b: {  	_ = 	snop;
	(pc) =	sbr.rel @p1 .LBB1_5-.Ltmp2, $1  }
0x2c: {  	_ =	sdelay $0x3  }
0x2d: {  	s12 =	simm.s32 $0x1  }
0x2e: {  	_ =	swait.ge [sflag:s5], $0x2000;
	s12 =	simm.s32 @!p0 $0x0  }
0x2f: {  	[sflag:s5] =	ssyncset.done $0x0;
	s13 =	sshll.u32 s12, $0xD  }
0x30: {  	[sflag:s5] =	ssyncadd.s32 $0xFFFFE000;
	s16 =	sor.u32 $0x20, s13  }
0x31: {  	s12 =	smul.u32 $0x8100, s12;
	v3 =	vld [tilespmem:s16+$0x10]  }
0x32: {  	s30 =	sand.u32 $0x1, s10;
	v2 =	vld [tilespmem:s16+$0xFFFFFFF0]  }
0x33: {  	s13 =	smul.u32 $0x8100, s30;
	s12 =	sshrl.u32 s12, $0x2;
	v0 =	vld [tilespmem:s16+$0x0]  }
0x34: {  	v1 =	vld [tilespmem:s16+$0xFFFFFFE0];
	s14 =	sor.u32 $0x4000, s12  }
0x35: {  	s31 =	sshrl.u32 s13, $0x2;
	s13 =	sadd.s32 $0x0, s14  }
0x36: {  	s15 =	simm.s32 $0x4;
	s16 =	sadd.s32 $0x40, s16;
	s12 =	sor.u32 $0x4000, s31;
	[tilespmem:s13+$0x1830 ss:$0x81] =	vst.msk $0xffff, v3  }
.LBB1_3:
0x37: {  	v3 =	vld [tilespmem:s16+$0x10];
	p1 =	sne.s32 s15, $0x1FC;
	[tilespmem:s13+$0x810 ss:$0x81] =	vst.msk $0xffff, v2;
	s17 =	smov.u32 s15;
	s15 =	sadd.s32 $0x4, s15  }
.Ltmp3:
0x38: {  	v2 =	vld [tilespmem:s16+$0xFFFFFFF0];
	[tilespmem:s13+$0x1020 ss:$0x81] =	vst.msk $0xffff, v0;
	(pc) =	sbr.rel @p1 .LBB1_3-.Ltmp3, $4  }
0x39: {  	v0 =	vld [tilespmem:s16+$0x0];
	[tilespmem:s13+$0x0 ss:$0x81] =	vst.msk $0xffff, v1  }
0x3a: {  	s13 =	sshra.s32 s17, $0x2;
	v1 =	vld [tilespmem:s16+$0xFFFFFFE0]  }
0x3b: {  	s13 =	sadd.s32 s13, s14  }
0x3c: {  	s16 =	sadd.s32 $0x40, s16;
	[tilespmem:s13+$0x1830 ss:$0x81] =	vst.msk $0xffff, v3  }
.Ltmp4:
0x3d: {  	_ = 	snop;
	(pc) =	sbr.rel .LBB1_4-.Ltmp4, $1  }
0x3e: {  	_ =	sdelay $0x3  }
.LBB1_6:
0x3f: {  	_ =	sfence.sel $0x180000  }
0x40: {  	s2 =	simm.s32 $0x1;
	[bflag:$0x0] =	sbarrier.arrive $0xFFFF  }
0x41: {  	s31 =	simm.s32 $0x2;
	[sflag:s2] =	ssyncpa.u1 $0x1  }
0x42: {  	[sflag:s31] =	ssyncpa.u1 $0x1  }
0x43: {  	p0 =	sne.s32 s0, $0x0;
	_ =	strace $0x9000004A  }
0x44: {  	s0 =	sadd.s32 @!p0 $0x100000, s1;
	[bflag:$0x2] =	sbarrier.arrive $0xFFFF  }
0x45: {  	[sflag:s0] =	ssyncadd.tile.s32 @!p0 $0x1;
	_ =	shalt  }
.Lfunc_end1:
_tile_overlayer_lowered:
.L_overlay_start_2:
0x46: {  	(tag) =	ssettag $0x2  }
0x47: {  	s0 =	rddreg [dreg:$0x0];
	s2 =	stileid.u32  }
0x48: {  	s1 =	rddreg [dreg:$0x1];
	p0 =	sne.s32 s2, $0x0  }
0x49: {  	s3 =	rddreg [dreg:$0x2];
	[bflag:$0x3] =	sbarrier.arrive $0xFFFF;
	s2 =	simm.s32 @!p0 $0x1C01  }
0x4a: {  	[timem:s3], [sflag:s2] =	dma.local @!p0 [hbm:s0], s1  }
0x4b: {  	s0 =	simm.s32 @!p0 $0x1  }
0x4c: {  	_ =	swait.ge @!p0 [sflag:s0], s1  }
0x4d: {  	s1 =	ssub.s32 @!p0 $0x0, s1;
	[sflag:s0] =	ssyncset.done @!p0 $0x0  }
0x4e: {  	[sflag:s0] =	ssyncadd.s32 @!p0 s1  }
0x4f: {  	[bflag:$0x3] =	sbarrier.arrive $0xFFFF  }
0x50: {  	_ =	shalt  }

</sc_bundles>
